<compile_context>
chip_gen: v7x
topology: tpu7x:2x2x1
jax: 0.10.2.dev20260603
libtpu: 0.0.44.dev20260713+nightly
codegen_flags: <defaults>
</compile_context>

<pallas_src>
import functools

import jax
import jax.numpy as jnp
from jax import lax
from jax.experimental import pallas as pl
from jax.experimental.pallas import tpu as pltpu
from jax.experimental.pallas import tpu_sc as plsc

N_NODES = 10000
N_PAD = 10240
D = 128
N_REL = 64
E = 320000

NC = 2
NS = 16
NW = NC * NS
CH = 128
NCHUNKS = E // CH
PAIRS = (NCHUNKS // NW + 2) // 2
RPS = N_PAD // NS


def _mm_body(x_ref, wt_ref, y_ref):
    y_ref[...] = jnp.dot(x_ref[...], wt_ref[...],
                         preferred_element_type=jnp.float32)


def _node_linear(x, wt):
    blk = 2000
    return pl.pallas_call(
        _mm_body,
        grid=(N_NODES // blk,),
        in_specs=[
            pl.BlockSpec((blk, D), lambda i: (i, 0)),
            pl.BlockSpec((D, D), lambda i: (0, 0)),
        ],
        out_specs=pl.BlockSpec((blk, D), lambda i: (i, 0)),
        out_shape=jax.ShapeDtypeStruct((N_NODES, D), jnp.float32),
    )(x, wt)


def _sc_body(y_hbm, ed_hbm, ew_hbm, rtab_hbm, za_hbm, zd_hbm,
             acc_out, deg_out,
             acc_sh, deg_sh, rows0, rows1, ib0, ib1, wv0, wv1, rtab_v,
             sem_g0, sem_g1, sem_i0, sem_i1):
    cid = lax.axis_index("c")
    sid = lax.axis_index("s")
    wid = sid * NC + cid

    pltpu.sync_copy(rtab_hbm, rtab_v)
    pltpu.sync_copy(za_hbm, acc_sh.at[pl.ds(sid * RPS, RPS)])
    pltpu.sync_copy(zd_hbm, deg_sh.at[pl.ds(sid * RPS, RPS)])
    plsc.subcore_barrier()

    lanes = lax.iota(jnp.int32, 16)
    zeros16 = jnp.zeros((16,), jnp.int32)
    two16 = jnp.full((16,), 2, jnp.int32)

    def idx_start(c, ib, wv, sem):
        pltpu.async_copy(ed_hbm.at[c], ib, sem)
        pltpu.async_copy(ew_hbm.at[c], wv, sem)

    def idx_wait(c, ib, wv, sem):
        pltpu.make_async_copy(ed_hbm.at[c], ib, sem).wait()
        pltpu.make_async_copy(ew_hbm.at[c], wv, sem).wait()

    def g_start(ib, rows, sem):
        pltpu.async_copy(y_hbm.at[ib.at[0]], rows, sem)

    def g_wait(ib, rows, sem):
        pltpu.make_async_copy(y_hbm.at[ib.at[0]], rows, sem).wait()

    idx_start(wid, ib0, wv0, sem_i0)
    idx_start(wid + NW, ib1, wv1, sem_i1)
    idx_wait(wid, ib0, wv0, sem_i0)
    g_start(ib0, rows0, sem_g0)

    bufs = ((rows0, ib0, wv0, sem_g0, sem_i0),
            (rows1, ib1, wv1, sem_g1, sem_i1))

    def pair(tt, carry):
        for db in range(2):
            t = tt * 2 + db
            rows_b, ib_b, wv_b, sem_gb, sem_ib = bufs[db]
            rows_n, ib_n, wv_n, sem_gn, sem_in = bufs[1 - db]
            c = wid + t * NW

            @pl.when(c + NW < NCHUNKS)
            def _():
                idx_wait(c + NW, ib_n, wv_n, sem_in)
                g_start(ib_n, rows_n, sem_gn)

            @pl.when(c < NCHUNKS)
            def _():
                g_wait(ib_b, rows_b, sem_gb)

                @plsc.parallel_loop(0, CH, step=1, unroll=8)
                def _(e):
                    esplat = jnp.full((16,), e, jnp.int32)
                    wb = plsc.load_gather(wv_b, [zeros16, esplat])
                    rb = plsc.load_gather(ib_b, [two16, esplat])
                    for j in range(D // 16):
                        sl = (e, pl.ds(j * 16, 16))
                        rel = plsc.load_gather(rtab_v, [rb, lanes + (j * 16)])
                        rows_b[sl] = (rows_b[sl] + rel) * wb

                pltpu.sync_copy(wv_b.at[0], deg_sh.at[ib_b.at[1]], add=True)
                pltpu.sync_copy(rows_b, acc_sh.at[ib_b.at[1]], add=True)

            @pl.when(c + 2 * NW < NCHUNKS)
            def _():
                idx_start(c + 2 * NW, ib_b, wv_b, sem_ib)

        return carry

    lax.fori_loop(0, PAIRS, pair, 0)
    plsc.subcore_barrier()

    pltpu.sync_copy(acc_sh.at[pl.ds(sid * RPS, RPS)],
                    acc_out.at[cid, 0, pl.ds(sid * RPS, RPS)])
    pltpu.sync_copy(deg_sh.at[pl.ds(sid * RPS, RPS)],
                    deg_out.at[cid, 0, pl.ds(sid * RPS, RPS)])


@functools.cache
def _sc_agg():
    mesh = plsc.VectorSubcoreMesh(core_axis_name="c", subcore_axis_name="s")
    return pl.kernel(
        _sc_body,
        out_type=(
            jax.ShapeDtypeStruct((NC, 1, N_PAD, D), jnp.float32),
            jax.ShapeDtypeStruct((NC, 1, N_PAD), jnp.float32),
        ),
        mesh=mesh,
        compiler_params=pltpu.CompilerParams(needs_layout_passes=False),
        scratch_types=[
            pltpu.VMEM_SHARED((N_PAD, D), jnp.float32),
            pltpu.VMEM_SHARED((N_PAD,), jnp.float32),
            pltpu.VMEM((CH, D), jnp.float32),
            pltpu.VMEM((CH, D), jnp.float32),
            pltpu.VMEM((3, CH), jnp.int32),
            pltpu.VMEM((3, CH), jnp.int32),
            pltpu.VMEM((1, CH), jnp.float32),
            pltpu.VMEM((1, CH), jnp.float32),
            pltpu.VMEM((N_REL, D), jnp.float32),
            pltpu.SemaphoreType.DMA,
            pltpu.SemaphoreType.DMA,
            pltpu.SemaphoreType.DMA,
            pltpu.SemaphoreType.DMA,
        ],
    )


def _fin_body(acc_ref, deg_ref, b_ref, o_ref):
    acc = acc_ref[0, 0] + acc_ref[1, 0]
    deg = deg_ref[0] + deg_ref[1]
    num = acc + deg * b_ref[...]
    o_ref[...] = jnp.maximum(num / (deg + 1e-6), 0.0)


def _finalize(acc_p, deg_p, b2):
    blk = 2000
    return pl.pallas_call(
        _fin_body,
        grid=(N_NODES // blk,),
        in_specs=[
            pl.BlockSpec((NC, 1, blk, D), lambda i: (0, 0, i, 0)),
            pl.BlockSpec((NC, blk, 1), lambda i: (0, i, 0)),
            pl.BlockSpec((1, D), lambda i: (0, 0)),
        ],
        out_specs=pl.BlockSpec((blk, D), lambda i: (i, 0)),
        out_shape=jax.ShapeDtypeStruct((N_NODES, D), jnp.float32),
    )(acc_p, deg_p, b2)


def kernel(x, node_in, node_out, relation, edge_weight, W, b, rel_table):
    y = _node_linear(x, W.T)
    nin = node_in.astype(jnp.int32).reshape(NCHUNKS, CH)
    nout = node_out.astype(jnp.int32).reshape(NCHUNKS, CH)
    rel = relation.astype(jnp.int32).reshape(NCHUNKS, CH)
    ed = jnp.stack([nin, nout, rel], axis=1)
    ew = edge_weight.reshape(NCHUNKS, 1, CH)
    za = jnp.zeros((RPS, D), jnp.float32)
    zd = jnp.zeros((RPS,), jnp.float32)
    acc_p, deg_p = _sc_agg()(y, ed, ew, rel_table, za, zd)
    deg_p = deg_p.reshape(NC, N_PAD, 1)
    return _finalize(acc_p, deg_p, b.reshape(1, D))

# --- scband reference (transcript-rebuilt; emitter-appended) ---
"""Pipeline reference for scband-relational-graph-conv-75350906241166 (READ-ONLY COPY).

The authoritative reference and input builder live on the scoring server;
editing this copy changes nothing except your own understanding.
"""

import jax, jax.numpy as jnp
import numpy as np

N_NODES = 10000
N_EDGES = 320000
D_IN = 128
D_OUT = 128
N_REL = 64


def setup_inputs(seed: int = 0) -> dict:
    key = jax.random.key(seed)
    ks = jax.random.split(key, 8)
    x = jax.random.normal(ks[0], (N_NODES, D_IN), dtype=jnp.float32)
    node_in = jax.random.randint(ks[1], (N_EDGES,), 0, N_NODES, dtype=jnp.int64) if jax.config.read('jax_enable_x64') else jax.random.randint(ks[1], (N_EDGES,), 0, N_NODES, dtype=jnp.int32)
    node_out = jax.random.randint(ks[2], (N_EDGES,), 0, N_NODES, dtype=node_in.dtype)
    relation = jax.random.randint(ks[3], (N_EDGES,), 0, N_REL, dtype=node_in.dtype)
    edge_weight = jax.random.uniform(ks[4], (N_EDGES,), dtype=jnp.float32)
    # learned parameters (node_linear: W [out,in], b [out]; rel_emb table [num_relation, out])
    W = jax.random.normal(ks[5], (D_OUT, D_IN), dtype=jnp.float32) * (1.0 / np.sqrt(D_IN))
    b = jnp.zeros((D_OUT,), dtype=jnp.float32)
    rel_table = jax.random.normal(ks[6], (N_REL, D_OUT), dtype=jnp.float32) * 0.02
    return {"x": x, "node_in": node_in, "node_out": node_out, "relation": relation, "edge_weight": edge_weight, "W": W, "b": b, "rel_table": rel_table}


def reference(x, node_in, node_out, relation, edge_weight, W, b, rel_table):
    # message: node_linear(input[node_in]) + rel_emb(relation)
    gathered = jnp.take(x, node_in, axis=0)                      # [E, D_IN] gather
    message = gathered @ W.T + b                                  # linear
    message = message + jnp.take(rel_table, relation, axis=0)     # relation embedding lookup
    w = edge_weight[:, None]
    message = message * w
    # aggregate: scatter-add by destination node, degree-normalized
    update = jax.ops.segment_sum(message, node_out, num_segments=N_NODES)
    degree = jax.ops.segment_sum(edge_weight, node_out, num_segments=N_NODES) + 1e-6
    update = update / degree[:, None]
    # activation (no batch_norm since batch_norm=False)
    return jax.nn.relu(update)

if __name__ == "__main__":
    import jax
    _d = setup_inputs()
    print(jax.jit(kernel)(*tuple(_d.values())))

</pallas_src>

<mosaic_0001>
#map = affine_map<(d0, d1) -> (0, 0)>
#map1 = affine_map<(d0, d1) -> (0, 0, 0)>
#map2 = affine_map<(d0, d1) -> (0)>
#map3 = affine_map<(d0, d1) -> (0, 0, 0, 0)>
module attributes {stable_mosaic.version = 14 : i64} {
  func.func @_sc_body(%arg0: i32, %arg1: i32, %arg2: memref<10000x128xf32, #tpu.memory_space<hbm>>, %arg3: memref<2500x3x128xi32, #tpu.memory_space<hbm>>, %arg4: memref<2500x1x128xf32, #tpu.memory_space<hbm>>, %arg5: memref<64x128xf32, #tpu.memory_space<hbm>>, %arg6: memref<640x128xf32, #tpu.memory_space<hbm>>, %arg7: memref<640xf32, #tpu.memory_space<hbm>>, %arg8: memref<2x1x10240x128xf32, #tpu.memory_space<hbm>>, %arg9: memref<2x1x10240xf32, #tpu.memory_space<hbm>>, %arg10: memref<10240x128xf32, #tpu.memory_space<vmem_shared>>, %arg11: memref<10240xf32, #tpu.memory_space<vmem_shared>>, %arg12: memref<128x128xf32, #tpu.memory_space<vmem>>, %arg13: memref<128x128xf32, #tpu.memory_space<vmem>>, %arg14: memref<3x128xi32, #tpu.memory_space<vmem>>, %arg15: memref<3x128xi32, #tpu.memory_space<vmem>>, %arg16: memref<1x128xf32, #tpu.memory_space<vmem>>, %arg17: memref<1x128xf32, #tpu.memory_space<vmem>>, %arg18: memref<64x128xf32, #tpu.memory_space<vmem>>, %arg19: memref<!tpu.dma_semaphore, #tpu.memory_space<semaphore_mem>>, %arg20: memref<!tpu.dma_semaphore, #tpu.memory_space<semaphore_mem>>, %arg21: memref<!tpu.dma_semaphore, #tpu.memory_space<semaphore_mem>>, %arg22: memref<!tpu.dma_semaphore, #tpu.memory_space<semaphore_mem>>) attributes {dimension_semantics = [#tpu.dimension_semantics<core_parallel>, #tpu.dimension_semantics<subcore_parallel>], iteration_bounds = array<i64: 2, 16>, scalar_prefetch = 0 : i64, scratch_operands = 13 : i64, tpu.core_type = #tpu.core_type<sc_vector_subcore>, window_params = [{transform_indices = #map}, {transform_indices = #map1}, {transform_indices = #map1}, {transform_indices = #map}, {transform_indices = #map}, {transform_indices = #map2}, {transform_indices = #map3}, {transform_indices = #map1}]} {
    %mul3A = arith.constant 2 : i32
    %mul3A_0 = arith.muli %arg1, %mul3A : i32
    %add3A = arith.addi %mul3A_0, %arg0 : i32
    "tpu.region"() ({
      %run_scoped3A_78 = tpu.sem_alloc : memref<!tpu.dma_semaphore, #tpu.memory_space<semaphore_mem>>
      tpu.enqueue_dma source(%arg5 : memref<64x128xf32, #tpu.memory_space<hbm>>) target(%arg18 : memref<64x128xf32, #tpu.memory_space<vmem>>) target_semaphore(%run_scoped3A_78 : memref<!tpu.dma_semaphore, #tpu.memory_space<semaphore_mem>>)
      tpu.wait_dma2 semaphore(%run_scoped3A_78 : memref<!tpu.dma_semaphore, #tpu.memory_space<semaphore_mem>>) src(%arg5 : memref<64x128xf32, #tpu.memory_space<hbm>>) dst(%arg18 : memref<64x128xf32, #tpu.memory_space<vmem>>)
      tpu.yield
    }) : () -> ()
    %mul3A_1 = arith.constant 640 : i32
    %mul3A_2 = arith.muli %arg1, %mul3A_1 : i32
    "tpu.region"() ({
      %run_scoped3A_78 = tpu.sem_alloc : memref<!tpu.dma_semaphore, #tpu.memory_space<semaphore_mem>>
      %dma_start3A_79 = arith.constant 0 : i32
      %dma_start3A_80 = tpu.memref_slice %arg10[%mul3A_2, %dma_start3A_79] : memref<10240x128xf32, #tpu.memory_space<vmem_shared>> -> memref<640x128xf32, #tpu.memory_space<vmem_shared>>
      tpu.enqueue_dma source(%arg6 : memref<640x128xf32, #tpu.memory_space<hbm>>) target(%dma_start3A_80 : memref<640x128xf32, #tpu.memory_space<vmem_shared>>) target_semaphore(%run_scoped3A_78 : memref<!tpu.dma_semaphore, #tpu.memory_space<semaphore_mem>>)
      %dma_wait3A_81 = arith.constant 0 : i32
      %dma_wait3A_82 = tpu.memref_slice %arg10[%mul3A_2, %dma_wait3A_81] : memref<10240x128xf32, #tpu.memory_space<vmem_shared>> -> memref<640x128xf32, #tpu.memory_space<vmem_shared>>
      tpu.wait_dma2 semaphore(%run_scoped3A_78 : memref<!tpu.dma_semaphore, #tpu.memory_space<semaphore_mem>>) src(%arg6 : memref<640x128xf32, #tpu.memory_space<hbm>>) dst(%dma_wait3A_82 : memref<640x128xf32, #tpu.memory_space<vmem_shared>>)
      tpu.yield
    }) : () -> ()
    %mul3A_3 = arith.constant 640 : i32
    %mul3A_4 = arith.muli %arg1, %mul3A_3 : i32
    "tpu.region"() ({
      %run_scoped3A_78 = tpu.sem_alloc : memref<!tpu.dma_semaphore, #tpu.memory_space<semaphore_mem>>
      %dma_start3A_79 = tpu.memref_slice %arg11[%mul3A_4] : memref<10240xf32, #tpu.memory_space<vmem_shared>> -> memref<640xf32, #tpu.memory_space<vmem_shared>>
      tpu.enqueue_dma source(%arg7 : memref<640xf32, #tpu.memory_space<hbm>>) target(%dma_start3A_79 : memref<640xf32, #tpu.memory_space<vmem_shared>>) target_semaphore(%run_scoped3A_78 : memref<!tpu.dma_semaphore, #tpu.memory_space<semaphore_mem>>)
      %dma_wait3A_80 = tpu.memref_slice %arg11[%mul3A_4] : memref<10240xf32, #tpu.memory_space<vmem_shared>> -> memref<640xf32, #tpu.memory_space<vmem_shared>>
      tpu.wait_dma2 semaphore(%run_scoped3A_78 : memref<!tpu.dma_semaphore, #tpu.memory_space<semaphore_mem>>) src(%arg7 : memref<640xf32, #tpu.memory_space<hbm>>) dst(%dma_wait3A_80 : memref<640xf32, #tpu.memory_space<vmem_shared>>)
      tpu.yield
    }) : () -> ()
    %barrier3A = arith.constant 0 : index
    tpu.barrier barrier_id(%barrier3A)
    %iota3A = tpu.iota {dimensions = array<i32: 0>} : vector<16xi32>
    %broadcast_in_dim3A = arith.constant 0 : i32
    %broadcast_in_dim3A_5 = vector.broadcast %broadcast_in_dim3A : i32 to vector<16xi32>
    %broadcast_in_dim3A_6 = arith.constant 2 : i32
    %broadcast_in_dim3A_7 = vector.broadcast %broadcast_in_dim3A_6 : i32 to vector<16xi32>
    %dma_start3A = arith.constant 0 : i32
    %dma_start3A_8 = arith.constant 0 : i32
    %dma_start3A_9 = tpu.memref_slice %arg3[%add3A, %dma_start3A, %dma_start3A_8] : memref<2500x3x128xi32, #tpu.memory_space<hbm>> -> memref<1x3x128xi32, #tpu.memory_space<hbm>>
    %dma_start3A_10 = tpu.memref_squeeze %dma_start3A_9 : memref<1x3x128xi32, #tpu.memory_space<hbm>> -> memref<3x128xi32, #tpu.memory_space<hbm>>
    %dma_start3A_11 = arith.constant 0 : i32
    %dma_start3A_12 = arith.constant 0 : i32
    %dma_start3A_13 = tpu.memref_slice %arg3[%add3A, %dma_start3A_11, %dma_start3A_12] : memref<2500x3x128xi32, #tpu.memory_space<hbm>> -> memref<1x3x128xi32, #tpu.memory_space<hbm>>
    %dma_start3A_14 = tpu.memref_squeeze %dma_start3A_13 : memref<1x3x128xi32, #tpu.memory_space<hbm>> -> memref<3x128xi32, #tpu.memory_space<hbm>>
    tpu.enqueue_dma source(%dma_start3A_14 : memref<3x128xi32, #tpu.memory_space<hbm>>) target(%arg14 : memref<3x128xi32, #tpu.memory_space<vmem>>) target_semaphore(%arg21 : memref<!tpu.dma_semaphore, #tpu.memory_space<semaphore_mem>>)
    %dma_start3A_15 = arith.constant 0 : i32
    %dma_start3A_16 = arith.constant 0 : i32
    %dma_start3A_17 = tpu.memref_slice %arg4[%add3A, %dma_start3A_15, %dma_start3A_16] : memref<2500x1x128xf32, #tpu.memory_space<hbm>> -> memref<1x1x128xf32, #tpu.memory_space<hbm>>
    %dma_start3A_18 = tpu.memref_squeeze %dma_start3A_17 : memref<1x1x128xf32, #tpu.memory_space<hbm>> -> memref<1x128xf32, #tpu.memory_space<hbm>>
    %dma_start3A_19 = arith.constant 0 : i32
    %dma_start3A_20 = arith.constant 0 : i32
    %dma_start3A_21 = tpu.memref_slice %arg4[%add3A, %dma_start3A_19, %dma_start3A_20] : memref<2500x1x128xf32, #tpu.memory_space<hbm>> -> memref<1x1x128xf32, #tpu.memory_space<hbm>>
    %dma_start3A_22 = tpu.memref_squeeze %dma_start3A_21 : memref<1x1x128xf32, #tpu.memory_space<hbm>> -> memref<1x128xf32, #tpu.memory_space<hbm>>
    tpu.enqueue_dma source(%dma_start3A_22 : memref<1x128xf32, #tpu.memory_space<hbm>>) target(%arg16 : memref<1x128xf32, #tpu.memory_space<vmem>>) target_semaphore(%arg21 : memref<!tpu.dma_semaphore, #tpu.memory_space<semaphore_mem>>)
    %add3A_23 = arith.constant 32 : i32
    %add3A_24 = arith.addi %add3A, %add3A_23 : i32
    %dma_start3A_25 = arith.constant 0 : i32
    %dma_start3A_26 = arith.constant 0 : i32
    %dma_start3A_27 = tpu.memref_slice %arg3[%add3A_24, %dma_start3A_25, %dma_start3A_26] : memref<2500x3x128xi32, #tpu.memory_space<hbm>> -> memref<1x3x128xi32, #tpu.memory_space<hbm>>
    %dma_start3A_28 = tpu.memref_squeeze %dma_start3A_27 : memref<1x3x128xi32, #tpu.memory_space<hbm>> -> memref<3x128xi32, #tpu.memory_space<hbm>>
    %dma_start3A_29 = arith.constant 0 : i32
    %dma_start3A_30 = arith.constant 0 : i32
    %dma_start3A_31 = tpu.memref_slice %arg3[%add3A_24, %dma_start3A_29, %dma_start3A_30] : memref<2500x3x128xi32, #tpu.memory_space<hbm>> -> memref<1x3x128xi32, #tpu.memory_space<hbm>>
    %dma_start3A_32 = tpu.memref_squeeze %dma_start3A_31 : memref<1x3x128xi32, #tpu.memory_space<hbm>> -> memref<3x128xi32, #tpu.memory_space<hbm>>
    tpu.enqueue_dma source(%dma_start3A_32 : memref<3x128xi32, #tpu.memory_space<hbm>>) target(%arg15 : memref<3x128xi32, #tpu.memory_space<vmem>>) target_semaphore(%arg22 : memref<!tpu.dma_semaphore, #tpu.memory_space<semaphore_mem>>)
    %dma_start3A_33 = arith.constant 0 : i32
    %dma_start3A_34 = arith.constant 0 : i32
    %dma_start3A_35 = tpu.memref_slice %arg4[%add3A_24, %dma_start3A_33, %dma_start3A_34] : memref<2500x1x128xf32, #tpu.memory_space<hbm>> -> memref<1x1x128xf32, #tpu.memory_space<hbm>>
    %dma_start3A_36 = tpu.memref_squeeze %dma_start3A_35 : memref<1x1x128xf32, #tpu.memory_space<hbm>> -> memref<1x128xf32, #tpu.memory_space<hbm>>
    %dma_start3A_37 = arith.constant 0 : i32
    %dma_start3A_38 = arith.constant 0 : i32
    %dma_start3A_39 = tpu.memref_slice %arg4[%add3A_24, %dma_start3A_37, %dma_start3A_38] : memref<2500x1x128xf32, #tpu.memory_space<hbm>> -> memref<1x1x128xf32, #tpu.memory_space<hbm>>
    %dma_start3A_40 = tpu.memref_squeeze %dma_start3A_39 : memref<1x1x128xf32, #tpu.memory_space<hbm>> -> memref<1x128xf32, #tpu.memory_space<hbm>>
    tpu.enqueue_dma source(%dma_start3A_40 : memref<1x128xf32, #tpu.memory_space<hbm>>) target(%arg17 : memref<1x128xf32, #tpu.memory_space<vmem>>) target_semaphore(%arg22 : memref<!tpu.dma_semaphore, #tpu.memory_space<semaphore_mem>>)
    %dma_wait3A = arith.constant 0 : i32
    %dma_wait3A_41 = arith.constant 0 : i32
    %dma_wait3A_42 = tpu.memref_slice %arg3[%add3A, %dma_wait3A, %dma_wait3A_41] : memref<2500x3x128xi32, #tpu.memory_space<hbm>> -> memref<1x3x128xi32, #tpu.memory_space<hbm>>
    %dma_wait3A_43 = tpu.memref_squeeze %dma_wait3A_42 : memref<1x3x128xi32, #tpu.memory_space<hbm>> -> memref<3x128xi32, #tpu.memory_space<hbm>>
    %dma_wait3A_44 = arith.constant 0 : i32
    %dma_wait3A_45 = arith.constant 0 : i32
    %dma_wait3A_46 = tpu.memref_slice %arg3[%add3A, %dma_wait3A_44, %dma_wait3A_45] : memref<2500x3x128xi32, #tpu.memory_space<hbm>> -> memref<1x3x128xi32, #tpu.memory_space<hbm>>
    %dma_wait3A_47 = tpu.memref_squeeze %dma_wait3A_46 : memref<1x3x128xi32, #tpu.memory_space<hbm>> -> memref<3x128xi32, #tpu.memory_space<hbm>>
    tpu.wait_dma2 semaphore(%arg21 : memref<!tpu.dma_semaphore, #tpu.memory_space<semaphore_mem>>) src(%dma_wait3A_47 : memref<3x128xi32, #tpu.memory_space<hbm>>) dst(%arg14 : memref<3x128xi32, #tpu.memory_space<vmem>>)
    %dma_wait3A_48 = arith.constant 0 : i32
    %dma_wait3A_49 = arith.constant 0 : i32
    %dma_wait3A_50 = tpu.memref_slice %arg4[%add3A, %dma_wait3A_48, %dma_wait3A_49] : memref<2500x1x128xf32, #tpu.memory_space<hbm>> -> memref<1x1x128xf32, #tpu.memory_space<hbm>>
    %dma_wait3A_51 = tpu.memref_squeeze %dma_wait3A_50 : memref<1x1x128xf32, #tpu.memory_space<hbm>> -> memref<1x128xf32, #tpu.memory_space<hbm>>
    %dma_wait3A_52 = arith.constant 0 : i32
    %dma_wait3A_53 = arith.constant 0 : i32
    %dma_wait3A_54 = tpu.memref_slice %arg4[%add3A, %dma_wait3A_52, %dma_wait3A_53] : memref<2500x1x128xf32, #tpu.memory_space<hbm>> -> memref<1x1x128xf32, #tpu.memory_space<hbm>>
    %dma_wait3A_55 = tpu.memref_squeeze %dma_wait3A_54 : memref<1x1x128xf32, #tpu.memory_space<hbm>> -> memref<1x128xf32, #tpu.memory_space<hbm>>
    tpu.wait_dma2 semaphore(%arg21 : memref<!tpu.dma_semaphore, #tpu.memory_space<semaphore_mem>>) src(%dma_wait3A_55 : memref<1x128xf32, #tpu.memory_space<hbm>>) dst(%arg16 : memref<1x128xf32, #tpu.memory_space<vmem>>)
    %dma_start3A_56 = arith.constant 0 : i32
    %dma_start3A_57 = arith.constant 0 : i32
    %dma_start3A_58 = tpu.memref_slice %arg14[%dma_start3A_56, %dma_start3A_57] : memref<3x128xi32, #tpu.memory_space<vmem>> -> memref<1x128xi32, #tpu.memory_space<vmem>>
    %dma_start3A_59 = tpu.memref_squeeze %dma_start3A_58 : memref<1x128xi32, #tpu.memory_space<vmem>> -> memref<128xi32, #tpu.memory_space<vmem>>
    %dma_start3A_60 = arith.constant 0 : i32
    %dma_start3A_61 = arith.constant 0 : i32
    %dma_start3A_62 = tpu.memref_slice %arg2[%dma_start3A_60, %dma_start3A_61] : memref<10000x128xf32, #tpu.memory_space<hbm>> -> memref<10000x128xf32, #tpu.memory_space<hbm>>
    tpu.enqueue_indirect_dma source(%dma_start3A_62 : memref<10000x128xf32, #tpu.memory_space<hbm>>) target(%arg12 : memref<128x128xf32, #tpu.memory_space<vmem>>) offsets(%dma_start3A_59 : memref<128xi32, #tpu.memory_space<vmem>>) semaphore(%arg19 : memref<!tpu.dma_semaphore, #tpu.memory_space<semaphore_mem>>)
    %scan3A = arith.constant 0 : i32
    %scan3A_63 = arith.constant 0 : i32
    %scan3A_64 = arith.constant 40 : i32
    %scan3A_65 = arith.addi %scan3A_63, %scan3A_64 : i32
    %scan3A_66 = arith.constant 1 : i32
    scf.for %scan3A_78 = %scan3A_63 to %scan3A_65 step %scan3A_66  : i32 {
      %mul3A_79 = arith.constant 2 : i32
      %mul3A_80 = arith.muli %scan3A_78, %mul3A_79 : i32
      %add3A_81 = arith.constant 0 : i32
      %add3A_82 = arith.addi %mul3A_80, %add3A_81 : i32
      %mul3A_83 = arith.constant 32 : i32
      %mul3A_84 = arith.muli %add3A_82, %mul3A_83 : i32
      %add3A_85 = arith.addi %add3A, %mul3A_84 : i32
      %add3A_86 = arith.constant 32 : i32
      %add3A_87 = arith.addi %add3A_85, %add3A_86 : i32
      %lt3A = arith.constant 2500 : i32
      %lt3A_88 = arith.cmpi slt, %add3A_87, %lt3A : i32
      %convert_element_type3A = arith.extui %lt3A_88 : i1 to i32
      %cond3A = arith.constant 0 : i32
      %cond3A_89 = arith.cmpi ne, %convert_element_type3A, %cond3A : i32
      scf.if %cond3A_89 {
        %add3A_128 = arith.constant 32 : i32
        %add3A_129 = arith.addi %add3A_85, %add3A_128 : i32
        %dma_wait3A_130 = arith.constant 0 : i32
        %dma_wait3A_131 = arith.constant 0 : i32
        %dma_wait3A_132 = tpu.memref_slice %arg3[%add3A_129, %dma_wait3A_130, %dma_wait3A_131] : memref<2500x3x128xi32, #tpu.memory_space<hbm>> -> memref<1x3x128xi32, #tpu.memory_space<hbm>>
        %dma_wait3A_133 = tpu.memref_squeeze %dma_wait3A_132 : memref<1x3x128xi32, #tpu.memory_space<hbm>> -> memref<3x128xi32, #tpu.memory_space<hbm>>
        %dma_wait3A_134 = arith.constant 0 : i32
        %dma_wait3A_135 = arith.constant 0 : i32
        %dma_wait3A_136 = tpu.memref_slice %arg3[%add3A_129, %dma_wait3A_134, %dma_wait3A_135] : memref<2500x3x128xi32, #tpu.memory_space<hbm>> -> memref<1x3x128xi32, #tpu.memory_space<hbm>>
        %dma_wait3A_137 = tpu.memref_squeeze %dma_wait3A_136 : memref<1x3x128xi32, #tpu.memory_space<hbm>> -> memref<3x128xi32, #tpu.memory_space<hbm>>
        tpu.wait_dma2 semaphore(%arg22 : memref<!tpu.dma_semaphore, #tpu.memory_space<semaphore_mem>>) src(%dma_wait3A_137 : memref<3x128xi32, #tpu.memory_space<hbm>>) dst(%arg15 : memref<3x128xi32, #tpu.memory_space<vmem>>)
        %dma_wait3A_138 = arith.constant 0 : i32
        %dma_wait3A_139 = arith.constant 0 : i32
        %dma_wait3A_140 = tpu.memref_slice %arg4[%add3A_129, %dma_wait3A_138, %dma_wait3A_139] : memref<2500x1x128xf32, #tpu.memory_space<hbm>> -> memref<1x1x128xf32, #tpu.memory_space<hbm>>
        %dma_wait3A_141 = tpu.memref_squeeze %dma_wait3A_140 : memref<1x1x128xf32, #tpu.memory_space<hbm>> -> memref<1x128xf32, #tpu.memory_space<hbm>>
        %dma_wait3A_142 = arith.constant 0 : i32
        %dma_wait3A_143 = arith.constant 0 : i32
        %dma_wait3A_144 = tpu.memref_slice %arg4[%add3A_129, %dma_wait3A_142, %dma_wait3A_143] : memref<2500x1x128xf32, #tpu.memory_space<hbm>> -> memref<1x1x128xf32, #tpu.memory_space<hbm>>
        %dma_wait3A_145 = tpu.memref_squeeze %dma_wait3A_144 : memref<1x1x128xf32, #tpu.memory_space<hbm>> -> memref<1x128xf32, #tpu.memory_space<hbm>>
        tpu.wait_dma2 semaphore(%arg22 : memref<!tpu.dma_semaphore, #tpu.memory_space<semaphore_mem>>) src(%dma_wait3A_145 : memref<1x128xf32, #tpu.memory_space<hbm>>) dst(%arg17 : memref<1x128xf32, #tpu.memory_space<vmem>>)
        %dma_start3A_146 = arith.constant 0 : i32
        %dma_start3A_147 = arith.constant 0 : i32
        %dma_start3A_148 = tpu.memref_slice %arg15[%dma_start3A_146, %dma_start3A_147] : memref<3x128xi32, #tpu.memory_space<vmem>> -> memref<1x128xi32, #tpu.memory_space<vmem>>
        %dma_start3A_149 = tpu.memref_squeeze %dma_start3A_148 : memref<1x128xi32, #tpu.memory_space<vmem>> -> memref<128xi32, #tpu.memory_space<vmem>>
        %dma_start3A_150 = arith.constant 0 : i32
        %dma_start3A_151 = arith.constant 0 : i32
        %dma_start3A_152 = tpu.memref_slice %arg2[%dma_start3A_150, %dma_start3A_151] : memref<10000x128xf32, #tpu.memory_space<hbm>> -> memref<10000x128xf32, #tpu.memory_space<hbm>>
        tpu.enqueue_indirect_dma source(%dma_start3A_152 : memref<10000x128xf32, #tpu.memory_space<hbm>>) target(%arg13 : memref<128x128xf32, #tpu.memory_space<vmem>>) offsets(%dma_start3A_149 : memref<128xi32, #tpu.memory_space<vmem>>) semaphore(%arg20 : memref<!tpu.dma_semaphore, #tpu.memory_space<semaphore_mem>>)
      } else {
      }
      %lt3A_90 = arith.constant 2500 : i32
      %lt3A_91 = arith.cmpi slt, %add3A_85, %lt3A_90 : i32
      %convert_element_type3A_92 = arith.extui %lt3A_91 : i1 to i32
      %cond3A_93 = arith.constant 0 : i32
      %cond3A_94 = arith.cmpi ne, %convert_element_type3A_92, %cond3A_93 : i32
      scf.if %cond3A_94 {
        %dma_wait3A_128 = arith.constant 0 : i32
        %dma_wait3A_129 = arith.constant 0 : i32
        %dma_wait3A_130 = tpu.memref_slice %arg14[%dma_wait3A_128, %dma_wait3A_129] : memref<3x128xi32, #tpu.memory_space<vmem>> -> memref<1x128xi32, #tpu.memory_space<vmem>>
        %dma_wait3A_131 = tpu.memref_squeeze %dma_wait3A_130 : memref<1x128xi32, #tpu.memory_space<vmem>> -> memref<128xi32, #tpu.memory_space<vmem>>
        %dma_wait3A_132 = arith.constant 0 : i32
        %dma_wait3A_133 = arith.constant 0 : i32
        %dma_wait3A_134 = tpu.memref_slice %arg2[%dma_wait3A_132, %dma_wait3A_133] : memref<10000x128xf32, #tpu.memory_space<hbm>> -> memref<10000x128xf32, #tpu.memory_space<hbm>>
        tpu.wait_indirect_dma semaphore(%arg19 : memref<!tpu.dma_semaphore, #tpu.memory_space<semaphore_mem>>) src(%dma_wait3A_134 : memref<10000x128xf32, #tpu.memory_space<hbm>>) dst(%arg12 : memref<128x128xf32, #tpu.memory_space<vmem>>)
        %parallel_loop3A = arith.constant 0 : i32
        %parallel_loop3A_135 = arith.constant 128 : i32
        %parallel_loop3A_136 = arith.constant 1 : i32
        scf.for %parallel_loop3A_140 = %parallel_loop3A to %parallel_loop3A_135 step %parallel_loop3A_136  : i32 {
          %parallel_loop3A_141 = vector.broadcast %parallel_loop3A_140 : i32 to vector<16xi32>
          %parallel_loop3A_142 = tpu.vector_load_idx %arg16[%broadcast_in_dim3A_5, %parallel_loop3A_141] : memref<1x128xf32, #tpu.memory_space<vmem>>[vector<16xi32>, vector<16xi32>], vector<16xf32>,
          %parallel_loop3A_143 = tpu.vector_load_idx %arg14[%broadcast_in_dim3A_7, %parallel_loop3A_141] : memref<3x128xi32, #tpu.memory_space<vmem>>[vector<16xi32>, vector<16xi32>], vector<16xi32>,
          %parallel_loop3A_144 = arith.constant 0 : i32
          %parallel_loop3A_145 = vector.broadcast %parallel_loop3A_144 : i32 to vector<16xi32>
          %parallel_loop3A_146 = arith.addi %iota3A, %parallel_loop3A_145 : vector<16xi32>
          %parallel_loop3A_147 = tpu.vector_load_idx %arg18[%parallel_loop3A_143, %parallel_loop3A_146] : memref<64x128xf32, #tpu.memory_space<vmem>>[vector<16xi32>, vector<16xi32>], vector<16xf32>,
          %parallel_loop3A_148 = arith.index_cast %parallel_loop3A_140 : i32 to index
          %parallel_loop3A_149 = arith.constant 0 : index
          %parallel_loop3A_150 = tpu.vector_load %arg12[%parallel_loop3A_148, %parallel_loop3A_149] {strides = array<i32>} : memref<128x128xf32, #tpu.memory_space<vmem>>, vector<16xf32>,
          %parallel_loop3A_151 = arith.addf %parallel_loop3A_150, %parallel_loop3A_147 : vector<16xf32>
          %parallel_loop3A_152 = arith.mulf %parallel_loop3A_151, %parallel_loop3A_142 : vector<16xf32>
          %parallel_loop3A_153 = arith.index_cast %parallel_loop3A_140 : i32 to index
          %parallel_loop3A_154 = arith.constant 0 : index
          %parallel_loop3A_155 = tpu.vector_load %arg12[%parallel_loop3A_153, %parallel_loop3A_154] {strides = array<i32>} : memref<128x128xf32, #tpu.memory_space<vmem>>, vector<16xf32>,
          tpu.vector_store %arg12[%parallel_loop3A_153, %parallel_loop3A_154], %parallel_loop3A_152 {strides = array<i32>} : memref<128x128xf32, #tpu.memory_space<vmem>>, vector<16xf32>,
          %parallel_loop3A_156 = arith.constant 16 : i32
          %parallel_loop3A_157 = vector.broadcast %parallel_loop3A_156 : i32 to vector<16xi32>
          %parallel_loop3A_158 = arith.addi %iota3A, %parallel_loop3A_157 : vector<16xi32>
          %parallel_loop3A_159 = tpu.vector_load_idx %arg18[%parallel_loop3A_143, %parallel_loop3A_158] : memref<64x128xf32, #tpu.memory_space<vmem>>[vector<16xi32>, vector<16xi32>], vector<16xf32>,
          %parallel_loop3A_160 = arith.index_cast %parallel_loop3A_140 : i32 to index
          %parallel_loop3A_161 = arith.constant 16 : index
          %parallel_loop3A_162 = tpu.vector_load %arg12[%parallel_loop3A_160, %parallel_loop3A_161] {strides = array<i32>} : memref<128x128xf32, #tpu.memory_space<vmem>>, vector<16xf32>,
          %parallel_loop3A_163 = arith.addf %parallel_loop3A_162, %parallel_loop3A_159 : vector<16xf32>
          %parallel_loop3A_164 = arith.mulf %parallel_loop3A_163, %parallel_loop3A_142 : vector<16xf32>
          %parallel_loop3A_165 = arith.index_cast %parallel_loop3A_140 : i32 to index
          %parallel_loop3A_166 = arith.constant 16 : index
          %parallel_loop3A_167 = tpu.vector_load %arg12[%parallel_loop3A_165, %parallel_loop3A_166] {strides = array<i32>} : memref<128x128xf32, #tpu.memory_space<vmem>>, vector<16xf32>,
          tpu.vector_store %arg12[%parallel_loop3A_165, %parallel_loop3A_166], %parallel_loop3A_164 {strides = array<i32>} : memref<128x128xf32, #tpu.memory_space<vmem>>, vector<16xf32>,
          %parallel_loop3A_168 = arith.constant 32 : i32
          %parallel_loop3A_169 = vector.broadcast %parallel_loop3A_168 : i32 to vector<16xi32>
          %parallel_loop3A_170 = arith.addi %iota3A, %parallel_loop3A_169 : vector<16xi32>
          %parallel_loop3A_171 = tpu.vector_load_idx %arg18[%parallel_loop3A_143, %parallel_loop3A_170] : memref<64x128xf32, #tpu.memory_space<vmem>>[vector<16xi32>, vector<16xi32>], vector<16xf32>,
          %parallel_loop3A_172 = arith.index_cast %parallel_loop3A_140 : i32 to index
          %parallel_loop3A_173 = arith.constant 32 : index
          %parallel_loop3A_174 = tpu.vector_load %arg12[%parallel_loop3A_172, %parallel_loop3A_173] {strides = array<i32>} : memref<128x128xf32, #tpu.memory_space<vmem>>, vector<16xf32>,
          %parallel_loop3A_175 = arith.addf %parallel_loop3A_174, %parallel_loop3A_171 : vector<16xf32>
          %parallel_loop3A_176 = arith.mulf %parallel_loop3A_175, %parallel_loop3A_142 : vector<16xf32>
          %parallel_loop3A_177 = arith.index_cast %parallel_loop3A_140 : i32 to index
          %parallel_loop3A_178 = arith.constant 32 : index
          %parallel_loop3A_179 = tpu.vector_load %arg12[%parallel_loop3A_177, %parallel_loop3A_178] {strides = array<i32>} : memref<128x128xf32, #tpu.memory_space<vmem>>, vector<16xf32>,
          tpu.vector_store %arg12[%parallel_loop3A_177, %parallel_loop3A_178], %parallel_loop3A_176 {strides = array<i32>} : memref<128x128xf32, #tpu.memory_space<vmem>>, vector<16xf32>,
          %parallel_loop3A_180 = arith.constant 48 : i32
          %parallel_loop3A_181 = vector.broadcast %parallel_loop3A_180 : i32 to vector<16xi32>
          %parallel_loop3A_182 = arith.addi %iota3A, %parallel_loop3A_181 : vector<16xi32>
          %parallel_loop3A_183 = tpu.vector_load_idx %arg18[%parallel_loop3A_143, %parallel_loop3A_182] : memref<64x128xf32, #tpu.memory_space<vmem>>[vector<16xi32>, vector<16xi32>], vector<16xf32>,
          %parallel_loop3A_184 = arith.index_cast %parallel_loop3A_140 : i32 to index
          %parallel_loop3A_185 = arith.constant 48 : index
          %parallel_loop3A_186 = tpu.vector_load %arg12[%parallel_loop3A_184, %parallel_loop3A_185] {strides = array<i32>} : memref<128x128xf32, #tpu.memory_space<vmem>>, vector<16xf32>,
          %parallel_loop3A_187 = arith.addf %parallel_loop3A_186, %parallel_loop3A_183 : vector<16xf32>
          %parallel_loop3A_188 = arith.mulf %parallel_loop3A_187, %parallel_loop3A_142 : vector<16xf32>
          %parallel_loop3A_189 = arith.index_cast %parallel_loop3A_140 : i32 to index
          %parallel_loop3A_190 = arith.constant 48 : index
          %parallel_loop3A_191 = tpu.vector_load %arg12[%parallel_loop3A_189, %parallel_loop3A_190] {strides = array<i32>} : memref<128x128xf32, #tpu.memory_space<vmem>>, vector<16xf32>,
          tpu.vector_store %arg12[%parallel_loop3A_189, %parallel_loop3A_190], %parallel_loop3A_188 {strides = array<i32>} : memref<128x128xf32, #tpu.memory_space<vmem>>, vector<16xf32>,
          %parallel_loop3A_192 = arith.constant 64 : i32
          %parallel_loop3A_193 = vector.broadcast %parallel_loop3A_192 : i32 to vector<16xi32>
          %parallel_loop3A_194 = arith.addi %iota3A, %parallel_loop3A_193 : vector<16xi32>
          %parallel_loop3A_195 = tpu.vector_load_idx %arg18[%parallel_loop3A_143, %parallel_loop3A_194] : memref<64x128xf32, #tpu.memory_space<vmem>>[vector<16xi32>, vector<16xi32>], vector<16xf32>,
          %parallel_loop3A_196 = arith.index_cast %parallel_loop3A_140 : i32 to index
          %parallel_loop3A_197 = arith.constant 64 : index
          %parallel_loop3A_198 = tpu.vector_load %arg12[%parallel_loop3A_196, %parallel_loop3A_197] {strides = array<i32>} : memref<128x128xf32, #tpu.memory_space<vmem>>, vector<16xf32>,
          %parallel_loop3A_199 = arith.addf %parallel_loop3A_198, %parallel_loop3A_195 : vector<16xf32>
          %parallel_loop3A_200 = arith.mulf %parallel_loop3A_199, %parallel_loop3A_142 : vector<16xf32>
          %parallel_loop3A_201 = arith.index_cast %parallel_loop3A_140 : i32 to index
          %parallel_loop3A_202 = arith.constant 64 : index
          %parallel_loop3A_203 = tpu.vector_load %arg12[%parallel_loop3A_201, %parallel_loop3A_202] {strides = array<i32>} : memref<128x128xf32, #tpu.memory_space<vmem>>, vector<16xf32>,
          tpu.vector_store %arg12[%parallel_loop3A_201, %parallel_loop3A_202], %parallel_loop3A_200 {strides = array<i32>} : memref<128x128xf32, #tpu.memory_space<vmem>>, vector<16xf32>,
          %parallel_loop3A_204 = arith.constant 80 : i32
          %parallel_loop3A_205 = vector.broadcast %parallel_loop3A_204 : i32 to vector<16xi32>
          %parallel_loop3A_206 = arith.addi %iota3A, %parallel_loop3A_205 : vector<16xi32>
          %parallel_loop3A_207 = tpu.vector_load_idx %arg18[%parallel_loop3A_143, %parallel_loop3A_206] : memref<64x128xf32, #tpu.memory_space<vmem>>[vector<16xi32>, vector<16xi32>], vector<16xf32>,
          %parallel_loop3A_208 = arith.index_cast %parallel_loop3A_140 : i32 to index
          %parallel_loop3A_209 = arith.constant 80 : index
          %parallel_loop3A_210 = tpu.vector_load %arg12[%parallel_loop3A_208, %parallel_loop3A_209] {strides = array<i32>} : memref<128x128xf32, #tpu.memory_space<vmem>>, vector<16xf32>,
          %parallel_loop3A_211 = arith.addf %parallel_loop3A_210, %parallel_loop3A_207 : vector<16xf32>
          %parallel_loop3A_212 = arith.mulf %parallel_loop3A_211, %parallel_loop3A_142 : vector<16xf32>
          %parallel_loop3A_213 = arith.index_cast %parallel_loop3A_140 : i32 to index
          %parallel_loop3A_214 = arith.constant 80 : index
          %parallel_loop3A_215 = tpu.vector_load %arg12[%parallel_loop3A_213, %parallel_loop3A_214] {strides = array<i32>} : memref<128x128xf32, #tpu.memory_space<vmem>>, vector<16xf32>,
          tpu.vector_store %arg12[%parallel_loop3A_213, %parallel_loop3A_214], %parallel_loop3A_212 {strides = array<i32>} : memref<128x128xf32, #tpu.memory_space<vmem>>, vector<16xf32>,
          %parallel_loop3A_216 = arith.constant 96 : i32
          %parallel_loop3A_217 = vector.broadcast %parallel_loop3A_216 : i32 to vector<16xi32>
          %parallel_loop3A_218 = arith.addi %iota3A, %parallel_loop3A_217 : vector<16xi32>
          %parallel_loop3A_219 = tpu.vector_load_idx %arg18[%parallel_loop3A_143, %parallel_loop3A_218] : memref<64x128xf32, #tpu.memory_space<vmem>>[vector<16xi32>, vector<16xi32>], vector<16xf32>,
          %parallel_loop3A_220 = arith.index_cast %parallel_loop3A_140 : i32 to index
          %parallel_loop3A_221 = arith.constant 96 : index
          %parallel_loop3A_222 = tpu.vector_load %arg12[%parallel_loop3A_220, %parallel_loop3A_221] {strides = array<i32>} : memref<128x128xf32, #tpu.memory_space<vmem>>, vector<16xf32>,
          %parallel_loop3A_223 = arith.addf %parallel_loop3A_222, %parallel_loop3A_219 : vector<16xf32>
          %parallel_loop3A_224 = arith.mulf %parallel_loop3A_223, %parallel_loop3A_142 : vector<16xf32>
          %parallel_loop3A_225 = arith.index_cast %parallel_loop3A_140 : i32 to index
          %parallel_loop3A_226 = arith.constant 96 : index
          %parallel_loop3A_227 = tpu.vector_load %arg12[%parallel_loop3A_225, %parallel_loop3A_226] {strides = array<i32>} : memref<128x128xf32, #tpu.memory_space<vmem>>, vector<16xf32>,
          tpu.vector_store %arg12[%parallel_loop3A_225, %parallel_loop3A_226], %parallel_loop3A_224 {strides = array<i32>} : memref<128x128xf32, #tpu.memory_space<vmem>>, vector<16xf32>,
          %parallel_loop3A_228 = arith.constant 112 : i32
          %parallel_loop3A_229 = vector.broadcast %parallel_loop3A_228 : i32 to vector<16xi32>
          %parallel_loop3A_230 = arith.addi %iota3A, %parallel_loop3A_229 : vector<16xi32>
          %parallel_loop3A_231 = tpu.vector_load_idx %arg18[%parallel_loop3A_143, %parallel_loop3A_230] : memref<64x128xf32, #tpu.memory_space<vmem>>[vector<16xi32>, vector<16xi32>], vector<16xf32>,
          %parallel_loop3A_232 = arith.index_cast %parallel_loop3A_140 : i32 to index
          %parallel_loop3A_233 = arith.constant 112 : index
          %parallel_loop3A_234 = tpu.vector_load %arg12[%parallel_loop3A_232, %parallel_loop3A_233] {strides = array<i32>} : memref<128x128xf32, #tpu.memory_space<vmem>>, vector<16xf32>,
          %parallel_loop3A_235 = arith.addf %parallel_loop3A_234, %parallel_loop3A_231 : vector<16xf32>
          %parallel_loop3A_236 = arith.mulf %parallel_loop3A_235, %parallel_loop3A_142 : vector<16xf32>
          %parallel_loop3A_237 = arith.index_cast %parallel_loop3A_140 : i32 to index
          %parallel_loop3A_238 = arith.constant 112 : index
          %parallel_loop3A_239 = tpu.vector_load %arg12[%parallel_loop3A_237, %parallel_loop3A_238] {strides = array<i32>} : memref<128x128xf32, #tpu.memory_space<vmem>>, vector<16xf32>,
          tpu.vector_store %arg12[%parallel_loop3A_237, %parallel_loop3A_238], %parallel_loop3A_236 {strides = array<i32>} : memref<128x128xf32, #tpu.memory_space<vmem>>, vector<16xf32>,
        } {sc.loop_unroll_factor = 8 : i64, sc.parallel_access}
        %run_scoped3A_137 = arith.constant 0 : i32
        %run_scoped3A_138 = arith.constant 1 : i32
        "tpu.region"() ({
          %run_scoped3A_140 = tpu.sem_alloc : memref<!tpu.dma_semaphore, #tpu.memory_space<semaphore_mem>>
          %dma_start3A_141 = arith.constant 0 : i32
          %dma_start3A_142 = tpu.memref_slice %arg16[%run_scoped3A_137, %dma_start3A_141] : memref<1x128xf32, #tpu.memory_space<vmem>> -> memref<1x128xf32, #tpu.memory_space<vmem>>
          %dma_start3A_143 = tpu.memref_squeeze %dma_start3A_142 : memref<1x128xf32, #tpu.memory_space<vmem>> -> memref<128xf32, #tpu.memory_space<vmem>>
          %dma_start3A_144 = arith.constant 0 : i32
          %dma_start3A_145 = tpu.memref_slice %arg14[%run_scoped3A_138, %dma_start3A_144] : memref<3x128xi32, #tpu.memory_space<vmem>> -> memref<1x128xi32, #tpu.memory_space<vmem>>
          %dma_start3A_146 = tpu.memref_squeeze %dma_start3A_145 : memref<1x128xi32, #tpu.memory_space<vmem>> -> memref<128xi32, #tpu.memory_space<vmem>>
          %dma_start3A_147 = arith.constant 0 : i32
          %dma_start3A_148 = tpu.memref_slice %arg11[%dma_start3A_147] : memref<10240xf32, #tpu.memory_space<vmem_shared>> -> memref<10240xf32, #tpu.memory_space<vmem_shared>>
          tpu.enqueue_indirect_dma source(%dma_start3A_143 : memref<128xf32, #tpu.memory_space<vmem>>) target(%dma_start3A_148 : memref<10240xf32, #tpu.memory_space<vmem_shared>>) offsets(%dma_start3A_146 : memref<128xi32, #tpu.memory_space<vmem>>) semaphore(%run_scoped3A_140 : memref<!tpu.dma_semaphore, #tpu.memory_space<semaphore_mem>>) {add = true}
          %dma_wait3A_149 = arith.constant 0 : i32
          %dma_wait3A_150 = tpu.memref_slice %arg16[%run_scoped3A_137, %dma_wait3A_149] : memref<1x128xf32, #tpu.memory_space<vmem>> -> memref<1x128xf32, #tpu.memory_space<vmem>>
          %dma_wait3A_151 = tpu.memref_squeeze %dma_wait3A_150 : memref<1x128xf32, #tpu.memory_space<vmem>> -> memref<128xf32, #tpu.memory_space<vmem>>
          %dma_wait3A_152 = arith.constant 0 : i32
          %dma_wait3A_153 = tpu.memref_slice %arg14[%run_scoped3A_138, %dma_wait3A_152] : memref<3x128xi32, #tpu.memory_space<vmem>> -> memref<1x128xi32, #tpu.memory_space<vmem>>
          %dma_wait3A_154 = tpu.memref_squeeze %dma_wait3A_153 : memref<1x128xi32, #tpu.memory_space<vmem>> -> memref<128xi32, #tpu.memory_space<vmem>>
          %dma_wait3A_155 = arith.constant 0 : i32
          %dma_wait3A_156 = tpu.memref_slice %arg11[%dma_wait3A_155] : memref<10240xf32, #tpu.memory_space<vmem_shared>> -> memref<10240xf32, #tpu.memory_space<vmem_shared>>
          tpu.wait_indirect_dma semaphore(%run_scoped3A_140 : memref<!tpu.dma_semaphore, #tpu.memory_space<semaphore_mem>>) src(%dma_wait3A_151 : memref<128xf32, #tpu.memory_space<vmem>>) dst(%dma_wait3A_156 : memref<10240xf32, #tpu.memory_space<vmem_shared>>)
          tpu.yield
        }) : () -> ()
        %run_scoped3A_139 = arith.constant 1 : i32
        "tpu.region"() ({
          %run_scoped3A_140 = tpu.sem_alloc : memref<!tpu.dma_semaphore, #tpu.memory_space<semaphore_mem>>
          %dma_start3A_141 = arith.constant 0 : i32
          %dma_start3A_142 = tpu.memref_slice %arg14[%run_scoped3A_139, %dma_start3A_141] : memref<3x128xi32, #tpu.memory_space<vmem>> -> memref<1x128xi32, #tpu.memory_space<vmem>>
          %dma_start3A_143 = tpu.memref_squeeze %dma_start3A_142 : memref<1x128xi32, #tpu.memory_space<vmem>> -> memref<128xi32, #tpu.memory_space<vmem>>
          %dma_start3A_144 = arith.constant 0 : i32
          %dma_start3A_145 = arith.constant 0 : i32
          %dma_start3A_146 = tpu.memref_slice %arg10[%dma_start3A_144, %dma_start3A_145] : memref<10240x128xf32, #tpu.memory_space<vmem_shared>> -> memref<10240x128xf32, #tpu.memory_space<vmem_shared>>
          tpu.enqueue_indirect_dma source(%arg12 : memref<128x128xf32, #tpu.memory_space<vmem>>) target(%dma_start3A_146 : memref<10240x128xf32, #tpu.memory_space<vmem_shared>>) offsets(%dma_start3A_143 : memref<128xi32, #tpu.memory_space<vmem>>) semaphore(%run_scoped3A_140 : memref<!tpu.dma_semaphore, #tpu.memory_space<semaphore_mem>>) {add = true}
          %dma_wait3A_147 = arith.constant 0 : i32
          %dma_wait3A_148 = tpu.memref_slice %arg14[%run_scoped3A_139, %dma_wait3A_147] : memref<3x128xi32, #tpu.memory_space<vmem>> -> memref<1x128xi32, #tpu.memory_space<vmem>>
          %dma_wait3A_149 = tpu.memref_squeeze %dma_wait3A_148 : memref<1x128xi32, #tpu.memory_space<vmem>> -> memref<128xi32, #tpu.memory_space<vmem>>
          %dma_wait3A_150 = arith.constant 0 : i32
          %dma_wait3A_151 = arith.constant 0 : i32
          %dma_wait3A_152 = tpu.memref_slice %arg10[%dma_wait3A_150, %dma_wait3A_151] : memref<10240x128xf32, #tpu.memory_space<vmem_shared>> -> memref<10240x128xf32, #tpu.memory_space<vmem_shared>>
          tpu.wait_indirect_dma semaphore(%run_scoped3A_140 : memref<!tpu.dma_semaphore, #tpu.memory_space<semaphore_mem>>) src(%arg12 : memref<128x128xf32, #tpu.memory_space<vmem>>) dst(%dma_wait3A_152 : memref<10240x128xf32, #tpu.memory_space<vmem_shared>>)
          tpu.yield
        }) : () -> ()
      } else {
      }
      %add3A_95 = arith.constant 64 : i32
      %add3A_96 = arith.addi %add3A_85, %add3A_95 : i32
      %lt3A_97 = arith.constant 2500 : i32
      %lt3A_98 = arith.cmpi slt, %add3A_96, %lt3A_97 : i32
      %convert_element_type3A_99 = arith.extui %lt3A_98 : i1 to i32
      %cond3A_100 = arith.constant 0 : i32
      %cond3A_101 = arith.cmpi ne, %convert_element_type3A_99, %cond3A_100 : i32
      scf.if %cond3A_101 {
        %add3A_128 = arith.constant 64 : i32
        %add3A_129 = arith.addi %add3A_85, %add3A_128 : i32
        %dma_start3A_130 = arith.constant 0 : i32
        %dma_start3A_131 = arith.constant 0 : i32
        %dma_start3A_132 = tpu.memref_slice %arg3[%add3A_129, %dma_start3A_130, %dma_start3A_131] : memref<2500x3x128xi32, #tpu.memory_space<hbm>> -> memref<1x3x128xi32, #tpu.memory_space<hbm>>
        %dma_start3A_133 = tpu.memref_squeeze %dma_start3A_132 : memref<1x3x128xi32, #tpu.memory_space<hbm>> -> memref<3x128xi32, #tpu.memory_space<hbm>>
        %dma_start3A_134 = arith.constant 0 : i32
        %dma_start3A_135 = arith.constant 0 : i32
        %dma_start3A_136 = tpu.memref_slice %arg3[%add3A_129, %dma_start3A_134, %dma_start3A_135] : memref<2500x3x128xi32, #tpu.memory_space<hbm>> -> memref<1x3x128xi32, #tpu.memory_space<hbm>>
        %dma_start3A_137 = tpu.memref_squeeze %dma_start3A_136 : memref<1x3x128xi32, #tpu.memory_space<hbm>> -> memref<3x128xi32, #tpu.memory_space<hbm>>
        tpu.enqueue_dma source(%dma_start3A_137 : memref<3x128xi32, #tpu.memory_space<hbm>>) target(%arg14 : memref<3x128xi32, #tpu.memory_space<vmem>>) target_semaphore(%arg21 : memref<!tpu.dma_semaphore, #tpu.memory_space<semaphore_mem>>)
        %dma_start3A_138 = arith.constant 0 : i32
        %dma_start3A_139 = arith.constant 0 : i32
        %dma_start3A_140 = tpu.memref_slice %arg4[%add3A_129, %dma_start3A_138, %dma_start3A_139] : memref<2500x1x128xf32, #tpu.memory_space<hbm>> -> memref<1x1x128xf32, #tpu.memory_space<hbm>>
        %dma_start3A_141 = tpu.memref_squeeze %dma_start3A_140 : memref<1x1x128xf32, #tpu.memory_space<hbm>> -> memref<1x128xf32, #tpu.memory_space<hbm>>
        %dma_start3A_142 = arith.constant 0 : i32
        %dma_start3A_143 = arith.constant 0 : i32
        %dma_start3A_144 = tpu.memref_slice %arg4[%add3A_129, %dma_start3A_142, %dma_start3A_143] : memref<2500x1x128xf32, #tpu.memory_space<hbm>> -> memref<1x1x128xf32, #tpu.memory_space<hbm>>
        %dma_start3A_145 = tpu.memref_squeeze %dma_start3A_144 : memref<1x1x128xf32, #tpu.memory_space<hbm>> -> memref<1x128xf32, #tpu.memory_space<hbm>>
        tpu.enqueue_dma source(%dma_start3A_145 : memref<1x128xf32, #tpu.memory_space<hbm>>) target(%arg16 : memref<1x128xf32, #tpu.memory_space<vmem>>) target_semaphore(%arg21 : memref<!tpu.dma_semaphore, #tpu.memory_space<semaphore_mem>>)
      } else {
      }
      %mul3A_102 = arith.constant 2 : i32
      %mul3A_103 = arith.muli %scan3A_78, %mul3A_102 : i32
      %add3A_104 = arith.constant 1 : i32
      %add3A_105 = arith.addi %mul3A_103, %add3A_104 : i32
      %mul3A_106 = arith.constant 32 : i32
      %mul3A_107 = arith.muli %add3A_105, %mul3A_106 : i32
      %add3A_108 = arith.addi %add3A, %mul3A_107 : i32
      %add3A_109 = arith.constant 32 : i32
      %add3A_110 = arith.addi %add3A_108, %add3A_109 : i32
      %lt3A_111 = arith.constant 2500 : i32
      %lt3A_112 = arith.cmpi slt, %add3A_110, %lt3A_111 : i32
      %convert_element_type3A_113 = arith.extui %lt3A_112 : i1 to i32
      %cond3A_114 = arith.constant 0 : i32
      %cond3A_115 = arith.cmpi ne, %convert_element_type3A_113, %cond3A_114 : i32
      scf.if %cond3A_115 {
        %add3A_128 = arith.constant 32 : i32
        %add3A_129 = arith.addi %add3A_108, %add3A_128 : i32
        %dma_wait3A_130 = arith.constant 0 : i32
        %dma_wait3A_131 = arith.constant 0 : i32
        %dma_wait3A_132 = tpu.memref_slice %arg3[%add3A_129, %dma_wait3A_130, %dma_wait3A_131] : memref<2500x3x128xi32, #tpu.memory_space<hbm>> -> memref<1x3x128xi32, #tpu.memory_space<hbm>>
        %dma_wait3A_133 = tpu.memref_squeeze %dma_wait3A_132 : memref<1x3x128xi32, #tpu.memory_space<hbm>> -> memref<3x128xi32, #tpu.memory_space<hbm>>
        %dma_wait3A_134 = arith.constant 0 : i32
        %dma_wait3A_135 = arith.constant 0 : i32
        %dma_wait3A_136 = tpu.memref_slice %arg3[%add3A_129, %dma_wait3A_134, %dma_wait3A_135] : memref<2500x3x128xi32, #tpu.memory_space<hbm>> -> memref<1x3x128xi32, #tpu.memory_space<hbm>>
        %dma_wait3A_137 = tpu.memref_squeeze %dma_wait3A_136 : memref<1x3x128xi32, #tpu.memory_space<hbm>> -> memref<3x128xi32, #tpu.memory_space<hbm>>
        tpu.wait_dma2 semaphore(%arg21 : memref<!tpu.dma_semaphore, #tpu.memory_space<semaphore_mem>>) src(%dma_wait3A_137 : memref<3x128xi32, #tpu.memory_space<hbm>>) dst(%arg14 : memref<3x128xi32, #tpu.memory_space<vmem>>)
        %dma_wait3A_138 = arith.constant 0 : i32
        %dma_wait3A_139 = arith.constant 0 : i32
        %dma_wait3A_140 = tpu.memref_slice %arg4[%add3A_129, %dma_wait3A_138, %dma_wait3A_139] : memref<2500x1x128xf32, #tpu.memory_space<hbm>> -> memref<1x1x128xf32, #tpu.memory_space<hbm>>
        %dma_wait3A_141 = tpu.memref_squeeze %dma_wait3A_140 : memref<1x1x128xf32, #tpu.memory_space<hbm>> -> memref<1x128xf32, #tpu.memory_space<hbm>>
        %dma_wait3A_142 = arith.constant 0 : i32
        %dma_wait3A_143 = arith.constant 0 : i32
        %dma_wait3A_144 = tpu.memref_slice %arg4[%add3A_129, %dma_wait3A_142, %dma_wait3A_143] : memref<2500x1x128xf32, #tpu.memory_space<hbm>> -> memref<1x1x128xf32, #tpu.memory_space<hbm>>
        %dma_wait3A_145 = tpu.memref_squeeze %dma_wait3A_144 : memref<1x1x128xf32, #tpu.memory_space<hbm>> -> memref<1x128xf32, #tpu.memory_space<hbm>>
        tpu.wait_dma2 semaphore(%arg21 : memref<!tpu.dma_semaphore, #tpu.memory_space<semaphore_mem>>) src(%dma_wait3A_145 : memref<1x128xf32, #tpu.memory_space<hbm>>) dst(%arg16 : memref<1x128xf32, #tpu.memory_space<vmem>>)
        %dma_start3A_146 = arith.constant 0 : i32
        %dma_start3A_147 = arith.constant 0 : i32
        %dma_start3A_148 = tpu.memref_slice %arg14[%dma_start3A_146, %dma_start3A_147] : memref<3x128xi32, #tpu.memory_space<vmem>> -> memref<1x128xi32, #tpu.memory_space<vmem>>
        %dma_start3A_149 = tpu.memref_squeeze %dma_start3A_148 : memref<1x128xi32, #tpu.memory_space<vmem>> -> memref<128xi32, #tpu.memory_space<vmem>>
        %dma_start3A_150 = arith.constant 0 : i32
        %dma_start3A_151 = arith.constant 0 : i32
        %dma_start3A_152 = tpu.memref_slice %arg2[%dma_start3A_150, %dma_start3A_151] : memref<10000x128xf32, #tpu.memory_space<hbm>> -> memref<10000x128xf32, #tpu.memory_space<hbm>>
        tpu.enqueue_indirect_dma source(%dma_start3A_152 : memref<10000x128xf32, #tpu.memory_space<hbm>>) target(%arg12 : memref<128x128xf32, #tpu.memory_space<vmem>>) offsets(%dma_start3A_149 : memref<128xi32, #tpu.memory_space<vmem>>) semaphore(%arg19 : memref<!tpu.dma_semaphore, #tpu.memory_space<semaphore_mem>>)
      } else {
      }
      %lt3A_116 = arith.constant 2500 : i32
      %lt3A_117 = arith.cmpi slt, %add3A_108, %lt3A_116 : i32
      %convert_element_type3A_118 = arith.extui %lt3A_117 : i1 to i32
      %cond3A_119 = arith.constant 0 : i32
      %cond3A_120 = arith.cmpi ne, %convert_element_type3A_118, %cond3A_119 : i32
      scf.if %cond3A_120 {
        %dma_wait3A_128 = arith.constant 0 : i32
        %dma_wait3A_129 = arith.constant 0 : i32
        %dma_wait3A_130 = tpu.memref_slice %arg15[%dma_wait3A_128, %dma_wait3A_129] : memref<3x128xi32, #tpu.memory_space<vmem>> -> memref<1x128xi32, #tpu.memory_space<vmem>>
        %dma_wait3A_131 = tpu.memref_squeeze %dma_wait3A_130 : memref<1x128xi32, #tpu.memory_space<vmem>> -> memref<128xi32, #tpu.memory_space<vmem>>
        %dma_wait3A_132 = arith.constant 0 : i32
        %dma_wait3A_133 = arith.constant 0 : i32
        %dma_wait3A_134 = tpu.memref_slice %arg2[%dma_wait3A_132, %dma_wait3A_133] : memref<10000x128xf32, #tpu.memory_space<hbm>> -> memref<10000x128xf32, #tpu.memory_space<hbm>>
        tpu.wait_indirect_dma semaphore(%arg20 : memref<!tpu.dma_semaphore, #tpu.memory_space<semaphore_mem>>) src(%dma_wait3A_134 : memref<10000x128xf32, #tpu.memory_space<hbm>>) dst(%arg13 : memref<128x128xf32, #tpu.memory_space<vmem>>)
        %parallel_loop3A = arith.constant 0 : i32
        %parallel_loop3A_135 = arith.constant 128 : i32
        %parallel_loop3A_136 = arith.constant 1 : i32
        scf.for %parallel_loop3A_140 = %parallel_loop3A to %parallel_loop3A_135 step %parallel_loop3A_136  : i32 {
          %parallel_loop3A_141 = vector.broadcast %parallel_loop3A_140 : i32 to vector<16xi32>
          %parallel_loop3A_142 = tpu.vector_load_idx %arg17[%broadcast_in_dim3A_5, %parallel_loop3A_141] : memref<1x128xf32, #tpu.memory_space<vmem>>[vector<16xi32>, vector<16xi32>], vector<16xf32>,
          %parallel_loop3A_143 = tpu.vector_load_idx %arg15[%broadcast_in_dim3A_7, %parallel_loop3A_141] : memref<3x128xi32, #tpu.memory_space<vmem>>[vector<16xi32>, vector<16xi32>], vector<16xi32>,
          %parallel_loop3A_144 = arith.constant 0 : i32
          %parallel_loop3A_145 = vector.broadcast %parallel_loop3A_144 : i32 to vector<16xi32>
          %parallel_loop3A_146 = arith.addi %iota3A, %parallel_loop3A_145 : vector<16xi32>
          %parallel_loop3A_147 = tpu.vector_load_idx %arg18[%parallel_loop3A_143, %parallel_loop3A_146] : memref<64x128xf32, #tpu.memory_space<vmem>>[vector<16xi32>, vector<16xi32>], vector<16xf32>,
          %parallel_loop3A_148 = arith.index_cast %parallel_loop3A_140 : i32 to index
          %parallel_loop3A_149 = arith.constant 0 : index
          %parallel_loop3A_150 = tpu.vector_load %arg13[%parallel_loop3A_148, %parallel_loop3A_149] {strides = array<i32>} : memref<128x128xf32, #tpu.memory_space<vmem>>, vector<16xf32>,
          %parallel_loop3A_151 = arith.addf %parallel_loop3A_150, %parallel_loop3A_147 : vector<16xf32>
          %parallel_loop3A_152 = arith.mulf %parallel_loop3A_151, %parallel_loop3A_142 : vector<16xf32>
          %parallel_loop3A_153 = arith.index_cast %parallel_loop3A_140 : i32 to index
          %parallel_loop3A_154 = arith.constant 0 : index
          %parallel_loop3A_155 = tpu.vector_load %arg13[%parallel_loop3A_153, %parallel_loop3A_154] {strides = array<i32>} : memref<128x128xf32, #tpu.memory_space<vmem>>, vector<16xf32>,
          tpu.vector_store %arg13[%parallel_loop3A_153, %parallel_loop3A_154], %parallel_loop3A_152 {strides = array<i32>} : memref<128x128xf32, #tpu.memory_space<vmem>>, vector<16xf32>,
          %parallel_loop3A_156 = arith.constant 16 : i32
          %parallel_loop3A_157 = vector.broadcast %parallel_loop3A_156 : i32 to vector<16xi32>
          %parallel_loop3A_158 = arith.addi %iota3A, %parallel_loop3A_157 : vector<16xi32>
          %parallel_loop3A_159 = tpu.vector_load_idx %arg18[%parallel_loop3A_143, %parallel_loop3A_158] : memref<64x128xf32, #tpu.memory_space<vmem>>[vector<16xi32>, vector<16xi32>], vector<16xf32>,
          %parallel_loop3A_160 = arith.index_cast %parallel_loop3A_140 : i32 to index
          %parallel_loop3A_161 = arith.constant 16 : index
          %parallel_loop3A_162 = tpu.vector_load %arg13[%parallel_loop3A_160, %parallel_loop3A_161] {strides = array<i32>} : memref<128x128xf32, #tpu.memory_space<vmem>>, vector<16xf32>,
          %parallel_loop3A_163 = arith.addf %parallel_loop3A_162, %parallel_loop3A_159 : vector<16xf32>
          %parallel_loop3A_164 = arith.mulf %parallel_loop3A_163, %parallel_loop3A_142 : vector<16xf32>
          %parallel_loop3A_165 = arith.index_cast %parallel_loop3A_140 : i32 to index
          %parallel_loop3A_166 = arith.constant 16 : index
          %parallel_loop3A_167 = tpu.vector_load %arg13[%parallel_loop3A_165, %parallel_loop3A_166] {strides = array<i32>} : memref<128x128xf32, #tpu.memory_space<vmem>>, vector<16xf32>,
          tpu.vector_store %arg13[%parallel_loop3A_165, %parallel_loop3A_166], %parallel_loop3A_164 {strides = array<i32>} : memref<128x128xf32, #tpu.memory_space<vmem>>, vector<16xf32>,
          %parallel_loop3A_168 = arith.constant 32 : i32
          %parallel_loop3A_169 = vector.broadcast %parallel_loop3A_168 : i32 to vector<16xi32>
          %parallel_loop3A_170 = arith.addi %iota3A, %parallel_loop3A_169 : vector<16xi32>
          %parallel_loop3A_171 = tpu.vector_load_idx %arg18[%parallel_loop3A_143, %parallel_loop3A_170] : memref<64x128xf32, #tpu.memory_space<vmem>>[vector<16xi32>, vector<16xi32>], vector<16xf32>,
          %parallel_loop3A_172 = arith.index_cast %parallel_loop3A_140 : i32 to index
          %parallel_loop3A_173 = arith.constant 32 : index
          %parallel_loop3A_174 = tpu.vector_load %arg13[%parallel_loop3A_172, %parallel_loop3A_173] {strides = array<i32>} : memref<128x128xf32, #tpu.memory_space<vmem>>, vector<16xf32>,
          %parallel_loop3A_175 = arith.addf %parallel_loop3A_174, %parallel_loop3A_171 : vector<16xf32>
          %parallel_loop3A_176 = arith.mulf %parallel_loop3A_175, %parallel_loop3A_142 : vector<16xf32>
          %parallel_loop3A_177 = arith.index_cast %parallel_loop3A_140 : i32 to index
          %parallel_loop3A_178 = arith.constant 32 : index
          %parallel_loop3A_179 = tpu.vector_load %arg13[%parallel_loop3A_177, %parallel_loop3A_178] {strides = array<i32>} : memref<128x128xf32, #tpu.memory_space<vmem>>, vector<16xf32>,
          tpu.vector_store %arg13[%parallel_loop3A_177, %parallel_loop3A_178], %parallel_loop3A_176 {strides = array<i32>} : memref<128x128xf32, #tpu.memory_space<vmem>>, vector<16xf32>,
          %parallel_loop3A_180 = arith.constant 48 : i32
          %parallel_loop3A_181 = vector.broadcast %parallel_loop3A_180 : i32 to vector<16xi32>
          %parallel_loop3A_182 = arith.addi %iota3A, %parallel_loop3A_181 : vector<16xi32>
          %parallel_loop3A_183 = tpu.vector_load_idx %arg18[%parallel_loop3A_143, %parallel_loop3A_182] : memref<64x128xf32, #tpu.memory_space<vmem>>[vector<16xi32>, vector<16xi32>], vector<16xf32>,
          %parallel_loop3A_184 = arith.index_cast %parallel_loop3A_140 : i32 to index
          %parallel_loop3A_185 = arith.constant 48 : index
          %parallel_loop3A_186 = tpu.vector_load %arg13[%parallel_loop3A_184, %parallel_loop3A_185] {strides = array<i32>} : memref<128x128xf32, #tpu.memory_space<vmem>>, vector<16xf32>,
          %parallel_loop3A_187 = arith.addf %parallel_loop3A_186, %parallel_loop3A_183 : vector<16xf32>
          %parallel_loop3A_188 = arith.mulf %parallel_loop3A_187, %parallel_loop3A_142 : vector<16xf32>
          %parallel_loop3A_189 = arith.index_cast %parallel_loop3A_140 : i32 to index
          %parallel_loop3A_190 = arith.constant 48 : index
          %parallel_loop3A_191 = tpu.vector_load %arg13[%parallel_loop3A_189, %parallel_loop3A_190] {strides = array<i32>} : memref<128x128xf32, #tpu.memory_space<vmem>>, vector<16xf32>,
          tpu.vector_store %arg13[%parallel_loop3A_189, %parallel_loop3A_190], %parallel_loop3A_188 {strides = array<i32>} : memref<128x128xf32, #tpu.memory_space<vmem>>, vector<16xf32>,
          %parallel_loop3A_192 = arith.constant 64 : i32
          %parallel_loop3A_193 = vector.broadcast %parallel_loop3A_192 : i32 to vector<16xi32>
          %parallel_loop3A_194 = arith.addi %iota3A, %parallel_loop3A_193 : vector<16xi32>
          %parallel_loop3A_195 = tpu.vector_load_idx %arg18[%parallel_loop3A_143, %parallel_loop3A_194] : memref<64x128xf32, #tpu.memory_space<vmem>>[vector<16xi32>, vector<16xi32>], vector<16xf32>,
          %parallel_loop3A_196 = arith.index_cast %parallel_loop3A_140 : i32 to index
          %parallel_loop3A_197 = arith.constant 64 : index
          %parallel_loop3A_198 = tpu.vector_load %arg13[%parallel_loop3A_196, %parallel_loop3A_197] {strides = array<i32>} : memref<128x128xf32, #tpu.memory_space<vmem>>, vector<16xf32>,
          %parallel_loop3A_199 = arith.addf %parallel_loop3A_198, %parallel_loop3A_195 : vector<16xf32>
          %parallel_loop3A_200 = arith.mulf %parallel_loop3A_199, %parallel_loop3A_142 : vector<16xf32>
          %parallel_loop3A_201 = arith.index_cast %parallel_loop3A_140 : i32 to index
          %parallel_loop3A_202 = arith.constant 64 : index
          %parallel_loop3A_203 = tpu.vector_load %arg13[%parallel_loop3A_201, %parallel_loop3A_202] {strides = array<i32>} : memref<128x128xf32, #tpu.memory_space<vmem>>, vector<16xf32>,
          tpu.vector_store %arg13[%parallel_loop3A_201, %parallel_loop3A_202], %parallel_loop3A_200 {strides = array<i32>} : memref<128x128xf32, #tpu.memory_space<vmem>>, vector<16xf32>,
          %parallel_loop3A_204 = arith.constant 80 : i32
          %parallel_loop3A_205 = vector.broadcast %parallel_loop3A_204 : i32 to vector<16xi32>
          %parallel_loop3A_206 = arith.addi %iota3A, %parallel_loop3A_205 : vector<16xi32>
          %parallel_loop3A_207 = tpu.vector_load_idx %arg18[%parallel_loop3A_143, %parallel_loop3A_206] : memref<64x128xf32, #tpu.memory_space<vmem>>[vector<16xi32>, vector<16xi32>], vector<16xf32>,
          %parallel_loop3A_208 = arith.index_cast %parallel_loop3A_140 : i32 to index
          %parallel_loop3A_209 = arith.constant 80 : index
          %parallel_loop3A_210 = tpu.vector_load %arg13[%parallel_loop3A_208, %parallel_loop3A_209] {strides = array<i32>} : memref<128x128xf32, #tpu.memory_space<vmem>>, vector<16xf32>,
          %parallel_loop3A_211 = arith.addf %parallel_loop3A_210, %parallel_loop3A_207 : vector<16xf32>
          %parallel_loop3A_212 = arith.mulf %parallel_loop3A_211, %parallel_loop3A_142 : vector<16xf32>
          %parallel_loop3A_213 = arith.index_cast %parallel_loop3A_140 : i32 to index
          %parallel_loop3A_214 = arith.constant 80 : index
          %parallel_loop3A_215 = tpu.vector_load %arg13[%parallel_loop3A_213, %parallel_loop3A_214] {strides = array<i32>} : memref<128x128xf32, #tpu.memory_space<vmem>>, vector<16xf32>,
          tpu.vector_store %arg13[%parallel_loop3A_213, %parallel_loop3A_214], %parallel_loop3A_212 {strides = array<i32>} : memref<128x128xf32, #tpu.memory_space<vmem>>, vector<16xf32>,
          %parallel_loop3A_216 = arith.constant 96 : i32
          %parallel_loop3A_217 = vector.broadcast %parallel_loop3A_216 : i32 to vector<16xi32>
          %parallel_loop3A_218 = arith.addi %iota3A, %parallel_loop3A_217 : vector<16xi32>
          %parallel_loop3A_219 = tpu.vector_load_idx %arg18[%parallel_loop3A_143, %parallel_loop3A_218] : memref<64x128xf32, #tpu.memory_space<vmem>>[vector<16xi32>, vector<16xi32>], vector<16xf32>,
          %parallel_loop3A_220 = arith.index_cast %parallel_loop3A_140 : i32 to index
          %parallel_loop3A_221 = arith.constant 96 : index
          %parallel_loop3A_222 = tpu.vector_load %arg13[%parallel_loop3A_220, %parallel_loop3A_221] {strides = array<i32>} : memref<128x128xf32, #tpu.memory_space<vmem>>, vector<16xf32>,
          %parallel_loop3A_223 = arith.addf %parallel_loop3A_222, %parallel_loop3A_219 : vector<16xf32>
          %parallel_loop3A_224 = arith.mulf %parallel_loop3A_223, %parallel_loop3A_142 : vector<16xf32>
          %parallel_loop3A_225 = arith.index_cast %parallel_loop3A_140 : i32 to index
          %parallel_loop3A_226 = arith.constant 96 : index
          %parallel_loop3A_227 = tpu.vector_load %arg13[%parallel_loop3A_225, %parallel_loop3A_226] {strides = array<i32>} : memref<128x128xf32, #tpu.memory_space<vmem>>, vector<16xf32>,
          tpu.vector_store %arg13[%parallel_loop3A_225, %parallel_loop3A_226], %parallel_loop3A_224 {strides = array<i32>} : memref<128x128xf32, #tpu.memory_space<vmem>>, vector<16xf32>,
          %parallel_loop3A_228 = arith.constant 112 : i32
          %parallel_loop3A_229 = vector.broadcast %parallel_loop3A_228 : i32 to vector<16xi32>
          %parallel_loop3A_230 = arith.addi %iota3A, %parallel_loop3A_229 : vector<16xi32>
          %parallel_loop3A_231 = tpu.vector_load_idx %arg18[%parallel_loop3A_143, %parallel_loop3A_230] : memref<64x128xf32, #tpu.memory_space<vmem>>[vector<16xi32>, vector<16xi32>], vector<16xf32>,
          %parallel_loop3A_232 = arith.index_cast %parallel_loop3A_140 : i32 to index
          %parallel_loop3A_233 = arith.constant 112 : index
          %parallel_loop3A_234 = tpu.vector_load %arg13[%parallel_loop3A_232, %parallel_loop3A_233] {strides = array<i32>} : memref<128x128xf32, #tpu.memory_space<vmem>>, vector<16xf32>,
          %parallel_loop3A_235 = arith.addf %parallel_loop3A_234, %parallel_loop3A_231 : vector<16xf32>
          %parallel_loop3A_236 = arith.mulf %parallel_loop3A_235, %parallel_loop3A_142 : vector<16xf32>
          %parallel_loop3A_237 = arith.index_cast %parallel_loop3A_140 : i32 to index
          %parallel_loop3A_238 = arith.constant 112 : index
          %parallel_loop3A_239 = tpu.vector_load %arg13[%parallel_loop3A_237, %parallel_loop3A_238] {strides = array<i32>} : memref<128x128xf32, #tpu.memory_space<vmem>>, vector<16xf32>,
          tpu.vector_store %arg13[%parallel_loop3A_237, %parallel_loop3A_238], %parallel_loop3A_236 {strides = array<i32>} : memref<128x128xf32, #tpu.memory_space<vmem>>, vector<16xf32>,
        } {sc.loop_unroll_factor = 8 : i64, sc.parallel_access}
        %run_scoped3A_137 = arith.constant 0 : i32
        %run_scoped3A_138 = arith.constant 1 : i32
        "tpu.region"() ({
          %run_scoped3A_140 = tpu.sem_alloc : memref<!tpu.dma_semaphore, #tpu.memory_space<semaphore_mem>>
          %dma_start3A_141 = arith.constant 0 : i32
          %dma_start3A_142 = tpu.memref_slice %arg17[%run_scoped3A_137, %dma_start3A_141] : memref<1x128xf32, #tpu.memory_space<vmem>> -> memref<1x128xf32, #tpu.memory_space<vmem>>
          %dma_start3A_143 = tpu.memref_squeeze %dma_start3A_142 : memref<1x128xf32, #tpu.memory_space<vmem>> -> memref<128xf32, #tpu.memory_space<vmem>>
          %dma_start3A_144 = arith.constant 0 : i32
          %dma_start3A_145 = tpu.memref_slice %arg15[%run_scoped3A_138, %dma_start3A_144] : memref<3x128xi32, #tpu.memory_space<vmem>> -> memref<1x128xi32, #tpu.memory_space<vmem>>
          %dma_start3A_146 = tpu.memref_squeeze %dma_start3A_145 : memref<1x128xi32, #tpu.memory_space<vmem>> -> memref<128xi32, #tpu.memory_space<vmem>>
          %dma_start3A_147 = arith.constant 0 : i32
          %dma_start3A_148 = tpu.memref_slice %arg11[%dma_start3A_147] : memref<10240xf32, #tpu.memory_space<vmem_shared>> -> memref<10240xf32, #tpu.memory_space<vmem_shared>>
          tpu.enqueue_indirect_dma source(%dma_start3A_143 : memref<128xf32, #tpu.memory_space<vmem>>) target(%dma_start3A_148 : memref<10240xf32, #tpu.memory_space<vmem_shared>>) offsets(%dma_start3A_146 : memref<128xi32, #tpu.memory_space<vmem>>) semaphore(%run_scoped3A_140 : memref<!tpu.dma_semaphore, #tpu.memory_space<semaphore_mem>>) {add = true}
          %dma_wait3A_149 = arith.constant 0 : i32
          %dma_wait3A_150 = tpu.memref_slice %arg17[%run_scoped3A_137, %dma_wait3A_149] : memref<1x128xf32, #tpu.memory_space<vmem>> -> memref<1x128xf32, #tpu.memory_space<vmem>>
          %dma_wait3A_151 = tpu.memref_squeeze %dma_wait3A_150 : memref<1x128xf32, #tpu.memory_space<vmem>> -> memref<128xf32, #tpu.memory_space<vmem>>
          %dma_wait3A_152 = arith.constant 0 : i32
          %dma_wait3A_153 = tpu.memref_slice %arg15[%run_scoped3A_138, %dma_wait3A_152] : memref<3x128xi32, #tpu.memory_space<vmem>> -> memref<1x128xi32, #tpu.memory_space<vmem>>
          %dma_wait3A_154 = tpu.memref_squeeze %dma_wait3A_153 : memref<1x128xi32, #tpu.memory_space<vmem>> -> memref<128xi32, #tpu.memory_space<vmem>>
          %dma_wait3A_155 = arith.constant 0 : i32
          %dma_wait3A_156 = tpu.memref_slice %arg11[%dma_wait3A_155] : memref<10240xf32, #tpu.memory_space<vmem_shared>> -> memref<10240xf32, #tpu.memory_space<vmem_shared>>
          tpu.wait_indirect_dma semaphore(%run_scoped3A_140 : memref<!tpu.dma_semaphore, #tpu.memory_space<semaphore_mem>>) src(%dma_wait3A_151 : memref<128xf32, #tpu.memory_space<vmem>>) dst(%dma_wait3A_156 : memref<10240xf32, #tpu.memory_space<vmem_shared>>)
          tpu.yield
        }) : () -> ()
        %run_scoped3A_139 = arith.constant 1 : i32
        "tpu.region"() ({
          %run_scoped3A_140 = tpu.sem_alloc : memref<!tpu.dma_semaphore, #tpu.memory_space<semaphore_mem>>
          %dma_start3A_141 = arith.constant 0 : i32
          %dma_start3A_142 = tpu.memref_slice %arg15[%run_scoped3A_139, %dma_start3A_141] : memref<3x128xi32, #tpu.memory_space<vmem>> -> memref<1x128xi32, #tpu.memory_space<vmem>>
          %dma_start3A_143 = tpu.memref_squeeze %dma_start3A_142 : memref<1x128xi32, #tpu.memory_space<vmem>> -> memref<128xi32, #tpu.memory_space<vmem>>
          %dma_start3A_144 = arith.constant 0 : i32
          %dma_start3A_145 = arith.constant 0 : i32
          %dma_start3A_146 = tpu.memref_slice %arg10[%dma_start3A_144, %dma_start3A_145] : memref<10240x128xf32, #tpu.memory_space<vmem_shared>> -> memref<10240x128xf32, #tpu.memory_space<vmem_shared>>
          tpu.enqueue_indirect_dma source(%arg13 : memref<128x128xf32, #tpu.memory_space<vmem>>) target(%dma_start3A_146 : memref<10240x128xf32, #tpu.memory_space<vmem_shared>>) offsets(%dma_start3A_143 : memref<128xi32, #tpu.memory_space<vmem>>) semaphore(%run_scoped3A_140 : memref<!tpu.dma_semaphore, #tpu.memory_space<semaphore_mem>>) {add = true}
          %dma_wait3A_147 = arith.constant 0 : i32
          %dma_wait3A_148 = tpu.memref_slice %arg15[%run_scoped3A_139, %dma_wait3A_147] : memref<3x128xi32, #tpu.memory_space<vmem>> -> memref<1x128xi32, #tpu.memory_space<vmem>>
          %dma_wait3A_149 = tpu.memref_squeeze %dma_wait3A_148 : memref<1x128xi32, #tpu.memory_space<vmem>> -> memref<128xi32, #tpu.memory_space<vmem>>
          %dma_wait3A_150 = arith.constant 0 : i32
          %dma_wait3A_151 = arith.constant 0 : i32
          %dma_wait3A_152 = tpu.memref_slice %arg10[%dma_wait3A_150, %dma_wait3A_151] : memref<10240x128xf32, #tpu.memory_space<vmem_shared>> -> memref<10240x128xf32, #tpu.memory_space<vmem_shared>>
          tpu.wait_indirect_dma semaphore(%run_scoped3A_140 : memref<!tpu.dma_semaphore, #tpu.memory_space<semaphore_mem>>) src(%arg13 : memref<128x128xf32, #tpu.memory_space<vmem>>) dst(%dma_wait3A_152 : memref<10240x128xf32, #tpu.memory_space<vmem_shared>>)
          tpu.yield
        }) : () -> ()
      } else {
      }
      %add3A_121 = arith.constant 64 : i32
      %add3A_122 = arith.addi %add3A_108, %add3A_121 : i32
      %lt3A_123 = arith.constant 2500 : i32
      %lt3A_124 = arith.cmpi slt, %add3A_122, %lt3A_123 : i32
      %convert_element_type3A_125 = arith.extui %lt3A_124 : i1 to i32
      %cond3A_126 = arith.constant 0 : i32
      %cond3A_127 = arith.cmpi ne, %convert_element_type3A_125, %cond3A_126 : i32
      scf.if %cond3A_127 {
        %add3A_128 = arith.constant 64 : i32
        %add3A_129 = arith.addi %add3A_108, %add3A_128 : i32
        %dma_start3A_130 = arith.constant 0 : i32
        %dma_start3A_131 = arith.constant 0 : i32
        %dma_start3A_132 = tpu.memref_slice %arg3[%add3A_129, %dma_start3A_130, %dma_start3A_131] : memref<2500x3x128xi32, #tpu.memory_space<hbm>> -> memref<1x3x128xi32, #tpu.memory_space<hbm>>
        %dma_start3A_133 = tpu.memref_squeeze %dma_start3A_132 : memref<1x3x128xi32, #tpu.memory_space<hbm>> -> memref<3x128xi32, #tpu.memory_space<hbm>>
        %dma_start3A_134 = arith.constant 0 : i32
        %dma_start3A_135 = arith.constant 0 : i32
        %dma_start3A_136 = tpu.memref_slice %arg3[%add3A_129, %dma_start3A_134, %dma_start3A_135] : memref<2500x3x128xi32, #tpu.memory_space<hbm>> -> memref<1x3x128xi32, #tpu.memory_space<hbm>>
        %dma_start3A_137 = tpu.memref_squeeze %dma_start3A_136 : memref<1x3x128xi32, #tpu.memory_space<hbm>> -> memref<3x128xi32, #tpu.memory_space<hbm>>
        tpu.enqueue_dma source(%dma_start3A_137 : memref<3x128xi32, #tpu.memory_space<hbm>>) target(%arg15 : memref<3x128xi32, #tpu.memory_space<vmem>>) target_semaphore(%arg22 : memref<!tpu.dma_semaphore, #tpu.memory_space<semaphore_mem>>)
        %dma_start3A_138 = arith.constant 0 : i32
        %dma_start3A_139 = arith.constant 0 : i32
        %dma_start3A_140 = tpu.memref_slice %arg4[%add3A_129, %dma_start3A_138, %dma_start3A_139] : memref<2500x1x128xf32, #tpu.memory_space<hbm>> -> memref<1x1x128xf32, #tpu.memory_space<hbm>>
        %dma_start3A_141 = tpu.memref_squeeze %dma_start3A_140 : memref<1x1x128xf32, #tpu.memory_space<hbm>> -> memref<1x128xf32, #tpu.memory_space<hbm>>
        %dma_start3A_142 = arith.constant 0 : i32
        %dma_start3A_143 = arith.constant 0 : i32
        %dma_start3A_144 = tpu.memref_slice %arg4[%add3A_129, %dma_start3A_142, %dma_start3A_143] : memref<2500x1x128xf32, #tpu.memory_space<hbm>> -> memref<1x1x128xf32, #tpu.memory_space<hbm>>
        %dma_start3A_145 = tpu.memref_squeeze %dma_start3A_144 : memref<1x1x128xf32, #tpu.memory_space<hbm>> -> memref<1x128xf32, #tpu.memory_space<hbm>>
        tpu.enqueue_dma source(%dma_start3A_145 : memref<1x128xf32, #tpu.memory_space<hbm>>) target(%arg17 : memref<1x128xf32, #tpu.memory_space<vmem>>) target_semaphore(%arg22 : memref<!tpu.dma_semaphore, #tpu.memory_space<semaphore_mem>>)
      } else {
      }
    }
    %scan3A_67 = arith.constant 40 : i32
    %barrier3A_68 = arith.constant 0 : index
    tpu.barrier barrier_id(%barrier3A_68)
    %mul3A_69 = arith.constant 640 : i32
    %mul3A_70 = arith.muli %arg1, %mul3A_69 : i32
    %mul3A_71 = arith.constant 640 : i32
    %mul3A_72 = arith.muli %arg1, %mul3A_71 : i32
    %run_scoped3A = arith.constant 0 : i32
    "tpu.region"() ({
      %run_scoped3A_78 = tpu.sem_alloc : memref<!tpu.dma_semaphore, #tpu.memory_space<semaphore_mem>>
      %dma_start3A_79 = arith.constant 0 : i32
      %dma_start3A_80 = tpu.memref_slice %arg8[%arg0, %run_scoped3A, %mul3A_72, %dma_start3A_79] : memref<2x1x10240x128xf32, #tpu.memory_space<hbm>> -> memref<1x1x640x128xf32, #tpu.memory_space<hbm>>
      %dma_start3A_81 = tpu.memref_squeeze %dma_start3A_80 : memref<1x1x640x128xf32, #tpu.memory_space<hbm>> -> memref<640x128xf32, #tpu.memory_space<hbm>>
      %dma_start3A_82 = arith.constant 0 : i32
      %dma_start3A_83 = tpu.memref_slice %arg10[%mul3A_70, %dma_start3A_82] : memref<10240x128xf32, #tpu.memory_space<vmem_shared>> -> memref<640x128xf32, #tpu.memory_space<vmem_shared>>
      tpu.enqueue_dma source(%dma_start3A_83 : memref<640x128xf32, #tpu.memory_space<vmem_shared>>) target(%dma_start3A_81 : memref<640x128xf32, #tpu.memory_space<hbm>>) target_semaphore(%run_scoped3A_78 : memref<!tpu.dma_semaphore, #tpu.memory_space<semaphore_mem>>)
      %dma_wait3A_84 = arith.constant 0 : i32
      %dma_wait3A_85 = tpu.memref_slice %arg8[%arg0, %run_scoped3A, %mul3A_72, %dma_wait3A_84] : memref<2x1x10240x128xf32, #tpu.memory_space<hbm>> -> memref<1x1x640x128xf32, #tpu.memory_space<hbm>>
      %dma_wait3A_86 = tpu.memref_squeeze %dma_wait3A_85 : memref<1x1x640x128xf32, #tpu.memory_space<hbm>> -> memref<640x128xf32, #tpu.memory_space<hbm>>
      %dma_wait3A_87 = arith.constant 0 : i32
      %dma_wait3A_88 = tpu.memref_slice %arg10[%mul3A_70, %dma_wait3A_87] : memref<10240x128xf32, #tpu.memory_space<vmem_shared>> -> memref<640x128xf32, #tpu.memory_space<vmem_shared>>
      tpu.wait_dma2 semaphore(%run_scoped3A_78 : memref<!tpu.dma_semaphore, #tpu.memory_space<semaphore_mem>>) src(%dma_wait3A_88 : memref<640x128xf32, #tpu.memory_space<vmem_shared>>) dst(%dma_wait3A_86 : memref<640x128xf32, #tpu.memory_space<hbm>>)
      tpu.yield
    }) : () -> ()
    %mul3A_73 = arith.constant 640 : i32
    %mul3A_74 = arith.muli %arg1, %mul3A_73 : i32
    %mul3A_75 = arith.constant 640 : i32
    %mul3A_76 = arith.muli %arg1, %mul3A_75 : i32
    %run_scoped3A_77 = arith.constant 0 : i32
    "tpu.region"() ({
      %run_scoped3A_78 = tpu.sem_alloc : memref<!tpu.dma_semaphore, #tpu.memory_space<semaphore_mem>>
      %dma_start3A_79 = tpu.memref_slice %arg9[%arg0, %run_scoped3A_77, %mul3A_76] : memref<2x1x10240xf32, #tpu.memory_space<hbm>> -> memref<1x1x640xf32, #tpu.memory_space<hbm>>
      %dma_start3A_80 = tpu.memref_squeeze %dma_start3A_79 : memref<1x1x640xf32, #tpu.memory_space<hbm>> -> memref<640xf32, #tpu.memory_space<hbm>>
      %dma_start3A_81 = tpu.memref_slice %arg11[%mul3A_74] : memref<10240xf32, #tpu.memory_space<vmem_shared>> -> memref<640xf32, #tpu.memory_space<vmem_shared>>
      tpu.enqueue_dma source(%dma_start3A_81 : memref<640xf32, #tpu.memory_space<vmem_shared>>) target(%dma_start3A_80 : memref<640xf32, #tpu.memory_space<hbm>>) target_semaphore(%run_scoped3A_78 : memref<!tpu.dma_semaphore, #tpu.memory_space<semaphore_mem>>)
      %dma_wait3A_82 = tpu.memref_slice %arg9[%arg0, %run_scoped3A_77, %mul3A_76] : memref<2x1x10240xf32, #tpu.memory_space<hbm>> -> memref<1x1x640xf32, #tpu.memory_space<hbm>>
      %dma_wait3A_83 = tpu.memref_squeeze %dma_wait3A_82 : memref<1x1x640xf32, #tpu.memory_space<hbm>> -> memref<640xf32, #tpu.memory_space<hbm>>
      %dma_wait3A_84 = tpu.memref_slice %arg11[%mul3A_74] : memref<10240xf32, #tpu.memory_space<vmem_shared>> -> memref<640xf32, #tpu.memory_space<vmem_shared>>
      tpu.wait_dma2 semaphore(%run_scoped3A_78 : memref<!tpu.dma_semaphore, #tpu.memory_space<semaphore_mem>>) src(%dma_wait3A_84 : memref<640xf32, #tpu.memory_space<vmem_shared>>) dst(%dma_wait3A_83 : memref<640xf32, #tpu.memory_space<hbm>>)
      tpu.yield
    }) : () -> ()
    return
  }
}

module attributes {stable_mosaic.version = 14 : i64} {
  func.func @_mm_body(%arg0: i32, %arg1: memref<2000x128xf32, #tpu.memory_space<vmem>>, %arg2: memref<128x128xf32, #tpu.memory_space<vmem>>, %arg3: memref<2000x128xf32, #tpu.memory_space<vmem>>) attributes {dimension_semantics = [#tpu.dimension_semantics<arbitrary>], iteration_bounds = array<i64: 5>, scalar_prefetch = 0 : i64, scratch_operands = 0 : i64, tpu.core_type = #tpu.core_type<tc>, window_params = [{transform_indices = @transform_0, window_bounds = array<i64: 2000, 128>}, {pipeline_mode = #tpu.pipeline_mode<synchronous>, transform_indices = @transform_1, window_bounds = array<i64: 128, 128>}, {transform_indices = @transform_2, window_bounds = array<i64: 2000, 128>}]} {
    %get3A = arith.constant 0 : index
    %get3A_0 = arith.constant 0 : index
    %get3A_1 = vector.load %arg1[%get3A, %get3A_0] : memref<2000x128xf32, #tpu.memory_space<vmem>>, vector<2000x128xf32>
    %get3A_2 = arith.constant 0 : index
    %get3A_3 = arith.constant 0 : index
    %get3A_4 = vector.load %arg2[%get3A_2, %get3A_3] : memref<128x128xf32, #tpu.memory_space<vmem>>, vector<128x128xf32>
    %dot_general3A = arith.constant dense<0.000000e+00> : vector<2000x128xf32>
    %dot_general3A_5 = tpu.matmul %get3A_1, %get3A_4, %dot_general3A {dimension_numbers = #tpu.dot_dimension_numbers<[1], [0], [0], [1], [0, 0, 1, 1], [], []>, transpose_lhs_hint = false} : vector<2000x128xf32>, vector<128x128xf32>, vector<2000x128xf32> -> vector<2000x128xf32>
    %swap3A = arith.constant 0 : index
    %swap3A_6 = arith.constant 0 : index
    %swap3A_7 = vector.load %arg3[%swap3A, %swap3A_6] : memref<2000x128xf32, #tpu.memory_space<vmem>>, vector<2000x128xf32>
    tpu.vector_store %arg3[%swap3A, %swap3A_6], %dot_general3A_5 {strides = array<i32>} : memref<2000x128xf32, #tpu.memory_space<vmem>>, vector<2000x128xf32>,
    return
  }
  func.func @transform_0(%arg0: i32) -> (i32, i32) {
    %c0_i32 = arith.constant 0 : i32
    %c0_i32_0 = arith.constant 0 : i32
    return %arg0, %c0_i32 : i32, i32
  }
  func.func @transform_1(%arg0: i32) -> (i32, i32) {
    %c0_i32 = arith.constant 0 : i32
    %c0_i32_0 = arith.constant 0 : i32
    %c0_i32_1 = arith.constant 0 : i32
    return %c0_i32, %c0_i32_0 : i32, i32
  }
  func.func @transform_2(%arg0: i32) -> (i32, i32) {
    %c0_i32 = arith.constant 0 : i32
    %c0_i32_0 = arith.constant 0 : i32
    return %arg0, %c0_i32 : i32, i32
  }
}

module attributes {stable_mosaic.version = 14 : i64} {
  func.func @_fin_body(%arg0: i32, %arg1: memref<2x1x2000x128xf32, #tpu.memory_space<vmem>>, %arg2: memref<2x2000x1xf32, #tpu.memory_space<vmem>>, %arg3: memref<1x128xf32, #tpu.memory_space<vmem>>, %arg4: memref<2000x128xf32, #tpu.memory_space<vmem>>) attributes {dimension_semantics = [#tpu.dimension_semantics<arbitrary>], iteration_bounds = array<i64: 5>, scalar_prefetch = 0 : i64, scratch_operands = 0 : i64, tpu.core_type = #tpu.core_type<tc>, window_params = [{transform_indices = @transform_0, window_bounds = array<i64: 2, 1, 2000, 128>}, {transform_indices = @transform_1, window_bounds = array<i64: 2, 2000, 1>}, {pipeline_mode = #tpu.pipeline_mode<synchronous>, transform_indices = @transform_2, window_bounds = array<i64: 1, 128>}, {transform_indices = @transform_3, window_bounds = array<i64: 2000, 128>}]} {
    %get3A = arith.constant 0 : index
    %get3A_0 = arith.constant 0 : index
    %get3A_1 = arith.constant 0 : index
    %get3A_2 = arith.constant 0 : index
    %get3A_3 = vector.load %arg1[%get3A, %get3A_0, %get3A_1, %get3A_2] : memref<2x1x2000x128xf32, #tpu.memory_space<vmem>>, vector<1x1x2000x128xf32>
    %get3A_4 = vector.shape_cast %get3A_3 : vector<1x1x2000x128xf32> to vector<2000x128xf32>
    %get3A_5 = arith.constant 1 : index
    %get3A_6 = arith.constant 0 : index
    %get3A_7 = arith.constant 0 : index
    %get3A_8 = arith.constant 0 : index
    %get3A_9 = vector.load %arg1[%get3A_5, %get3A_6, %get3A_7, %get3A_8] : memref<2x1x2000x128xf32, #tpu.memory_space<vmem>>, vector<1x1x2000x128xf32>
    %get3A_10 = vector.shape_cast %get3A_9 : vector<1x1x2000x128xf32> to vector<2000x128xf32>
    %add3A = arith.addf %get3A_4, %get3A_10 : vector<2000x128xf32>
    %get3A_11 = arith.constant 0 : index
    %get3A_12 = arith.constant 0 : index
    %get3A_13 = arith.constant 0 : index
    %get3A_14 = vector.load %arg2[%get3A_11, %get3A_12, %get3A_13] : memref<2x2000x1xf32, #tpu.memory_space<vmem>>, vector<1x2000x1xf32>
    %get3A_15 = vector.shape_cast %get3A_14 : vector<1x2000x1xf32> to vector<2000x1xf32>
    %get3A_16 = arith.constant 1 : index
    %get3A_17 = arith.constant 0 : index
    %get3A_18 = arith.constant 0 : index
    %get3A_19 = vector.load %arg2[%get3A_16, %get3A_17, %get3A_18] : memref<2x2000x1xf32, #tpu.memory_space<vmem>>, vector<1x2000x1xf32>
    %get3A_20 = vector.shape_cast %get3A_19 : vector<1x2000x1xf32> to vector<2000x1xf32>
    %add3A_21 = arith.addf %get3A_15, %get3A_20 : vector<2000x1xf32>
    %get3A_22 = arith.constant 0 : index
    %get3A_23 = arith.constant 0 : index
    %get3A_24 = vector.load %arg3[%get3A_22, %get3A_23] : memref<1x128xf32, #tpu.memory_space<vmem>>, vector<1x128xf32>
    %mul3A = vector.broadcast %add3A_21 : vector<2000x1xf32> to vector<2000x128xf32>
    %mul3A_25 = vector.broadcast %get3A_24 : vector<1x128xf32> to vector<2000x128xf32>
    %mul3A_26 = arith.mulf %mul3A, %mul3A_25 : vector<2000x128xf32>
    %add3A_27 = arith.addf %add3A, %mul3A_26 : vector<2000x128xf32>
    %add3A_28 = arith.constant 9.99999997E-7 : f32
    %add3A_29 = vector.broadcast %add3A_28 : f32 to vector<2000x1xf32>
    %add3A_30 = arith.addf %add3A_21, %add3A_29 : vector<2000x1xf32>
    %div3A = vector.broadcast %add3A_30 : vector<2000x1xf32> to vector<2000x128xf32>
    %div3A_31 = arith.divf %add3A_27, %div3A : vector<2000x128xf32>
    %max3A = arith.constant 0.000000e+00 : f32
    %max3A_32 = vector.broadcast %max3A : f32 to vector<2000x128xf32>
    %max3A_33 = arith.maximumf %div3A_31, %max3A_32 : vector<2000x128xf32>
    %swap3A = arith.constant 0 : index
    %swap3A_34 = arith.constant 0 : index
    %swap3A_35 = vector.load %arg4[%swap3A, %swap3A_34] : memref<2000x128xf32, #tpu.memory_space<vmem>>, vector<2000x128xf32>
    tpu.vector_store %arg4[%swap3A, %swap3A_34], %max3A_33 {strides = array<i32>} : memref<2000x128xf32, #tpu.memory_space<vmem>>, vector<2000x128xf32>,
    return
  }
  func.func @transform_0(%arg0: i32) -> (i32, i32, i32, i32) {
    %c0_i32 = arith.constant 0 : i32
    %c0_i32_0 = arith.constant 0 : i32
    %c0_i32_1 = arith.constant 0 : i32
    %c0_i32_2 = arith.constant 0 : i32
    return %c0_i32, %c0_i32_0, %arg0, %c0_i32_1 : i32, i32, i32, i32
  }
  func.func @transform_1(%arg0: i32) -> (i32, i32, i32) {
    %c0_i32 = arith.constant 0 : i32
    %c0_i32_0 = arith.constant 0 : i32
    %c0_i32_1 = arith.constant 0 : i32
    return %c0_i32, %arg0, %c0_i32_0 : i32, i32, i32
  }
  func.func @transform_2(%arg0: i32) -> (i32, i32) {
    %c0_i32 = arith.constant 0 : i32
    %c0_i32_0 = arith.constant 0 : i32
    %c0_i32_1 = arith.constant 0 : i32
    return %c0_i32, %c0_i32_0 : i32, i32
  }
  func.func @transform_3(%arg0: i32) -> (i32, i32) {
    %c0_i32 = arith.constant 0 : i32
    %c0_i32_0 = arith.constant 0 : i32
    return %arg0, %c0_i32 : i32, i32
  }
}

</mosaic_0001>

<sc_bundles>
// kernel: kernel.5.cloned.1.call-start
scs
__scs_entry_jumppad:
0x0: {  	(pc) =	sbr.rel $0x88, $3  }
0x1: {  	(tag) =	ssettag $0x0;
	lr =	simm.s32 $0x1  }
0x2: {  	[smem:$0x3F99] =	sst lr;
	_ =	strace $0xD0000000  }
0x3: {  	_ = 	snop  }
0x4: {  	_ = 	snop  }
0x5: {  	_ = 	snop  }
0x6: {  	_ = 	snop  }
0x7: {  	_ = 	snop  }
__scs_overlays_trampoline_lowered:
0x8: {  	[smem:$0x3FA8] =	sst s0  }
0x9: {  	[smem:$0x3FA9] =	sst s1  }
0xa: {  	[smem:$0x3FAA] =	sst s2  }
0xb: {  	[smem:$0x3FAB] =	sst s3  }
0xc: {  	[smem:$0x3FAC] =	sst s4  }
0xd: {  	[smem:$0x3FAD] =	sst s5  }
0xe: {  	[smem:$0x3FAE] =	sst s6  }
0xf: {  	[smem:$0x3FAF] =	sst s7  }
0x10: {  	[smem:$0x3FB0] =	sst s8  }
0x11: {  	[smem:$0x3FB1] =	sst s9;
	s0 =	simm.s32 @!p0 $0x0  }
0x12: {  	s1 =	sld [smem:$0x3F97];
	s0 =	simm.s32 @p0 $0x1  }
0x13: {  	[smem:$0x3FB2] =	sst s0;
	s0 =	simm.s32 @!p1 $0x0  }
0x14: {  	s2 =	sld [smem:$0x3F96];
	s0 =	simm.s32 @p1 $0x1  }
0x15: {  	[smem:$0x3FB3] =	sst s0;
	s0 =	simm.s32 @!p2 $0x0  }
0x16: {  	s3 =	sld [smem:$0x3FDB];
	s0 =	simm.s32 @p2 $0x1  }
0x17: {  	s4 =	simm.s32 $0x1BF5;
	[smem:$0x3FB5] =	sst s0  }
0x18: {  	s0 =	sld [smem:$0x3F98];
	_ =	swait.ge [sflag:s4], $0x0  }
0x19: {  	s7 =	sld [smem:$0x3F99]  }
0x1a: {  	s8 =	sadd.s32 $0xFFFFE003, lr  }
0x1b: {  	s9 =	sadd.s32 $0xFFFFFEF7, lr;
	s5 =	simm.s32 $0xFFFFFFFF;
	p2 =	slt.u32 s8, $0xFFFFF086  }
0x1c: {  	p1 =	slt.u32 s9, $0xF7A;
	s5 =	simm.s32 @!p2 $0x0  }
0x1d: {  	s5 =	simm.s32 @p1 $0x1;
	p0 =	seq.s32 s7, s2  }
0x1e: {  	s7 =	smul.u32 @!p0 $0xF7A, s2;
	p2 =	seq.s32 @!p0 s5, $0x0  }
0x1f: {  	s9 =	smul.u32 $0xF7A, s1;
	s8 =	simm.s32 @!p0 $0x1BF5;
	p2 =	por !p2, p0  }
0x20: {  	[sflag:s8] =	ssyncset.s32 @!p0 $0xFFFFF086;
	s6 =	sadd.s32 @!p0 s3, s7;
	s7 =	simm.s32 @!p0 $0x108  }
0x21: {  	s3 =	sadd.s32 s3, s9;
	s6 =	sadd.s32 @!p0 $0x88, s6;
	s7 =	simm.s32 @p2 $0x1082  }
0x22: {  	[simem:s7], [sflag:s8] =	dma.local @!p0 [hbm:s6], $0xF7A  }
0x23: {  	s9 =	sor.u32 $0xD0000000, s2;
	s6 =	simm.s32 $0x108;
	_ =	swait.ge @!p0 [sflag:s8], $0x0  }
0x24: {  	s3 =	sadd.s32 $0x88, s3;
	s6 =	simm.s32 @!p1 $0x1082;
	[sflag:s4] =	ssyncset.s32 $0xFFFFF086  }
0x25: {  	[simem:s6], [sflag:s4] =	dma.local [hbm:s3], $0xF7A  }
0x26: {  	[smem:$0x3F99] =	sst s1;
	(tag) =	ssettag s2;
	_ =	strace s9  }
0x27: {  	s1 =	sld [smem:$0x3FA9]  }
0x28: {  	s2 =	sld [smem:$0x3FAA]  }
0x29: {  	s4 =	sld [smem:$0x3FAC]  }
0x2a: {  	p0 =	seq.s32 s5, $0x0;
	s5 =	sld [smem:$0x3FAD]  }
0x2b: {  	s6 =	sld [smem:$0x3FAE]  }
0x2c: {  	s7 =	sld [smem:$0x3FAF]  }
0x2d: {  	s3 =	simm.s32 $0x108;
	s8 =	sld [smem:$0x3FB0]  }
0x2e: {  	s3 =	simm.s32 @!p0 $0x1082;
	s9 =	sld [smem:$0x3FB1]  }
0x2f: {  	lr =	sadd.s32 s0, s3;
	s0 =	sld [smem:$0x3FA8]  }
0x30: {  	s3 =	sld [smem:$0x3FAB]  }
0x31: {  	[smem:$0x3FB4] =	sst s10  }
0x32: {  	s10 =	sld [smem:$0x3FB2];
	_ =	sdelay $0x3  }
0x33: {  	p0 =	seq.s32 s10, $0x1;
	s10 =	sld [smem:$0x3FB4];
	_ =	sdelay $0x3  }
0x34: {  	[smem:$0x3FB4] =	sst s10  }
0x35: {  	s10 =	sld [smem:$0x3FB3];
	_ =	sdelay $0x3  }
0x36: {  	p1 =	seq.s32 s10, $0x1;
	s10 =	sld [smem:$0x3FB4];
	_ =	sdelay $0x3  }
0x37: {  	[smem:$0x3FB4] =	sst s10  }
0x38: {  	s10 =	sld [smem:$0x3FB5]  }
0x39: {  	_ = 	snop;
	(pc) =	sbr.ind lr, $3  }
0x3a: {  	_ = 	snop  }
0x3b: {  	_ = 	snop  }
0x3c: {  	p2 =	seq.s32 s10, $0x1;
	s10 =	sld [smem:$0x3FB4]  }
0x3d: {  	_ =	shalt  }
0x3e: {  	_ =	shalt  }
0x3f: {  	_ =	shalt  }
0x40: {  	_ =	shalt  }
0x41: {  	_ =	shalt  }
0x42: {  	_ =	shalt  }
0x43: {  	_ =	shalt  }
0x44: {  	_ =	shalt  }
0x45: {  	_ =	shalt  }
0x46: {  	_ =	shalt  }
0x47: {  	_ =	shalt  }
0x48: {  	_ =	shalt  }
0x49: {  	_ =	shalt  }
0x4a: {  	_ =	shalt  }
0x4b: {  	_ =	shalt  }
0x4c: {  	_ =	shalt  }
0x4d: {  	_ =	shalt  }
0x4e: {  	_ =	shalt  }
0x4f: {  	_ =	shalt  }
0x50: {  	_ =	shalt  }
0x51: {  	_ =	shalt  }
0x52: {  	_ =	shalt  }
0x53: {  	_ =	shalt  }
0x54: {  	_ =	shalt  }
0x55: {  	_ =	shalt  }
0x56: {  	_ =	shalt  }
0x57: {  	_ =	shalt  }
0x58: {  	_ =	shalt  }
0x59: {  	_ =	shalt  }
0x5a: {  	_ =	shalt  }
0x5b: {  	_ =	shalt  }
0x5c: {  	_ =	shalt  }
0x5d: {  	_ =	shalt  }
0x5e: {  	_ =	shalt  }
0x5f: {  	_ =	shalt  }
0x60: {  	_ =	shalt  }
0x61: {  	_ =	shalt  }
0x62: {  	_ =	shalt  }
0x63: {  	_ =	shalt  }
0x64: {  	_ =	shalt  }
0x65: {  	_ =	shalt  }
0x66: {  	_ =	shalt  }
0x67: {  	_ =	shalt  }
0x68: {  	_ =	shalt  }
0x69: {  	_ =	shalt  }
0x6a: {  	_ =	shalt  }
0x6b: {  	_ =	shalt  }
0x6c: {  	_ =	shalt  }
0x6d: {  	_ =	shalt  }
0x6e: {  	_ =	shalt  }
0x6f: {  	_ =	shalt  }
0x70: {  	_ =	shalt  }
0x71: {  	_ =	shalt  }
0x72: {  	_ =	shalt  }
0x73: {  	_ =	shalt  }
0x74: {  	_ =	shalt  }
0x75: {  	_ =	shalt  }
0x76: {  	_ =	shalt  }
0x77: {  	_ =	shalt  }
0x78: {  	_ =	shalt  }
0x79: {  	_ =	shalt  }
0x7a: {  	_ =	shalt  }
0x7b: {  	_ =	shalt  }
0x7c: {  	_ =	shalt  }
0x7d: {  	_ =	shalt  }
0x7e: {  	_ =	shalt  }
0x7f: {  	_ =	shalt  }
0x80: {  	_ =	shalt  }
0x81: {  	_ =	shalt  }
0x82: {  	_ =	shalt  }
0x83: {  	_ =	shalt  }
0x84: {  	_ =	shalt  }
0x85: {  	_ =	shalt  }
0x86: {  	_ =	shalt  }
0x87: {  	_ =	shalt  }
.Lfunc_end0:
.L_simem_size_0:
called_computation_lowered:
.L_overlay_start_0:
0x88: {  	s2 =	sld [smem:$0x3FD9]  }
0x89: {  	s3 =	sld [smem:$0x3FFE];
	_ =	sdelay $0x1  }
0x8a: {  	s1 =	srdreg.scid  }
0x8b: {  	s0 =	sand.u32 $0x1, s1  }
0x8c: {  	s17 =	sshll.u32 s0, $0xA;
	s2 =	sadd.s32 s3, s2  }
0x8d: {  	s2 =	sadd.s32 s2, s17  }
0x8e: {  	[smem:$0x3FC0] =	sst s2  }
0x8f: {  	_ = 	snop  }
0x90: {  	s2 =	sld [smem:$0x3FC2]  }
0x91: {  	s18 =	sld [smem:$0x3FD0];
	(tm) =	ssettm $0x1  }
0x92: {  	s4 =	sld [smem:$0x3FFB];
	_ =	sdelay $0x3  }
0x93: {  	_ =	strace s4  }
0x94: {  	s4 =	sld [smem:$0x3FFC];
	_ =	sdelay $0x3  }
0x95: {  	_ =	strace s4  }
0x96: {  	s4 =	sld [smem:$0x3FFD];
	_ =	sdelay $0x3  }
0x97: {  	_ =	strace s4  }
0x98: {  	_ =	strace $0x8FFFFFFF  }
0x99: {  	s19 =	sld [smem:$0x3FDB];
	_ =	sdelay $0x1  }
0x9a: {  	s5 =	simm.s32 $_scs_section_size  }
0x9b: {  	s6 =	simm.s32 $_size__tile_overlayer_lowered;
	s7 =	simm.s32 $_tile_overlayer_lowered  }
0x9c: {  	s22 =	simm.s32 $0x1BFF;
	s21 =	sshll.u32 s7, $0x1;
	s4 =	sadd.s32 s5, s19  }
0x9d: {  	s8 =	simm.s32 $0x0;
	s20 =	sshll.u32 s6, $0x1;
	s6 =	sadd.s32 s21, s4  }
0x9e: {  	[timem:s8], [sflag:s22] =	dma.local [hbm:s6], s20  }
0x9f: {  	_ =	swait.ge [sflag:s22], s20  }
0xa0: {  	s5 =	ssub.s32 $0x0, s20;
	[sflag:s22] =	ssyncset.done $0x0  }
0xa1: {  	[sflag:s22] =	ssyncadd.s32 s5;
	_ =	sdelay $0x1  }
0xa2: {  	s23 =	simm.s32 $0x1B8B  }
0xa3: {  	_ =	swait.ge [sflag:s23], $0x1  }
0xa4: {  	[sflag:s23] =	ssyncset.done $0x0  }
0xa5: {  	s25 =	simm.s32 $0x1B8E;
	s24 =	sld [smem:$0x3FFE];
	[sflag:s23] =	ssyncadd.s32 $0xFFFFFFFF  }
0xa6: {  	s26 =	simm.s32 $execute0_lowered;
	[smem:$0x3FD2] =	sst s25  }
0xa7: {  	s6 =	sshll.u32 s26, $0x1;
	_ =	strace $0x80000046;
	[dreg:$0x1] =	wrdreg $0xFFFFFFFF  }
0xa8: {  	s28 =	simm.s32 $_size_execute0_lowered;
	s4 =	sadd.s32 s4, s6;
	[dreg:$0x0] =	wrdreg $0x0  }
0xa9: {  	s6 =	sshll.u32 s28, $0x1;
	[dreg:$0x2] =	wrdreg s4  }
0xaa: {  	[dreg:$0x3] =	wrdreg s6  }
0xab: {  	[dreg:$0x4] =	wrdreg $0xC0  }
0xac: {  	_ =	task [dreg:s8], $0x5FFFF  }
0xad: {  	[dreg:$0x1] =	wrdreg $0xFFFFFFFF  }
0xae: {  	[dreg:$0x0] =	wrdreg $0x60  }
0xaf: {  	[dreg:$0x2] =	wrdreg s18  }
0xb0: {  	[dreg:$0x3] =	wrdreg s24  }
0xb1: {  	[dreg:$0x4] =	wrdreg s2  }
0xb2: {  	[dreg:$0x5] =	wrdreg $0x0  }
0xb3: {  	[dreg:$0x6] =	wrdreg $0x140000  }
0xb4: {  	[dreg:$0x7] =	wrdreg $0x9  }
0xb5: {  	_ =	task.clear_ibuf [dreg:s8], $0x8FFFF;
	_ =	strace $0x90000046  }
0xb6: {  	s29 =	simm.s32 $0x9;
	_ =	strace $0x80000048  }
0xb7: {  	_ =	swait.ge [sflag:s29], $0x1  }
0xb8: {  	[sflag:s29] =	ssyncadd.s32 $0xFFFFFFFF  }
0xb9: {  	_ =	strace $0x90000048  }
0xba: {  	_ =	sfence  }
0xbb: {  	s30 =	sld [smem:$0x0];
	_ =	sdelay $0x2  }
0xbc: {  	s31 =	sshll.u32 s1, $0xD;
	s1 =	sshrl.u32 s1, $0x2  }
0xbd: {  	s3 =	sand.u32 $0x4000, s31;
	s1 =	sadd.s32 s1, s30  }
0xbe: {  	s0 =	sor.u32 s3, s0;
	s1 =	sshll.u32 s1, $0x11  }
0xbf: {  	s0 =	sor.u32 s1, s0  }
0xc0: {  	s0 =	sadd.s32 $0x8F2B, s0  }
0xc1: {  	[sflag:s0] =	ssyncadd.remote.s32 $0x1  }
0xc2: {  	_ =	sfence.sel $0xFFFF  }
0xc3: {  	[dreg:$0x0] =	wrdreg $0xFFFFFFFF;
	(pc) =	sbr.abs _section_cstart, $3  }
0xc4: {  	[dreg:$0x1] =	wrdreg $0xFFFFFFFF  }
0xc5: {  	_ =	task.clear_ibuf [dreg:s8], $0x2FFFF;
	_ =	strace $0x9FFFFFFF  }
0xc6: {  	(tm) =	ssettm $0x7FFFFFFF  }
0xc7: {  	_ =	shalt  }
tec
execute0_lowered:
.L_overlay_start_1:
0x0: {  	(tag) =	ssettag $0x1  }
0x1: {  	s0 =	rddreg [dreg:$0x0]  }
0x2: {  	s1 =	rddreg [dreg:$0x1]  }
0x3: {  	s4 =	rddreg [dreg:$0x3]  }
0x4: {  	s2 =	srdreg.scid;
	s5 =	rddreg [dreg:$0x4]  }
0x5: {  	s15 =	stileid.u32;
	s6 =	simm.s32 $0x0;
	s19 =	simm.s32 $0x1C780  }
0x6: {  	s28 =	simm.s32 $0x1C700;
	s29 =	simm.s32 $0x3;
	s30 =	simm.s32 $0x80  }
0x7: {  	s31 =	simm.s32 $0x14280;
	s2 =	sand.u32 $0x1, s2;
	s9 =	smul.u32 $0x14000, s15  }
0x8: {  	[smem:$0x7FF] =	sst s6;
	s10 =	smul.u32 $0x280, s15;
	s7 =	sadd.s32 $0xB400, s1  }
0x9: {  	s8 =	sadd.s32 $0x1600, s1;
	s12 =	sadd.s32 $0x32800, s1;
	s14 =	smul.u32 $0x50000, s15  }
0xa: {  	s26 =	sadd.s32 $0x32600, s1;
	s3 =	smul.u32 $0x140000, s2;
	_ =	strace $0x80000047  }
0xb: {  	s11 =	smul.u32 $0x2800, s2;
	[dreg:$0x6] =	wrdreg s12;
	s16 =	ssub.s32 $0x2, s2  }
0xc: {  	[dreg:$0x7] =	wrdreg s26;
	s26 =	sshll.u32 s15, $0x6;
	s17 =	sshrl.u32 s16, $0x1  }
0xd: {  	s14 =	sshrl.u32 s14, $0x2;
	s3 =	sadd.s32 s9, s3;
	s13 =	sadd.s32 s10, s11  }
0xe: {  	s18 =	sadd.s32 s14, s4;
	s10 =	sadd.s32 s10, s5;
	s3 =	sshrl.u32 s3, $0x3  }
0xf: {  	s9 =	sshrl.u32 s13, $0x3;
	s13 =	sshll.u32 s15, $0x1;
	s15 =	sshrl.u32 s18, $0x3  }
0x10: {  	s3 =	sadd.s32 s3, s1;
	s1 =	sadd.s32 s9, s1;
	s9 =	ssub.s32 s16, s17  }
0x11: {  	s11 =	sor.u32 s2, s13;
	s16 =	sshrl.u32 s10, $0x3;
	s2 =	simm.s32 $0x4  }
0x12: {  	s10 =	simm.s32 $0x2;
	[dreg:$0xf] =	wrdreg s15;
	s20 =	sshll.u32 s11, $0x6  }
0x13: {  	s13 =	sor.u32 $0x20, s11;
	s21 =	sshll.u32 s11, $0x4;
	s3 =	sadd.s32 $0x35A00, s3  }
0x14: {  	s1 =	sadd.s32 $0x35000, s1;
	s25 =	smax.u32 s9, $0x1;
	[dreg:$0x10] =	wrdreg s16  }
0x15: {  	s9 =	simm.s32 $0x1C300;
	s12 =	sadd.s32 s7, s20;
	[dreg:$0xc] =	wrdreg s3  }
0x16: {  	s22 =	sshll.u32 s13, $0x6;
	s24 =	sshll.u32 s13, $0x4;
	[dreg:$0xd] =	wrdreg s1  }
0x17: {  	[dreg:$0xe] =	wrdreg s25;
	s20 =	simm.s32 $0x5;
	s25 =	simm.s32 $0x1C680  }
.Ltmp0:
0x18: {  	s3 =	simm.s32 $0x18280;
	s1 =	simm.s32 $0x1;
	(pc) =	sbr.rel .LBB2_1-.Ltmp0, $4  }
0x19: {  	v0 =	vlaneseq.u32;
	s13 =	simm.s32 $0x0;
	[dreg:$0x8] =	wrdreg s12;
	s12 =	sadd.s32 s8, s21  }
0x1a: {  	v1 =	vor.u32 $0x10, v0;
	s23 =	sadd.s32 s7, s22;
	s21 =	sor.u32 $0x1C05, s26;
	[dreg:$0x9] =	wrdreg s12  }
0x1b: {  	v2 =	vor.u32 $0x20, v0;
	v3 =	vor.u32 $0x30, v0;
	v4 =	vor.u32 $0x40, v0;
	s26 =	simm.s32 $0x1C480;
	[dreg:$0xa] =	wrdreg s23;
	s12 =	sadd.s32 s8, s24  }
0x1c: {  	v5 =	vor.u32 $0x50, v0;
	v6 =	vor.u32 $0x60, v0;
	v7 =	vor.u32 $0x70, v0;
	s24 =	simm.s32 $0x1C280;
	[dreg:$0xb] =	wrdreg s12;
	s12 =	simm.s32 $0x1C500  }
.LBB2_15:
0x1d: {  	[bflag:$0x0] =	sbarrier.arrive $0xFFFF  }
0x1e: {  	s14 =	rddreg [dreg:$0xc]  }
0x1f: {  	s15 =	rddreg [dreg:$0xf]  }
0x20: {  	[hbm:s14], [sflag:s21] =	dma.local [spmem:s15], $0x2800  }
0x21: {  	_ =	swait.ge [sflag:s20], $0x2800  }
0x22: {  	[sflag:s20] =	ssyncset.done $0x0;
	s22 =	rddreg [dreg:$0xd]  }
0x23: {  	s16 =	rddreg [dreg:$0x10];
	[sflag:s20] =	ssyncadd.s32 $0xFFFFD800  }
0x24: {  	[hbm:s22], [sflag:s21] =	dma.local [spmem:s16], $0x50  }
0x25: {  	_ =	swait.ge [sflag:s20], $0x50  }
0x26: {  	s13 =	sadd.s32 $0x1, s13;
	s23 =	rddreg [dreg:$0xe]  }
0x27: {  	p0 =	sne.s32 s13, s23  }
.Ltmp1:
0x28: {  	_ = 	snop;
	(pc) =	sbr.rel @!p0 .LBB2_16-.Ltmp1, $3  }
0x29: {  	_ =	sdelay $0x1  }
0x2a: {  	[sflag:s20] =	ssyncset.done $0x0  }
0x2b: {  	[sflag:s20] =	ssyncadd.s32 $0xFFFFFFB0  }
.LBB2_1:
0x2c: {  	s14 =	rddreg [dreg:$0x2]  }
0x2d: {  	[tilespmem:s19], [sflag:$0x5] =	stream.linear.gather [hbm4b:s14+s6], $0x2000, $0x38;
	[tilespmem:$0x1E780] =	vst v63  }
0x2e: {  	_ =	swait.ge [sflag:s20], $0x2000  }
0x2f: {  	[sflag:s20] =	ssyncset.done $0x0  }
0x30: {  	s23 =	rddreg [dreg:$0x6];
	[sflag:s20] =	ssyncadd.s32 $0xFFFFE000  }
0x31: {  	[spmem:s15], [sflag:s21] =	dma.local [hbm:s23], $0x2800  }
0x32: {  	_ =	swait.ge [sflag:s20], $0x2800  }
0x33: {  	[sflag:s20] =	ssyncset.done $0x0  }
0x34: {  	s15 =	rddreg [dreg:$0x7];
	[sflag:s20] =	ssyncadd.s32 $0xFFFFD800  }
0x35: {  	[spmem:s16], [sflag:s21] =	dma.local [hbm:s15], $0x50  }
0x36: {  	_ =	swait.ge [sflag:s20], $0x50  }
0x37: {  	[sflag:s20] =	ssyncset.done $0x0  }
0x38: {  	[sflag:s20] =	ssyncadd.s32 $0xFFFFFFB0  }
0x39: {  	[bflag:$0x0] =	sbarrier.arrive $0xFFFF  }
0x3a: {  	s17 =	rddreg [dreg:$0x8]  }
0x3b: {  	[tilespmem:s24], [sflag:$0x3] =	stream.linear.gather [hbm4b:s17+s6], $0x180, $0x38;
	[tilespmem:$0x1E780] =	vst v63  }
0x3c: {  	s18 =	rddreg [dreg:$0x9]  }
0x3d: {  	[tilespmem:s25], [sflag:$0x3] =	stream.linear.gather [hbm4b:s18+s6], $0x80, $0x38;
	[tilespmem:$0x1E780] =	vst v63  }
0x3e: {  	s22 =	rddreg [dreg:$0xa]  }
0x3f: {  	[tilespmem:s26], [sflag:$0x4] =	stream.linear.gather [hbm4b:s22+s6], $0x180, $0x38;
	[tilespmem:$0x1E780] =	vst v63  }
0x40: {  	s23 =	rddreg [dreg:$0xb]  }
0x41: {  	[tilespmem:s28], [sflag:$0x4] =	stream.linear.gather [hbm4b:s23+s6], $0x80, $0x38;
	[tilespmem:$0x1E780] =	vst v63  }
0x42: {  	_ =	swait.ge [sflag:s29], $0x180  }
0x43: {  	[sflag:s29] =	ssyncset.done $0x0  }
.Ltmp2:
0x44: {  	[sflag:s29] =	ssyncadd.s32 $0xFFFFFE80;
	(pc) =	sbr.rel .LBB2_2-.Ltmp2, $4  }
0x45: {  	_ =	swait.ge [sflag:s29], $0x80  }
0x46: {  	[sflag:s29] =	ssyncset.done $0x0  }
0x47: {  	s14 =	simm.s32 $0x0;
	[sflag:s29] =	ssyncadd.s32 $0xFFFFFF80  }
0x48: {  	[tilespmem:s31], [sflag:$0x1] =	stream.indirect.gather [hbm4b:s0+s30], $0x80, s24, s30, $0xb8;
	[tilespmem:$0x1E780] =	vst v63  }
.LBB2_14:
0x49: {  	s14 =	sadd.s32 $0x1, s14  }
0x4a: {  	p0 =	sne.s32 s14, $0x28  }
.Ltmp3:
0x4b: {  	_ = 	snop;
	(pc) =	sbr.rel @!p0 .LBB2_15-.Ltmp3, $1  }
0x4c: {  	_ =	sdelay $0x3  }
.LBB2_2:
0x4d: {  	s15 =	sshll.u32 s14, $0x6  }
0x4e: {  	s15 =	sor.u32 s11, s15  }
0x4f: {  	p0 =	sgt.u32 s15, $0x9A3  }
.Ltmp4:
0x50: {  	_ = 	snop;
	(pc) =	sbr.rel @p0 .LBB2_4-.Ltmp4, $1  }
0x51: {  	_ =	sdelay $0x3  }
0x52: {  	_ =	swait.ge [sflag:s2], $0x180  }
0x53: {  	[sflag:s2] =	ssyncset.done $0x0  }
.Ltmp5:
0x54: {  	[sflag:s2] =	ssyncadd.s32 $0xFFFFFE80;
	(pc) =	sbr.rel .LBB2_5-.Ltmp5, $4  }
0x55: {  	_ =	swait.ge [sflag:s2], $0x80  }
0x56: {  	[sflag:s2] =	ssyncset.done $0x0  }
0x57: {  	[sflag:s2] =	ssyncadd.s32 $0xFFFFFF80  }
0x58: {  	[tilespmem:s3], [sflag:$0x2] =	stream.indirect.gather [hbm4b:s0+s30], $0x80, s26, s30, $0xb8;
	[tilespmem:$0x1E780] =	vst v63  }
.LBB2_4:
0x59: {  	p0 =	sgt.u32 s15, $0x9C3  }
.Ltmp6:
0x5a: {  	_ = 	snop;
	(pc) =	sbr.rel @p0 .LBB2_8-.Ltmp6, $1  }
0x5b: {  	_ =	sdelay $0x3  }
.LBB2_5:
0x5c: {  	_ =	swait.ge [sflag:s1], $0x4000  }
0x5d: {  	s16 =	simm.s32 $0x0;
	[sflag:s1] =	ssyncset.done $0x0  }
0x5e: {  	v8 =	vmov s16;
	s16 =	simm.s32 $0x14480;
	[sflag:s1] =	ssyncadd.s32 $0xFFFFC000  }
0x5f: {  	v33 =	vld [tilespmem:s16+$0x180]  }
0x60: {  	v34 =	vld [tilespmem:s16+$0xFFFFFE80]  }
0x61: {  	v35 =	vld [tilespmem:s16+$0xFFFFFF00]  }
0x62: {  	v36 =	vld [tilespmem:s16+$0xFFFFFF80]  }
0x63: {  	v38 =	vld [tilespmem:s16+$0x0]  }
0x64: {  	v39 =	vld [tilespmem:s16+$0x80]  }
0x65: {  	v41 =	vld [tilespmem:s16+$0x100]  }
0x66: {  	s23 =	simm.s32 $0x1;
	v42 =	vld [tilespmem:s16+$0xFFFFFE10]  }
0x67: {  	s17 =	simm.s32 $0x2;
	v9 =	vmov s23;
	v63 =	vld [tilespmem:s16+$0x190]  }
0x68: {  	v10 =	vmov s17;
	v43 =	vld [tilespmem:s16+$0xFFFFFF10]  }
0x69: {  	v14 =	vor.u32 $0x100, v8;
	v11 =	vld.idx.msk [tilespmem:v8+s25+$0x0], $0xffff;
	v8 =	vor.u32 $0x100, v10  }
0x6a: {  	s17 =	simm.s32 $0x5;
	v45 =	vld [tilespmem:s16+$0x1A0]  }
0x6b: {  	s18 =	simm.s32 $0x3;
	v15 =	vor.u32 $0x100, v9;
	v23 =	vmov s17;
	v46 =	vld [tilespmem:s16+$0xFFFFFF90]  }
0x6c: {  	v16 =	vmov s18;
	s17 =	simm.s32 $0x7;
	v18 =	vor.u32 $0x100, v23;
	v12 =	vld.idx.msk [tilespmem:v9+s25+$0x0], $0xffff  }
0x6d: {  	v25 =	vmov s17;
	v9 =	vor.u32 $0x100, v16;
	v13 =	vld.idx.msk [tilespmem:v10+s25+$0x0], $0xffff  }
0x6e: {  	s23 =	simm.s32 $0x6;
	v22 =	vor.u32 $0x100, v25;
	v8 =	vld.idx.msk [tilespmem:v8+s24+$0x0], $0xffff  }
0x6f: {  	s22 =	simm.s32 $0x4;
	v24 =	vmov s23;
	v14 =	vld.idx.msk [tilespmem:v14+s24+$0x0], $0xffff  }
0x70: {  	v17 =	vmov s22;
	v19 =	vor.u32 $0x100, v24;
	v15 =	vld.idx.msk [tilespmem:v15+s24+$0x0], $0xffff  }
0x71: {  	v10 =	vor.u32 $0x100, v17;
	v27 =	vld.idx.msk [tilespmem:v18+s24+$0x0], $0xffff  }
0x72: {  	v9 =	vld.idx.msk [tilespmem:v9+s24+$0x0], $0xffff  }
0x73: {  	v30 =	vld.idx.msk [tilespmem:v22+s24+$0x0], $0xffff;
	v22 =	vshll.u32 v8, $0x7  }
0x74: {  	v20 =	vshll.u32 v14, $0x7;
	v14 =	vld.idx.msk [tilespmem:v16+s25+$0x0], $0xffff;
	v16 =	vor.u32 v0, v22  }
0x75: {  	v28 =	vld.idx.msk [tilespmem:v19+s24+$0x0], $0xffff  }
0x76: {  	v26 =	vld.idx.msk [tilespmem:v10+s24+$0x0], $0xffff;
	v21 =	vshll.u32 v15, $0x7;
	v29 =	vor.u32 v0, v20  }
0x77: {  	v10 =	vld.idx.msk [tilespmem:v17+s25+$0x0], $0xffff;
	v31 =	vor.u32 v0, v21;
	v18 =	vshll.u32 v9, $0x7  }
0x78: {  	v9 =	vld.idx.msk [tilespmem:v23+s25+$0x0], $0xffff;
	v23 =	vshll.u32 v30, $0x7;
	v32 =	vor.u32 v0, v18  }
0x79: {  	v30 =	vld.idx.msk [tilespmem:v16+s19+$0x0], $0xffff;
	v16 =	vor.u32 v0, v23  }
0x7a: {  	v8 =	vld.idx.msk [tilespmem:v24+s25+$0x0], $0xffff  }
0x7b: {  	v24 =	vld.idx.msk [tilespmem:v29+s19+$0x0], $0xffff  }
0x7c: {  	v17 =	vshll.u32 v28, $0x7;
	v28 =	vld.idx.msk [tilespmem:v31+s19+$0x0], $0xffff  }
0x7d: {  	v19 =	vshll.u32 v26, $0x7;
	v31 =	vld.idx.msk [tilespmem:v32+s19+$0x0], $0xffff  }
0x7e: {  	v26 =	vor.u32 v0, v19;
	v58 =	vld.idx.msk [tilespmem:v16+s19+$0x0], $0xffff  }
0x7f: {  	v15 =	vshll.u32 v27, $0x7;
	v16 =	vld.idx.msk [tilespmem:v25+s25+$0x0], $0xffff  }
0x80: {  	v27 =	vor.u32 v0, v15;
	v25 =	vld [tilespmem:s16+$0xFFFFFE00]  }
0x81: {  	v47 =	vld [tilespmem:s16+$0x10];
	v29 =	vor.u32 v0, v17;
	v28 =	vadd.f32 v34, v28  }
0x82: {  	v49 =	vld [tilespmem:s16+$0x90]  }
0x83: {  	v26 =	vld.idx.msk [tilespmem:v26+s19+$0x0], $0xffff;
	v28 =	vmul.f32 v28, v12;
	v31 =	vadd.f32 v36, v31  }
0x84: {  	v51 =	vld [tilespmem:s16+$0xFFFFFE20];
	v59 =	vor.u32 v1, v23;
	v40 =	vor.u32 v1, v18;
	v32 =	vadd.f32 v33, v58  }
0x85: {  	v27 =	vld.idx.msk [tilespmem:v27+s19+$0x0], $0xffff;
	[tilespmem:s16+$0xFFFFFE80] =	vst v28;
	v28 =	vmul.f32 v31, v14;
	v24 =	vadd.f32 v25, v24  }
0x86: {  	v29 =	vld.idx.msk [tilespmem:v29+s19+$0x0], $0xffff;
	v32 =	vmul.f32 v32, v16  }
0x87: {  	v53 =	vld [tilespmem:s16+$0xFFFFFEA0];
	v30 =	vadd.f32 v35, v30;
	[tilespmem:s16+$0xFFFFFF80] =	vst v28;
	v24 =	vmul.f32 v24, v11  }
0x88: {  	v55 =	vld [tilespmem:s16+$0x1B0];
	v37 =	vor.u32 v1, v20;
	v26 =	vadd.f32 v38, v26;
	[tilespmem:s16+$0x180] =	vst v32  }
0x89: {  	v25 =	vor.u32 v1, v21;
	v28 =	vld.idx.msk [tilespmem:v40+s19+$0x0], $0xffff;
	[tilespmem:s16+$0xFFFFFE00] =	vst v24;
	v24 =	vmul.f32 v30, v13  }
0x8a: {  	v60 =	vor.u32 v1, v22;
	v27 =	vadd.f32 v39, v27;
	v33 =	vld.idx.msk [tilespmem:v59+s19+$0x0], $0xffff  }
0x8b: {  	v58 =	vld [tilespmem:s16+$0xFFFFFFA0];
	v30 =	vor.u32 v1, v17;
	[tilespmem:s16+$0xFFFFFF00] =	vst v24;
	v24 =	vmul.f32 v26, v10;
	v26 =	vadd.f32 v41, v29  }
0x8c: {  	v27 =	vmul.f32 v27, v9;
	v40 =	vld [tilespmem:s16+$0x140]  }
0x8d: {  	v62 =	vor.u32 v1, v15;
	v37 =	vld.idx.msk [tilespmem:v37+s19+$0x0], $0xffff;
	[tilespmem:s16+$0x0] =	vst v24;
	v24 =	vmul.f32 v26, v8  }
0x8e: {  	[tilespmem:s16+$0x80] =	vst v27;
	v25 =	vld.idx.msk [tilespmem:v25+s19+$0x0], $0xffff  }
0x8f: {  	v31 =	vor.u32 v2, v23;
	v29 =	vld.idx.msk [tilespmem:v60+s19+$0x0], $0xffff;
	v27 =	vadd.f32 v63, v33;
	[tilespmem:s16+$0x100] =	vst v24  }
0x90: {  	v24 =	vld.idx.msk [tilespmem:v30+s19+$0x0], $0xffff  }
0x91: {  	v61 =	vor.u32 v1, v19;
	v30 =	vld [tilespmem:s16+$0xFFFFFE90];
	v27 =	vmul.f32 v27, v16  }
0x92: {  	v32 =	vld.idx.msk [tilespmem:v62+s19+$0x0], $0xffff  }
0x93: {  	v62 =	vld [tilespmem:s16+$0xA0];
	[tilespmem:s16+$0x190] =	vst v27  }
0x94: {  	v29 =	vadd.f32 v43, v29;
	v27 =	vld.idx.msk [tilespmem:v31+s19+$0x0], $0xffff  }
0x95: {  	v48 =	vor.u32 v2, v22;
	v60 =	vld [tilespmem:s16+$0x20];
	v31 =	vadd.f32 v42, v37  }
0x96: {  	v44 =	vor.u32 v2, v20;
	v26 =	vld.idx.msk [tilespmem:v61+s19+$0x0], $0xffff;
	v29 =	vmul.f32 v29, v13;
	v25 =	vadd.f32 v30, v25  }
0x97: {  	v32 =	vadd.f32 v49, v32;
	v49 =	vld [tilespmem:s16+$0xFFFFFF30];
	v31 =	vmul.f32 v31, v11  }
0x98: {  	v63 =	vld [tilespmem:s16+$0x120];
	v30 =	vor.u32 v2, v21;
	[tilespmem:s16+$0xFFFFFF10] =	vst v29;
	v25 =	vmul.f32 v25, v12  }
0x99: {  	v50 =	vor.u32 v3, v23;
	[tilespmem:s16+$0xFFFFFE10] =	vst v31;
	v31 =	vld [tilespmem:s16+$0x110];
	v27 =	vadd.f32 v45, v27  }
0x9a: {  	v29 =	vld.idx.msk [tilespmem:v48+s19+$0x0], $0xffff;
	[tilespmem:s16+$0xFFFFFE90] =	vst v25;
	v25 =	vadd.f32 v46, v28;
	v28 =	vor.u32 v2, v18  }
0x9b: {  	v26 =	vadd.f32 v47, v26;
	v34 =	vld.idx.msk [tilespmem:v44+s19+$0x0], $0xffff;
	v27 =	vmul.f32 v27, v16  }
0x9c: {  	v46 =	vld [tilespmem:s16+$0xFFFFFE30];
	v25 =	vmul.f32 v25, v14  }
0x9d: {  	v52 =	vor.u32 v2, v19;
	v26 =	vmul.f32 v26, v10;
	v30 =	vld.idx.msk [tilespmem:v30+s19+$0x0], $0xffff;
	[tilespmem:s16+$0x1A0] =	vst v27  }
0x9e: {  	v24 =	vadd.f32 v31, v24;
	[tilespmem:s16+$0xFFFFFF90] =	vst v25;
	v31 =	vld.idx.msk [tilespmem:v50+s19+$0x0], $0xffff  }
0x9f: {  	[tilespmem:s16+$0x10] =	vst v26;
	v26 =	vld.idx.msk [tilespmem:v28+s19+$0x0], $0xffff  }
0xa0: {  	v54 =	vor.u32 v2, v15;
	v25 =	vmul.f32 v32, v9;
	v28 =	vld [tilespmem:s16+$0xFFFFFF20]  }
0xa1: {  	v27 =	vor.u32 v2, v17;
	v57 =	vadd.f32 v51, v34;
	v51 =	vld [tilespmem:s16+$0xFFFFFFB0]  }
0xa2: {  	[tilespmem:s16+$0x90] =	vst v25;
	v25 =	vld.idx.msk [tilespmem:v52+s19+$0x0], $0xffff  }
0xa3: {  	v61 =	vor.u32 v3, v20;
	v24 =	vmul.f32 v24, v8;
	v30 =	vadd.f32 v53, v30;
	v52 =	vld [tilespmem:s16+$0x30]  }
0xa4: {  	v56 =	vor.u32 v4, v23;
	v53 =	vld [tilespmem:s16+$0xB0];
	v33 =	vmul.f32 v57, v11;
	v31 =	vadd.f32 v55, v31  }
0xa5: {  	[tilespmem:s16+$0x110] =	vst v24;
	v24 =	vld.idx.msk [tilespmem:v54+s19+$0x0], $0xffff;
	v30 =	vmul.f32 v30, v12  }
0xa6: {  	v27 =	vld.idx.msk [tilespmem:v27+s19+$0x0], $0xffff;
	[tilespmem:s16+$0xFFFFFE20] =	vst v33;
	v31 =	vmul.f32 v31, v16  }
0xa7: {  	v59 =	vor.u32 v3, v21;
	[tilespmem:s16+$0xFFFFFEA0] =	vst v30;
	v30 =	vld [tilespmem:s16+$0x1C0]  }
0xa8: {  	v44 =	vld.idx.msk [tilespmem:v61+s19+$0x0], $0xffff;
	[tilespmem:s16+$0x1B0] =	vst v31  }
0xa9: {  	v31 =	vld.idx.msk [tilespmem:v56+s19+$0x0], $0xffff  }
0xaa: {  	v26 =	vadd.f32 v58, v26;
	v58 =	vld [tilespmem:s16+$0xFFFFFEC0]  }
0xab: {  	v28 =	vadd.f32 v28, v29;
	v29 =	vor.u32 v3, v22;
	v61 =	vld [tilespmem:s16+$0x40]  }
0xac: {  	v42 =	vld.idx.msk [tilespmem:v59+s19+$0x0], $0xffff;
	v26 =	vmul.f32 v26, v14  }
0xad: {  	v59 =	vld [tilespmem:s16+$0xFFFFFFC0];
	v28 =	vmul.f32 v28, v13  }
0xae: {  	[tilespmem:s16+$0xFFFFFFA0] =	vst v26;
	v26 =	vld [tilespmem:s16+$0xFFFFFEB0];
	v30 =	vadd.f32 v30, v31;
	v31 =	vor.u32 v5, v23  }
0xaf: {  	[tilespmem:s16+$0xFFFFFF20] =	vst v28;
	v27 =	vadd.f32 v63, v27;
	v63 =	vld [tilespmem:s16+$0xC0]  }
0xb0: {  	v43 =	vor.u32 v3, v18;
	v29 =	vld.idx.msk [tilespmem:v29+s19+$0x0], $0xffff;
	v30 =	vmul.f32 v30, v16  }
0xb1: {  	v45 =	vor.u32 v3, v19;
	v25 =	vadd.f32 v60, v25;
	v56 =	vld [tilespmem:s16+$0xFFFFFE40]  }
0xb2: {  	v24 =	vadd.f32 v62, v24;
	v28 =	vor.u32 v3, v15;
	v34 =	vadd.f32 v46, v44;
	v46 =	vld [tilespmem:s16+$0xFFFFFF50];
	[tilespmem:s16+$0x1C0] =	vst v30  }
0xb3: {  	v47 =	vor.u32 v3, v17;
	v25 =	vmul.f32 v25, v10;
	v30 =	vld.idx.msk [tilespmem:v31+s19+$0x0], $0xffff  }
0xb4: {  	v24 =	vmul.f32 v24, v9;
	v31 =	vld [tilespmem:s16+$0x1D0]  }
0xb5: {  	[tilespmem:s16+$0x20] =	vst v25;
	v25 =	vmul.f32 v27, v8;
	v27 =	vld.idx.msk [tilespmem:v43+s19+$0x0], $0xffff;
	v26 =	vadd.f32 v26, v42  }
0xb6: {  	v50 =	vor.u32 v4, v20;
	[tilespmem:s16+$0xA0] =	vst v24;
	v24 =	vld.idx.msk [tilespmem:v45+s19+$0x0], $0xffff  }
0xb7: {  	[tilespmem:s16+$0x120] =	vst v25;
	v25 =	vld.idx.msk [tilespmem:v28+s19+$0x0], $0xffff;
	v26 =	vmul.f32 v26, v12  }
0xb8: {  	v48 =	vor.u32 v4, v21;
	v34 =	vmul.f32 v34, v11;
	v28 =	vld.idx.msk [tilespmem:v47+s19+$0x0], $0xffff  }
0xb9: {  	[tilespmem:s16+$0xFFFFFEB0] =	vst v26;
	v26 =	vld [tilespmem:s16+$0x130];
	v30 =	vadd.f32 v31, v30  }
0xba: {  	v45 =	vld [tilespmem:s16+$0xFFFFFE50];
	[tilespmem:s16+$0xFFFFFE30] =	vst v34;
	v29 =	vadd.f32 v49, v29;
	v27 =	vadd.f32 v51, v27;
	v31 =	vor.u32 v6, v23  }
0xbb: {  	v57 =	vor.u32 v4, v19;
	v54 =	vor.u32 v4, v22;
	v34 =	vld.idx.msk [tilespmem:v50+s19+$0x0], $0xffff;
	v30 =	vmul.f32 v30, v16  }
0xbc: {  	v49 =	vld [tilespmem:s16+$0x50];
	v29 =	vmul.f32 v29, v13;
	v24 =	vadd.f32 v52, v24;
	v27 =	vmul.f32 v27, v14  }
0xbd: {  	v32 =	vld.idx.msk [tilespmem:v48+s19+$0x0], $0xffff;
	v25 =	vadd.f32 v53, v25;
	[tilespmem:s16+$0x1D0] =	vst v30;
	v30 =	vor.u32 v4, v15  }
0xbe: {  	[tilespmem:s16+$0xFFFFFF30] =	vst v29;
	v24 =	vmul.f32 v24, v10;
	v29 =	vld [tilespmem:s16+$0x1E0];
	v26 =	vadd.f32 v26, v28  }
0xbf: {  	[tilespmem:s16+$0xFFFFFFB0] =	vst v27;
	v25 =	vmul.f32 v25, v9;
	v31 =	vld.idx.msk [tilespmem:v31+s19+$0x0], $0xffff  }
0xc0: {  	v55 =	vor.u32 v4, v18;
	v27 =	vld.idx.msk [tilespmem:v54+s19+$0x0], $0xffff;
	[tilespmem:s16+$0x30] =	vst v24;
	v24 =	vmul.f32 v26, v8  }
0xc1: {  	v28 =	vor.u32 v4, v17;
	[tilespmem:s16+$0xB0] =	vst v25;
	v25 =	vld.idx.msk [tilespmem:v57+s19+$0x0], $0xffff  }
0xc2: {  	[tilespmem:s16+$0x130] =	vst v24;
	v24 =	vld.idx.msk [tilespmem:v30+s19+$0x0], $0xffff  }
0xc3: {  	v30 =	vld [tilespmem:s16+$0xFFFFFF40]  }
0xc4: {  	v51 =	vld [tilespmem:s16+$0xD0];
	v29 =	vadd.f32 v29, v31  }
0xc5: {  	v62 =	vor.u32 v5, v20;
	v26 =	vld.idx.msk [tilespmem:v55+s19+$0x0], $0xffff;
	v31 =	vadd.f32 v56, v34  }
0xc6: {  	v28 =	vld.idx.msk [tilespmem:v28+s19+$0x0], $0xffff;
	v25 =	vadd.f32 v61, v25;
	v29 =	vmul.f32 v29, v16  }
0xc7: {  	v60 =	vor.u32 v5, v21;
	v52 =	vld [tilespmem:s16+$0x150];
	v32 =	vadd.f32 v58, v32;
	v31 =	vmul.f32 v31, v11  }
0xc8: {  	v48 =	vld [tilespmem:s16+$0xFFFFFFD0];
	v25 =	vmul.f32 v25, v10;
	[tilespmem:s16+$0x1E0] =	vst v29;
	v27 =	vadd.f32 v30, v27  }
0xc9: {  	v53 =	vld [tilespmem:s16+$0xFFFFFE60];
	v29 =	vmul.f32 v32, v12;
	[tilespmem:s16+$0xFFFFFE40] =	vst v31;
	v30 =	vor.u32 v5, v22;
	v24 =	vadd.f32 v63, v24  }
0xca: {  	v26 =	vadd.f32 v59, v26;
	[tilespmem:s16+$0x40] =	vst v25;
	v43 =	vld.idx.msk [tilespmem:v62+s19+$0x0], $0xffff;
	v27 =	vmul.f32 v27, v13  }
0xcb: {  	v57 =	vld [tilespmem:s16+$0xFFFFFF60];
	v25 =	vadd.f32 v40, v28;
	[tilespmem:s16+$0xFFFFFEC0] =	vst v29;
	v29 =	vor.u32 v5, v18;
	v24 =	vmul.f32 v24, v9  }
0xcc: {  	v26 =	vmul.f32 v26, v14;
	v28 =	vor.u32 v5, v17;
	v41 =	vld.idx.msk [tilespmem:v60+s19+$0x0], $0xffff;
	[tilespmem:s16+$0xFFFFFF40] =	vst v27  }
0xcd: {  	v44 =	vor.u32 v5, v15;
	[tilespmem:s16+$0xC0] =	vst v24;
	v24 =	vmul.f32 v25, v8;
	v25 =	vld [tilespmem:s16+$0xFFFFFED0]  }
0xce: {  	v42 =	vor.u32 v5, v19;
	[tilespmem:s16+$0xFFFFFFC0] =	vst v26;
	v27 =	vld.idx.msk [tilespmem:v30+s19+$0x0], $0xffff  }
0xcf: {  	v59 =	vld [tilespmem:s16+$0x60];
	[tilespmem:s16+$0x140] =	vst v24;
	v24 =	vadd.f32 v45, v43  }
0xd0: {  	v23 =	vor.u32 v7, v23;
	v26 =	vld.idx.msk [tilespmem:v29+s19+$0x0], $0xffff  }
0xd1: {  	v47 =	vor.u32 v6, v20;
	v28 =	vld.idx.msk [tilespmem:v28+s19+$0x0], $0xffff;
	v24 =	vmul.f32 v24, v11  }
0xd2: {  	v30 =	vld.idx.msk [tilespmem:v44+s19+$0x0], $0xffff;
	v25 =	vadd.f32 v25, v41  }
0xd3: {  	v50 =	vor.u32 v6, v21;
	v29 =	vld.idx.msk [tilespmem:v42+s19+$0x0], $0xffff;
	[tilespmem:s16+$0xFFFFFE50] =	vst v24;
	v24 =	vadd.f32 v46, v27  }
0xd4: {  	v31 =	vld [tilespmem:s16+$0x1F0];
	v25 =	vmul.f32 v25, v12  }
0xd5: {  	v23 =	vld.idx.msk [tilespmem:v23+s19+$0x0], $0xffff;
	v27 =	vor.u32 v6, v22;
	v24 =	vmul.f32 v24, v13;
	v26 =	vadd.f32 v48, v26  }
0xd6: {  	v54 =	vor.u32 v6, v18;
	v34 =	vld.idx.msk [tilespmem:v47+s19+$0x0], $0xffff;
	v28 =	vadd.f32 v52, v28;
	[tilespmem:s16+$0xFFFFFED0] =	vst v25  }
0xd7: {  	v25 =	vld [tilespmem:s16+$0xFFFFFEE0];
	[tilespmem:s16+$0xFFFFFF50] =	vst v24;
	v24 =	vmul.f32 v26, v14;
	v26 =	vadd.f32 v51, v30;
	v30 =	vor.u32 v6, v17  }
0xd8: {  	v29 =	vadd.f32 v49, v29;
	v33 =	vld.idx.msk [tilespmem:v50+s19+$0x0], $0xffff  }
0xd9: {  	v20 =	vor.u32 v7, v20;
	v55 =	vor.u32 v6, v19;
	v60 =	vld [tilespmem:s16+$0xE0];
	v28 =	vmul.f32 v28, v8  }
0xda: {  	v56 =	vor.u32 v6, v15;
	v29 =	vmul.f32 v29, v10;
	v27 =	vld.idx.msk [tilespmem:v27+s19+$0x0], $0xffff;
	[tilespmem:s16+$0xFFFFFFD0] =	vst v24  }
0xdb: {  	v24 =	vmul.f32 v26, v9;
	[tilespmem:s16+$0x150] =	vst v28;
	v58 =	vadd.f32 v53, v34;
	v26 =	vld.idx.msk [tilespmem:v54+s19+$0x0], $0xffff  }
0xdc: {  	v28 =	vld.idx.msk [tilespmem:v30+s19+$0x0], $0xffff  }
0xdd: {  	v21 =	vor.u32 v7, v21;
	[tilespmem:s16+$0x50] =	vst v29;
	v32 =	vmul.f32 v58, v11;
	v25 =	vadd.f32 v25, v33;
	v30 =	vld [tilespmem:s16+$0xFFFFFFE0]  }
0xde: {  	v29 =	vld.idx.msk [tilespmem:v55+s19+$0x0], $0xffff;
	[tilespmem:s16+$0xD0] =	vst v24  }
0xdf: {  	v24 =	vld.idx.msk [tilespmem:v56+s19+$0x0], $0xffff;
	v27 =	vadd.f32 v57, v27;
	[tilespmem:s16+$0xFFFFFE60] =	vst v32;
	v25 =	vmul.f32 v25, v12  }
0xe0: {  	v22 =	vor.u32 v7, v22;
	v20 =	vld.idx.msk [tilespmem:v20+s19+$0x0], $0xffff  }
0xe1: {  	v27 =	vmul.f32 v27, v13;
	[tilespmem:s16+$0xFFFFFEE0] =	vst v25;
	v25 =	vld [tilespmem:s16+$0x160]  }
0xe2: {  	v18 =	vor.u32 v7, v18;
	v21 =	vld.idx.msk [tilespmem:v21+s19+$0x0], $0xffff;
	v26 =	vadd.f32 v30, v26  }
0xe3: {  	v19 =	vor.u32 v7, v19;
	[tilespmem:s16+$0xFFFFFF60] =	vst v27;
	v27 =	vadd.f32 v59, v29;
	v29 =	vld [tilespmem:s16+$0xFFFFFE70]  }
0xe4: {  	v15 =	vor.u32 v7, v15;
	v24 =	vadd.f32 v60, v24;
	v30 =	vld [tilespmem:s16+$0xFFFFFEF0];
	v26 =	vmul.f32 v26, v14  }
0xe5: {  	v22 =	vld.idx.msk [tilespmem:v22+s19+$0x0], $0xffff;
	v27 =	vmul.f32 v27, v10  }
0xe6: {  	v17 =	vor.u32 v7, v17;
	v24 =	vmul.f32 v24, v9;
	v25 =	vadd.f32 v25, v28;
	v28 =	vld [tilespmem:s16+$0xFFFFFF70];
	[tilespmem:s16+$0xFFFFFFE0] =	vst v26  }
0xe7: {  	[tilespmem:s16+$0x60] =	vst v27;
	v18 =	vld.idx.msk [tilespmem:v18+s19+$0x0], $0xffff  }
0xe8: {  	[tilespmem:s16+$0xE0] =	vst v24;
	v27 =	vld.idx.msk [tilespmem:v19+s19+$0x0], $0xffff;
	v25 =	vmul.f32 v25, v8  }
0xe9: {  	s18 =	simm.s32 $0x8;
	v61 =	vld.idx.msk [tilespmem:v15+s19+$0x0], $0xffff  }
0xea: {  	s22 =	simm.s32 $0x9;
	v19 =	vadd.f32 v31, v23;
	v23 =	vmov s18;
	[tilespmem:s16+$0x160] =	vst v25;
	v25 =	vld [tilespmem:s16+$0xFFFFFFF0]  }
0xeb: {  	s23 =	simm.s32 $0xA;
	v15 =	vld.idx.msk [tilespmem:v17+s19+$0x0], $0xffff;
	v17 =	vadd.f32 v29, v20;
	v20 =	vadd.f32 v30, v21;
	v21 =	vmov s22  }
0xec: {  	v26 =	vmov s23;
	s23 =	simm.s32 $0xE;
	s18 =	simm.s32 $0xB;
	v24 =	vmul.f32 v19, v16;
	v16 =	vadd.f32 v28, v22;
	v29 =	vld [tilespmem:s16+$0x70]  }
0xed: {  	v62 =	vld [tilespmem:s16+$0xF0];
	v31 =	vor.u32 $0x100, v23;
	v22 =	vmov s18;
	v28 =	vmov s23  }
0xee: {  	s22 =	simm.s32 $0xC;
	v19 =	vor.u32 $0x100, v21;
	v17 =	vmul.f32 v17, v11;
	v63 =	vmul.f32 v16, v13;
	v16 =	vld [tilespmem:s16+$0x170]  }
0xef: {  	s18 =	simm.s32 $0xD;
	[tilespmem:s16+$0x1F0] =	vst v24;
	v24 =	vmov s22;
	v30 =	vmul.f32 v20, v12;
	v11 =	vld.idx.msk [tilespmem:v23+s25+$0x0], $0xffff;
	v20 =	vor.u32 $0x100, v26  }
0xf0: {  	v23 =	vmov s18;
	[tilespmem:s16+$0xFFFFFE70] =	vst v17;
	v18 =	vadd.f32 v25, v18;
	v12 =	vld.idx.msk [tilespmem:v21+s25+$0x0], $0xffff;
	v21 =	vor.u32 $0x100, v22  }
0xf1: {  	v13 =	vld.idx.msk [tilespmem:v26+s25+$0x0], $0xffff;
	v26 =	vor.u32 $0x100, v24;
	[tilespmem:s16+$0xFFFFFEF0] =	vst v30;
	v25 =	vor.u32 $0x100, v23;
	v17 =	vadd.f32 v29, v27  }
0xf2: {  	s17 =	simm.s32 $0x10;
	s18 =	simm.s32 $0xF;
	[tilespmem:s16+$0xFFFFFF70] =	vst v63;
	v27 =	vld.idx.msk [tilespmem:v31+s24+$0x0], $0xffff;
	v29 =	vor.u32 $0x100, v28;
	v14 =	vmul.f32 v18, v14;
	v18 =	vadd.f32 v62, v61  }
.LBB2_6:
0xf3: {  	p0 =	slt.u32 s17, $0x78;
	v30 =	vld.idx.msk [tilespmem:v19+s24+$0x0], $0xffff;
	v31 =	vmov s18;
	v10 =	vmul.f32 v17, v10;
	v15 =	vadd.f32 v16, v15  }
0xf4: {  	v16 =	vld.idx.msk [tilespmem:v20+s24+$0x0], $0xffff;
	v17 =	vor.u32 $0x100, v31;
	[tilespmem:s16+$0xFFFFFFF0] =	vst v14;
	v9 =	vmul.f32 v18, v9  }
0xf5: {  	v18 =	vld.idx.msk [tilespmem:v21+s24+$0x0], $0xffff;
	[tilespmem:s16+$0x70] =	vst v10;
	v8 =	vmul.f32 v15, v8  }
0xf6: {  	v15 =	vld.idx.msk [tilespmem:v26+s24+$0x0], $0xffff;
	[tilespmem:s16+$0xF0] =	vst v9  }
0xf7: {  	v25 =	vld.idx.msk [tilespmem:v25+s24+$0x0], $0xffff;
	[tilespmem:s16+$0x170] =	vst v8  }
0xf8: {  	v19 =	vshll.u32 v27, $0x7;
	v26 =	vld.idx.msk [tilespmem:v29+s24+$0x0], $0xffff  }
0xf9: {  	v27 =	vor.u32 v0, v19;
	v21 =	vshll.u32 v30, $0x7;
	v29 =	vld.idx.msk [tilespmem:v17+s24+$0x0], $0xffff  }
0xfa: {  	v30 =	vor.u32 v0, v21;
	v20 =	vshll.u32 v16, $0x7;
	v14 =	vld.idx.msk [tilespmem:v22+s25+$0x0], $0xffff  }
0xfb: {  	v22 =	vor.u32 v0, v20;
	v17 =	vshll.u32 v18, $0x7;
	v10 =	vld.idx.msk [tilespmem:v24+s25+$0x0], $0xffff  }
0xfc: {  	v24 =	vor.u32 v0, v17;
	v18 =	vshll.u32 v15, $0x7;
	v9 =	vld.idx.msk [tilespmem:v23+s25+$0x0], $0xffff  }
0xfd: {  	v32 =	vor.u32 v0, v18;
	v15 =	vshll.u32 v25, $0x7;
	v8 =	vld.idx.msk [tilespmem:v28+s25+$0x0], $0xffff  }
0xfe: {  	v16 =	vshll.u32 v26, $0x7;
	v25 =	vld.idx.msk [tilespmem:v27+s19+$0x0], $0xffff;
	v27 =	vor.u32 v0, v15  }
0xff: {  	v28 =	vor.u32 v0, v16;
	v23 =	vshll.u32 v29, $0x7;
	v26 =	vld.idx.msk [tilespmem:v30+s19+$0x0], $0xffff  }
0x100: {  	v29 =	vld.idx.msk [tilespmem:v22+s19+$0x0], $0xffff;
	v22 =	vor.u32 v0, v23  }
0x101: {  	v24 =	vld.idx.msk [tilespmem:v24+s19+$0x0], $0xffff  }
0x102: {  	v30 =	vld.idx.msk [tilespmem:v32+s19+$0x0], $0xffff  }
0x103: {  	v27 =	vld.idx.msk [tilespmem:v27+s19+$0x0], $0xffff  }
0x104: {  	v28 =	vld.idx.msk [tilespmem:v28+s19+$0x0], $0xffff  }
0x105: {  	s16 =	sadd.s32 $0x400, s16;
	v32 =	vld.idx.msk [tilespmem:v22+s19+$0x0], $0xffff  }
0x106: {  	v33 =	vld [tilespmem:s16+$0x180]  }
0x107: {  	v22 =	vld.idx.msk [tilespmem:v31+s25+$0x0], $0xffff  }
0x108: {  	v31 =	vld [tilespmem:s16+$0xFFFFFE00]  }
0x109: {  	v34 =	vld [tilespmem:s16+$0xFFFFFE80]  }
0x10a: {  	v35 =	vld [tilespmem:s16+$0xFFFFFF00]  }
0x10b: {  	v36 =	vld [tilespmem:s16+$0xFFFFFF80];
	v32 =	vadd.f32 v33, v32;
	v33 =	vor.u32 v1, v23  }
0x10c: {  	v37 =	vor.u32 v1, v19;
	v38 =	vld [tilespmem:s16+$0x0]  }
0x10d: {  	v25 =	vadd.f32 v31, v25;
	v31 =	vor.u32 v1, v21;
	v39 =	vld [tilespmem:s16+$0x80];
	v32 =	vmul.f32 v32, v22  }
0x10e: {  	v40 =	vor.u32 v1, v17;
	v26 =	vadd.f32 v34, v26;
	v34 =	vor.u32 v1, v20;
	v41 =	vld [tilespmem:s16+$0x100]  }
0x10f: {  	v25 =	vmul.f32 v25, v11;
	v42 =	vld [tilespmem:s16+$0xFFFFFE10];
	v29 =	vadd.f32 v35, v29;
	v35 =	vor.u32 v1, v18;
	[tilespmem:s16+$0x180] =	vst v32  }
0x110: {  	v32 =	vor.u32 v1, v15;
	v26 =	vmul.f32 v26, v12;
	v24 =	vadd.f32 v36, v24;
	v33 =	vld.idx.msk [tilespmem:v33+s19+$0x0], $0xffff  }
0x111: {  	[tilespmem:s16+$0xFFFFFE00] =	vst v25;
	v25 =	vmul.f32 v29, v13;
	v29 =	vadd.f32 v38, v30;
	v30 =	vor.u32 v1, v16;
	v36 =	vld [tilespmem:s16+$0x190]  }
0x112: {  	v37 =	vld.idx.msk [tilespmem:v37+s19+$0x0], $0xffff;
	[tilespmem:s16+$0xFFFFFE80] =	vst v26;
	v24 =	vmul.f32 v24, v14;
	v26 =	vadd.f32 v39, v27  }
0x113: {  	v27 =	vld.idx.msk [tilespmem:v31+s19+$0x0], $0xffff;
	[tilespmem:s16+$0xFFFFFF00] =	vst v25;
	v25 =	vmul.f32 v29, v10;
	v28 =	vadd.f32 v41, v28  }
0x114: {  	v29 =	vld.idx.msk [tilespmem:v34+s19+$0x0], $0xffff;
	[tilespmem:s16+$0xFFFFFF80] =	vst v24;
	v24 =	vmul.f32 v26, v9  }
0x115: {  	v26 =	vld.idx.msk [tilespmem:v40+s19+$0x0], $0xffff;
	[tilespmem:s16+$0x0] =	vst v25;
	v25 =	vmul.f32 v28, v8  }
0x116: {  	v31 =	vor.u32 v2, v23;
	v28 =	vld.idx.msk [tilespmem:v35+s19+$0x0], $0xffff;
	[tilespmem:s16+$0x80] =	vst v24;
	v24 =	vadd.f32 v36, v33  }
0x117: {  	v32 =	vld.idx.msk [tilespmem:v32+s19+$0x0], $0xffff;
	[tilespmem:s16+$0x100] =	vst v25  }
0x118: {  	v25 =	vadd.f32 v42, v37;
	v30 =	vld.idx.msk [tilespmem:v30+s19+$0x0], $0xffff;
	v24 =	vmul.f32 v24, v22  }
0x119: {  	v33 =	vld [tilespmem:s16+$0xFFFFFE90]  }
0x11a: {  	v25 =	vmul.f32 v25, v11;
	v34 =	vld [tilespmem:s16+$0xFFFFFF10];
	[tilespmem:s16+$0x190] =	vst v24  }
0x11b: {  	v24 =	vld.idx.msk [tilespmem:v31+s19+$0x0], $0xffff  }
0x11c: {  	[tilespmem:s16+$0xFFFFFE10] =	vst v25;
	v25 =	vor.u32 v2, v19;
	v31 =	vld [tilespmem:s16+$0x1A0]  }
0x11d: {  	v35 =	vld [tilespmem:s16+$0xFFFFFF90]  }
0x11e: {  	v27 =	vadd.f32 v33, v27;
	v33 =	vor.u32 v2, v21;
	v36 =	vld [tilespmem:s16+$0x10]  }
0x11f: {  	v29 =	vadd.f32 v34, v29;
	v34 =	vor.u32 v2, v20;
	v37 =	vld [tilespmem:s16+$0x90]  }
0x120: {  	v27 =	vmul.f32 v27, v12;
	v38 =	vld [tilespmem:s16+$0x110]  }
0x121: {  	v25 =	vld.idx.msk [tilespmem:v25+s19+$0x0], $0xffff;
	v29 =	vmul.f32 v29, v13;
	v24 =	vadd.f32 v31, v24;
	v31 =	vor.u32 v3, v23  }
0x122: {  	v39 =	vld [tilespmem:s16+$0xFFFFFE20];
	[tilespmem:s16+$0xFFFFFE90] =	vst v27;
	v26 =	vadd.f32 v35, v26;
	v27 =	vor.u32 v2, v17  }
0x123: {  	v33 =	vld.idx.msk [tilespmem:v33+s19+$0x0], $0xffff;
	[tilespmem:s16+$0xFFFFFF10] =	vst v29;
	v28 =	vadd.f32 v36, v28;
	v24 =	vmul.f32 v24, v22  }
0x124: {  	v29 =	vld.idx.msk [tilespmem:v34+s19+$0x0], $0xffff;
	v26 =	vmul.f32 v26, v14;
	v34 =	vor.u32 v2, v18;
	v32 =	vadd.f32 v37, v32  }
0x125: {  	v36 =	vor.u32 v2, v15;
	v35 =	vld [tilespmem:s16+$0xFFFFFEA0];
	v28 =	vmul.f32 v28, v10;
	v30 =	vadd.f32 v38, v30;
	[tilespmem:s16+$0x1A0] =	vst v24  }
0x126: {  	[tilespmem:s16+$0xFFFFFF90] =	vst v26;
	v24 =	vmul.f32 v32, v9;
	v26 =	vor.u32 v2, v16;
	v31 =	vld.idx.msk [tilespmem:v31+s19+$0x0], $0xffff  }
0x127: {  	v25 =	vadd.f32 v39, v25;
	[tilespmem:s16+$0x10] =	vst v28;
	v28 =	vmul.f32 v30, v8;
	v30 =	vld [tilespmem:s16+$0x1B0]  }
0x128: {  	v27 =	vld.idx.msk [tilespmem:v27+s19+$0x0], $0xffff;
	[tilespmem:s16+$0x90] =	vst v24  }
0x129: {  	v24 =	vmul.f32 v25, v11;
	v25 =	vld.idx.msk [tilespmem:v34+s19+$0x0], $0xffff;
	[tilespmem:s16+$0x110] =	vst v28  }
0x12a: {  	v28 =	vadd.f32 v35, v33;
	v32 =	vld.idx.msk [tilespmem:v36+s19+$0x0], $0xffff  }
0x12b: {  	[tilespmem:s16+$0xFFFFFE20] =	vst v24;
	v24 =	vld.idx.msk [tilespmem:v26+s19+$0x0], $0xffff  }
0x12c: {  	v26 =	vmul.f32 v28, v12;
	v28 =	vld [tilespmem:s16+$0xFFFFFF20];
	v30 =	vadd.f32 v30, v31;
	v31 =	vor.u32 v4, v23  }
0x12d: {  	v33 =	vld [tilespmem:s16+$0xFFFFFFA0]  }
0x12e: {  	[tilespmem:s16+$0xFFFFFEA0] =	vst v26;
	v26 =	vor.u32 v3, v21;
	v34 =	vld [tilespmem:s16+$0x20];
	v30 =	vmul.f32 v30, v22  }
0x12f: {  	v35 =	vor.u32 v3, v19;
	v36 =	vld [tilespmem:s16+$0xA0]  }
0x130: {  	v37 =	vld [tilespmem:s16+$0x120];
	[tilespmem:s16+$0x1B0] =	vst v30  }
0x131: {  	v28 =	vadd.f32 v28, v29;
	v29 =	vor.u32 v3, v20;
	v30 =	vld.idx.msk [tilespmem:v31+s19+$0x0], $0xffff  }
0x132: {  	v27 =	vadd.f32 v33, v27;
	v31 =	vld [tilespmem:s16+$0x1C0]  }
0x133: {  	v33 =	vor.u32 v3, v17;
	v26 =	vld.idx.msk [tilespmem:v26+s19+$0x0], $0xffff;
	v28 =	vmul.f32 v28, v13;
	v25 =	vadd.f32 v34, v25  }
0x134: {  	v34 =	vld.idx.msk [tilespmem:v35+s19+$0x0], $0xffff;
	v27 =	vmul.f32 v27, v14;
	v35 =	vor.u32 v3, v18;
	v32 =	vadd.f32 v36, v32  }
0x135: {  	v36 =	vld [tilespmem:s16+$0xFFFFFE30];
	[tilespmem:s16+$0xFFFFFF20] =	vst v28;
	v25 =	vmul.f32 v25, v10;
	v28 =	vor.u32 v3, v15;
	v24 =	vadd.f32 v37, v24  }
0x136: {  	v29 =	vld.idx.msk [tilespmem:v29+s19+$0x0], $0xffff;
	[tilespmem:s16+$0xFFFFFFA0] =	vst v27;
	v27 =	vmul.f32 v32, v9;
	v32 =	vor.u32 v3, v16  }
0x137: {  	v37 =	vld [tilespmem:s16+$0xFFFFFEB0];
	[tilespmem:s16+$0x20] =	vst v25;
	v24 =	vmul.f32 v24, v8;
	v25 =	vadd.f32 v31, v30;
	v30 =	vor.u32 v5, v23  }
0x138: {  	v31 =	vld.idx.msk [tilespmem:v33+s19+$0x0], $0xffff;
	[tilespmem:s16+$0xA0] =	vst v27  }
0x139: {  	v27 =	vld.idx.msk [tilespmem:v35+s19+$0x0], $0xffff;
	[tilespmem:s16+$0x120] =	vst v24;
	v24 =	vmul.f32 v25, v22  }
0x13a: {  	v25 =	vadd.f32 v36, v34;
	v28 =	vld.idx.msk [tilespmem:v28+s19+$0x0], $0xffff  }
0x13b: {  	v32 =	vld.idx.msk [tilespmem:v32+s19+$0x0], $0xffff;
	[tilespmem:s16+$0x1C0] =	vst v24  }
0x13c: {  	v24 =	vmul.f32 v25, v11;
	v25 =	vadd.f32 v37, v26;
	v26 =	vld.idx.msk [tilespmem:v30+s19+$0x0], $0xffff  }
0x13d: {  	v30 =	vld [tilespmem:s16+$0x1D0]  }
0x13e: {  	[tilespmem:s16+$0xFFFFFE30] =	vst v24;
	v24 =	vmul.f32 v25, v12;
	v25 =	vor.u32 v4, v21;
	v33 =	vld [tilespmem:s16+$0xFFFFFF30]  }
0x13f: {  	v34 =	vor.u32 v4, v19;
	v35 =	vld [tilespmem:s16+$0xFFFFFFB0]  }
0x140: {  	[tilespmem:s16+$0xFFFFFEB0] =	vst v24;
	v24 =	vld [tilespmem:s16+$0x30]  }
0x141: {  	v36 =	vld [tilespmem:s16+$0xB0]  }
0x142: {  	v37 =	vld [tilespmem:s16+$0x130];
	v26 =	vadd.f32 v30, v26;
	v30 =	vor.u32 v6, v23  }
0x143: {  	v25 =	vld.idx.msk [tilespmem:v25+s19+$0x0], $0xffff;
	v29 =	vadd.f32 v33, v29;
	v33 =	vor.u32 v4, v20  }
0x144: {  	v34 =	vld.idx.msk [tilespmem:v34+s19+$0x0], $0xffff;
	v31 =	vadd.f32 v35, v31;
	v35 =	vor.u32 v4, v17;
	v26 =	vmul.f32 v26, v22  }
0x145: {  	v38 =	vld [tilespmem:s16+$0xFFFFFE40];
	v29 =	vmul.f32 v29, v13;
	v24 =	vadd.f32 v24, v27;
	v27 =	vor.u32 v4, v18  }
0x146: {  	v39 =	vld [tilespmem:s16+$0xFFFFFEC0];
	v31 =	vmul.f32 v31, v14;
	v28 =	vadd.f32 v36, v28;
	v36 =	vor.u32 v4, v15;
	[tilespmem:s16+$0x1D0] =	vst v26  }
0x147: {  	[tilespmem:s16+$0xFFFFFF30] =	vst v29;
	v24 =	vmul.f32 v24, v10;
	v26 =	vadd.f32 v37, v32;
	v29 =	vld.idx.msk [tilespmem:v30+s19+$0x0], $0xffff  }
0x148: {  	v30 =	vor.u32 v4, v16;
	[tilespmem:s16+$0xFFFFFFB0] =	vst v31;
	v28 =	vmul.f32 v28, v9;
	v31 =	vld [tilespmem:s16+$0x1E0]  }
0x149: {  	v32 =	vld.idx.msk [tilespmem:v33+s19+$0x0], $0xffff;
	[tilespmem:s16+$0x30] =	vst v24;
	v24 =	vmul.f32 v26, v8  }
0x14a: {  	v26 =	vadd.f32 v38, v34;
	v33 =	vld.idx.msk [tilespmem:v35+s19+$0x0], $0xffff;
	[tilespmem:s16+$0xB0] =	vst v28  }
0x14b: {  	v25 =	vadd.f32 v39, v25;
	v27 =	vld.idx.msk [tilespmem:v27+s19+$0x0], $0xffff;
	[tilespmem:s16+$0x130] =	vst v24  }
0x14c: {  	v24 =	vmul.f32 v26, v11;
	v26 =	vld.idx.msk [tilespmem:v36+s19+$0x0], $0xffff  }
0x14d: {  	v23 =	vor.u32 v7, v23;
	v25 =	vmul.f32 v25, v12;
	v28 =	vld.idx.msk [tilespmem:v30+s19+$0x0], $0xffff;
	v29 =	vadd.f32 v31, v29  }
0x14e: {  	[tilespmem:s16+$0xFFFFFE40] =	vst v24;
	v24 =	vld [tilespmem:s16+$0xFFFFFF40]  }
0x14f: {  	[tilespmem:s16+$0xFFFFFEC0] =	vst v25;
	v25 =	vld [tilespmem:s16+$0xFFFFFFC0];
	v29 =	vmul.f32 v29, v22  }
0x150: {  	v30 =	vor.u32 v5, v21;
	v31 =	vld [tilespmem:s16+$0x40]  }
0x151: {  	v34 =	vor.u32 v5, v19;
	v35 =	vld [tilespmem:s16+$0xC0];
	[tilespmem:s16+$0x1E0] =	vst v29  }
0x152: {  	v23 =	vld.idx.msk [tilespmem:v23+s19+$0x0], $0xffff  }
0x153: {  	v29 =	vor.u32 v5, v20;
	v24 =	vadd.f32 v24, v32;
	v32 =	vld [tilespmem:s16+$0x1F0]  }
0x154: {  	v25 =	vadd.f32 v25, v33;
	v33 =	vor.u32 v5, v17;
	v36 =	vld [tilespmem:s16+$0x140]  }
0x155: {  	v30 =	vld.idx.msk [tilespmem:v30+s19+$0x0], $0xffff;
	v24 =	vmul.f32 v24, v13;
	v27 =	vadd.f32 v31, v27;
	v31 =	vor.u32 v5, v18  }
0x156: {  	v34 =	vld.idx.msk [tilespmem:v34+s19+$0x0], $0xffff;
	v25 =	vmul.f32 v25, v14;
	v26 =	vadd.f32 v35, v26;
	v35 =	vor.u32 v5, v15  }
0x157: {  	v37 =	vld [tilespmem:s16+$0xFFFFFE50];
	[tilespmem:s16+$0xFFFFFF40] =	vst v24;
	v24 =	vmul.f32 v27, v10  }
0x158: {  	v27 =	vld.idx.msk [tilespmem:v29+s19+$0x0], $0xffff;
	[tilespmem:s16+$0xFFFFFFC0] =	vst v25;
	v25 =	vmul.f32 v26, v9;
	v23 =	vadd.f32 v32, v23  }
0x159: {  	v26 =	vld.idx.msk [tilespmem:v33+s19+$0x0], $0xffff;
	[tilespmem:s16+$0x40] =	vst v24;
	v24 =	vadd.f32 v36, v28;
	v28 =	vor.u32 v5, v16  }
0x15a: {  	v29 =	vld.idx.msk [tilespmem:v31+s19+$0x0], $0xffff;
	[tilespmem:s16+$0xC0] =	vst v25;
	v22 =	vmul.f32 v23, v22  }
0x15b: {  	v23 =	vld.idx.msk [tilespmem:v35+s19+$0x0], $0xffff;
	v24 =	vmul.f32 v24, v8  }
0x15c: {  	v25 =	vadd.f32 v37, v34;
	v31 =	vld [tilespmem:s16+$0xFFFFFED0];
	[tilespmem:s16+$0x1F0] =	vst v22  }
0x15d: {  	v22 =	vld [tilespmem:s16+$0xFFFFFF50];
	[tilespmem:s16+$0x140] =	vst v24  }
0x15e: {  	v24 =	vmul.f32 v25, v11;
	v25 =	vor.u32 v6, v19;
	v28 =	vld.idx.msk [tilespmem:v28+s19+$0x0], $0xffff  }
0x15f: {  	v32 =	vld [tilespmem:s16+$0xFFFFFFD0]  }
0x160: {  	[tilespmem:s16+$0xFFFFFE50] =	vst v24;
	v24 =	vld [tilespmem:s16+$0x50]  }
0x161: {  	v30 =	vadd.f32 v31, v30;
	v31 =	vor.u32 v6, v21;
	v33 =	vld [tilespmem:s16+$0xD0]  }
0x162: {  	v22 =	vadd.f32 v22, v27;
	v27 =	vor.u32 v6, v20;
	v34 =	vld [tilespmem:s16+$0x150]  }
0x163: {  	v25 =	vld.idx.msk [tilespmem:v25+s19+$0x0], $0xffff;
	v30 =	vmul.f32 v30, v12  }
0x164: {  	v35 =	vld [tilespmem:s16+$0xFFFFFE60];
	v22 =	vmul.f32 v22, v13;
	v26 =	vadd.f32 v32, v26;
	v32 =	vor.u32 v6, v17  }
0x165: {  	v36 =	vor.u32 v6, v15;
	[tilespmem:s16+$0xFFFFFED0] =	vst v30;
	v30 =	vld [tilespmem:s16+$0xFFFFFEE0];
	v24 =	vadd.f32 v24, v29;
	v29 =	vor.u32 v6, v18  }
0x166: {  	v31 =	vld.idx.msk [tilespmem:v31+s19+$0x0], $0xffff;
	[tilespmem:s16+$0xFFFFFF50] =	vst v22;
	v22 =	vmul.f32 v26, v14;
	v23 =	vadd.f32 v33, v23  }
0x167: {  	v26 =	vld.idx.msk [tilespmem:v27+s19+$0x0], $0xffff;
	v24 =	vmul.f32 v24, v10;
	v27 =	vadd.f32 v34, v28;
	v28 =	vor.u32 v6, v16  }
0x168: {  	v33 =	vld [tilespmem:s16+$0xFFFFFF60];
	[tilespmem:s16+$0xFFFFFFD0] =	vst v22;
	v22 =	vmul.f32 v23, v9  }
0x169: {  	v23 =	vadd.f32 v35, v25;
	v25 =	vld.idx.msk [tilespmem:v32+s19+$0x0], $0xffff;
	[tilespmem:s16+$0x50] =	vst v24;
	v24 =	vmul.f32 v27, v8  }
0x16a: {  	v27 =	vld.idx.msk [tilespmem:v29+s19+$0x0], $0xffff;
	[tilespmem:s16+$0xD0] =	vst v22  }
0x16b: {  	v22 =	vmul.f32 v23, v11;
	v23 =	vld.idx.msk [tilespmem:v36+s19+$0x0], $0xffff;
	[tilespmem:s16+$0x150] =	vst v24  }
0x16c: {  	v21 =	vor.u32 v7, v21;
	v24 =	vadd.f32 v30, v31;
	v28 =	vld.idx.msk [tilespmem:v28+s19+$0x0], $0xffff  }
0x16d: {  	v20 =	vor.u32 v7, v20;
	[tilespmem:s16+$0xFFFFFE60] =	vst v22;
	v22 =	vadd.f32 v33, v26;
	v26 =	vld [tilespmem:s16+$0xFFFFFFE0]  }
0x16e: {  	v19 =	vor.u32 v7, v19;
	v24 =	vmul.f32 v24, v12;
	v29 =	vld [tilespmem:s16+$0x60]  }
0x16f: {  	v22 =	vmul.f32 v22, v13;
	v30 =	vld [tilespmem:s16+$0xE0]  }
0x170: {  	[tilespmem:s16+$0xFFFFFEE0] =	vst v24;
	v24 =	vld [tilespmem:s16+$0x160]  }
0x171: {  	v21 =	vld.idx.msk [tilespmem:v21+s19+$0x0], $0xffff;
	[tilespmem:s16+$0xFFFFFF60] =	vst v22  }
0x172: {  	v17 =	vor.u32 v7, v17;
	v20 =	vld.idx.msk [tilespmem:v20+s19+$0x0], $0xffff;
	v22 =	vadd.f32 v26, v25  }
0x173: {  	v18 =	vor.u32 v7, v18;
	v19 =	vld.idx.msk [tilespmem:v19+s19+$0x0], $0xffff;
	v25 =	vadd.f32 v29, v27  }
0x174: {  	v15 =	vor.u32 v7, v15;
	v26 =	vld [tilespmem:s16+$0xFFFFFE70];
	v22 =	vmul.f32 v22, v14;
	v23 =	vadd.f32 v30, v23  }
0x175: {  	v16 =	vor.u32 v7, v16;
	v27 =	vld [tilespmem:s16+$0xFFFFFEF0];
	v25 =	vmul.f32 v25, v10;
	v24 =	vadd.f32 v24, v28  }
0x176: {  	v28 =	vld [tilespmem:s16+$0xFFFFFF70];
	[tilespmem:s16+$0xFFFFFFE0] =	vst v22;
	v22 =	vmul.f32 v23, v9  }
0x177: {  	v17 =	vld.idx.msk [tilespmem:v17+s19+$0x0], $0xffff;
	[tilespmem:s16+$0x60] =	vst v25;
	v23 =	vmul.f32 v24, v8  }
0x178: {  	v18 =	vld.idx.msk [tilespmem:v18+s19+$0x0], $0xffff;
	[tilespmem:s16+$0xE0] =	vst v22  }
0x179: {  	v19 =	vadd.f32 v26, v19;
	v30 =	vld.idx.msk [tilespmem:v15+s19+$0x0], $0xffff;
	[tilespmem:s16+$0x160] =	vst v23  }
0x17a: {  	s18 =	sadd.s32 $0x1, s17;
	v23 =	vmov s17;
	v21 =	vadd.f32 v27, v21;
	v15 =	vld.idx.msk [tilespmem:v16+s19+$0x0], $0xffff  }
0x17b: {  	v25 =	vmov s18;
	s18 =	sadd.s32 $0x2, s17;
	v11 =	vmul.f32 v19, v11;
	v16 =	vadd.f32 v28, v20;
	v26 =	vld [tilespmem:s16+$0xFFFFFFF0]  }
0x17c: {  	v27 =	vmov s18;
	v12 =	vmul.f32 v21, v12;
	v29 =	vld [tilespmem:s16+$0x70]  }
0x17d: {  	v31 =	vor.u32 $0x100, v23;
	s18 =	sadd.s32 $0x3, s17;
	[tilespmem:s16+$0xFFFFFE70] =	vst v11;
	v13 =	vmul.f32 v16, v13;
	v32 =	vld [tilespmem:s16+$0xF0]  }
.Ltmp7:
0x17e: {  	s22 =	sadd.s32 $0x5, s17;
	v19 =	vor.u32 $0x100, v25;
	v22 =	vmov s18;
	s18 =	sadd.s32 $0x4, s17;
	[tilespmem:s16+$0xFFFFFEF0] =	vst v12;
	v16 =	vld [tilespmem:s16+$0x170];
	(pc) =	sbr.rel @p0 .LBB2_6-.Ltmp7, $4  }
0x17f: {  	v20 =	vor.u32 $0x100, v27;
	v24 =	vmov s18;
	s18 =	sadd.s32 $0x6, s17;
	v11 =	vld.idx.msk [tilespmem:v23+s25+$0x0], $0xffff;
	v23 =	vmov s22;
	[tilespmem:s16+$0xFFFFFF70] =	vst v13  }
0x180: {  	v21 =	vor.u32 $0x100, v22;
	v28 =	vmov s18;
	v12 =	vld.idx.msk [tilespmem:v25+s25+$0x0], $0xffff;
	v33 =	vadd.f32 v26, v17  }
0x181: {  	v26 =	vor.u32 $0x100, v24;
	v25 =	vor.u32 $0x100, v23;
	v13 =	vld.idx.msk [tilespmem:v27+s25+$0x0], $0xffff;
	v17 =	vadd.f32 v29, v18  }
0x182: {  	s18 =	sadd.s32 $0x7, s17;
	s17 =	sadd.s32 $0x8, s17;
	v29 =	vor.u32 $0x100, v28;
	v27 =	vld.idx.msk [tilespmem:v31+s24+$0x0], $0xffff;
	v14 =	vmul.f32 v33, v14;
	v18 =	vadd.f32 v32, v30  }
0x183: {  	_ =	sdelay $0x3  }
0x184: {  	v19 =	vld.idx.msk [tilespmem:v19+s24+$0x0], $0xffff  }
0x185: {  	v20 =	vld.idx.msk [tilespmem:v20+s24+$0x0], $0xffff  }
0x186: {  	v21 =	vld.idx.msk [tilespmem:v21+s24+$0x0], $0xffff  }
0x187: {  	v26 =	vld.idx.msk [tilespmem:v26+s24+$0x0], $0xffff  }
0x188: {  	v31 =	vld.idx.msk [tilespmem:v25+s24+$0x0], $0xffff  }
0x189: {  	v33 =	vld.idx.msk [tilespmem:v29+s24+$0x0], $0xffff;
	s17 =	sadd.s32 $0x400, s16  }
0x18a: {  	v41 =	vld [tilespmem:s17+$0x180]  }
0x18b: {  	v63 =	vld [tilespmem:s17+$0xFFFFFE00]  }
0x18c: {  	v42 =	vld [tilespmem:s17+$0xFFFFFE80]  }
0x18d: {  	v43 =	vld [tilespmem:s17+$0xFFFFFF00]  }
0x18e: {  	v44 =	vld [tilespmem:s17+$0xFFFFFF80]  }
0x18f: {  	v45 =	vld [tilespmem:s17+$0x0]  }
0x190: {  	v49 =	vld [tilespmem:s17+$0x80]  }
0x191: {  	v32 =	vmov s18;
	v51 =	vld [tilespmem:s17+$0x100]  }
0x192: {  	v30 =	vor.u32 $0x100, v32;
	v53 =	vld [tilespmem:s17+$0xFFFFFE10]  }
0x193: {  	v56 =	vld [tilespmem:s17+$0x190]  }
0x194: {  	v27 =	vshll.u32 v27, $0x7;
	v29 =	vshll.u32 v19, $0x7;
	v19 =	vld.idx.msk [tilespmem:v22+s25+$0x0], $0xffff  }
0x195: {  	v34 =	vor.u32 v0, v27;
	v25 =	vshll.u32 v21, $0x7;
	v21 =	vld.idx.msk [tilespmem:v23+s25+$0x0], $0xffff  }
0x196: {  	v22 =	vld.idx.msk [tilespmem:v28+s25+$0x0], $0xffff;
	v36 =	vor.u32 v0, v29  }
0x197: {  	v26 =	vshll.u32 v26, $0x7;
	v35 =	vld.idx.msk [tilespmem:v30+s24+$0x0], $0xffff;
	v38 =	vor.u32 v0, v25  }
0x198: {  	v23 =	vld.idx.msk [tilespmem:v32+s25+$0x0], $0xffff;
	v28 =	vshll.u32 v33, $0x7;
	v59 =	vor.u32 v0, v26  }
0x199: {  	v30 =	vshll.u32 v20, $0x7;
	v20 =	vld.idx.msk [tilespmem:v24+s25+$0x0], $0xffff;
	v24 =	vshll.u32 v31, $0x7;
	v33 =	vor.u32 v0, v28  }
0x19a: {  	v60 =	vor.u32 v0, v24;
	v34 =	vld.idx.msk [tilespmem:v34+s19+$0x0], $0xffff  }
0x19b: {  	v37 =	vor.u32 v0, v30;
	v61 =	vld.idx.msk [tilespmem:v36+s19+$0x0], $0xffff  }
0x19c: {  	v31 =	vshll.u32 v35, $0x7;
	v38 =	vld.idx.msk [tilespmem:v38+s19+$0x0], $0xffff  }
0x19d: {  	v39 =	vld.idx.msk [tilespmem:v59+s19+$0x0], $0xffff;
	v62 =	vor.u32 v0, v31  }
0x19e: {  	v33 =	vld.idx.msk [tilespmem:v33+s19+$0x0], $0xffff  }
0x19f: {  	v40 =	vld.idx.msk [tilespmem:v60+s19+$0x0], $0xffff  }
0x1a0: {  	v46 =	vor.u32 v1, v27;
	v37 =	vld.idx.msk [tilespmem:v37+s19+$0x0], $0xffff;
	v32 =	vadd.f32 v63, v34  }
0x1a1: {  	v35 =	vadd.f32 v42, v61;
	v61 =	vld [tilespmem:s17+$0xFFFFFE90]  }
0x1a2: {  	v50 =	vor.u32 v1, v29;
	v36 =	vld.idx.msk [tilespmem:v62+s19+$0x0], $0xffff;
	v32 =	vmul.f32 v32, v11  }
0x1a3: {  	v54 =	vor.u32 v1, v25;
	v55 =	vor.u32 v1, v26;
	v38 =	vadd.f32 v44, v38;
	v62 =	vld [tilespmem:s17+$0xFFFFFF10]  }
0x1a4: {  	v39 =	vadd.f32 v45, v39;
	v34 =	vadd.f32 v49, v40;
	v49 =	vld [tilespmem:s17+$0x1A0];
	v35 =	vmul.f32 v35, v12;
	[tilespmem:s17+$0xFFFFFE00] =	vst v32  }
0x1a5: {  	v58 =	vor.u32 v1, v28;
	v33 =	vadd.f32 v51, v33;
	v38 =	vmul.f32 v38, v19;
	v46 =	vld.idx.msk [tilespmem:v46+s19+$0x0], $0xffff  }
0x1a6: {  	v37 =	vadd.f32 v43, v37;
	v39 =	vmul.f32 v39, v20;
	[tilespmem:s17+$0xFFFFFE80] =	vst v35;
	v43 =	vld [tilespmem:s17+$0xFFFFFE70]  }
0x1a7: {  	v33 =	vmul.f32 v33, v22;
	[tilespmem:s17+$0xFFFFFF80] =	vst v38;
	v42 =	vld.idx.msk [tilespmem:v50+s19+$0x0], $0xffff  }
0x1a8: {  	[tilespmem:s17+$0x0] =	vst v39;
	v32 =	vld.idx.msk [tilespmem:v54+s19+$0x0], $0xffff  }
0x1a9: {  	v57 =	vor.u32 v1, v24;
	[tilespmem:s17+$0x100] =	vst v33;
	v38 =	vld.idx.msk [tilespmem:v55+s19+$0x0], $0xffff  }
0x1aa: {  	v52 =	vor.u32 v1, v30;
	v33 =	vld.idx.msk [tilespmem:v58+s19+$0x0], $0xffff  }
0x1ab: {  	v48 =	vor.u32 v1, v31;
	v34 =	vmul.f32 v34, v21;
	v50 =	vld [tilespmem:s17+$0xFFFFFF90];
	v36 =	vadd.f32 v41, v36  }
0x1ac: {  	v37 =	vmul.f32 v37, v13;
	v54 =	vld [tilespmem:s17+$0x90]  }
0x1ad: {  	[tilespmem:s17+$0x80] =	vst v34;
	v58 =	vld [tilespmem:s17+$0xFFFFFE20];
	v36 =	vmul.f32 v36, v23  }
0x1ae: {  	v51 =	vor.u32 v2, v29;
	[tilespmem:s17+$0xFFFFFF00] =	vst v37;
	v39 =	vld.idx.msk [tilespmem:v57+s19+$0x0], $0xffff;
	v37 =	vadd.f32 v61, v42  }
0x1af: {  	[tilespmem:s17+$0x180] =	vst v36;
	v36 =	vld.idx.msk [tilespmem:v52+s19+$0x0], $0xffff  }
0x1b0: {  	v41 =	vld.idx.msk [tilespmem:v48+s19+$0x0], $0xffff;
	v55 =	vmul.f32 v37, v12  }
0x1b1: {  	v44 =	vld [tilespmem:s17+$0xFFFFFEF0];
	v63 =	vadd.f32 v53, v46  }
0x1b2: {  	v45 =	vld [tilespmem:s17+$0xFFFFFF70];
	v48 =	vor.u32 v2, v27;
	[tilespmem:s17+$0xFFFFFE90] =	vst v55  }
0x1b3: {  	v35 =	vmul.f32 v63, v11;
	v39 =	vadd.f32 v54, v39;
	v63 =	vor.u32 v2, v24;
	v42 =	vld.idx.msk [tilespmem:v51+s19+$0x0], $0xffff  }
0x1b4: {  	v36 =	vadd.f32 v62, v36;
	v62 =	vld [tilespmem:s17+$0xFFFFFEA0]  }
0x1b5: {  	v60 =	vor.u32 v2, v31;
	v52 =	vld [tilespmem:s17+$0x10];
	v51 =	vmul.f32 v39, v21;
	v59 =	vadd.f32 v56, v41  }
0x1b6: {  	v53 =	vor.u32 v2, v30;
	[tilespmem:s17+$0xFFFFFE10] =	vst v35;
	v56 =	vld [tilespmem:s17+$0x110]  }
0x1b7: {  	v41 =	vld.idx.msk [tilespmem:v48+s19+$0x0], $0xffff;
	[tilespmem:s17+$0x90] =	vst v51;
	v34 =	vmul.f32 v59, v23  }
0x1b8: {  	v36 =	vmul.f32 v36, v13;
	v55 =	vld.idx.msk [tilespmem:v63+s19+$0x0], $0xffff  }
0x1b9: {  	v32 =	vadd.f32 v50, v32;
	v59 =	vor.u32 v2, v25;
	[tilespmem:s17+$0x190] =	vst v34;
	v42 =	vadd.f32 v62, v42;
	v62 =	vld [tilespmem:s17+$0xA0]  }
0x1ba: {  	[tilespmem:s17+$0xFFFFFF10] =	vst v36;
	v34 =	vld.idx.msk [tilespmem:v60+s19+$0x0], $0xffff  }
0x1bb: {  	v61 =	vor.u32 v2, v26;
	v32 =	vmul.f32 v32, v19;
	v60 =	vadd.f32 v52, v38;
	v38 =	vld.idx.msk [tilespmem:v53+s19+$0x0], $0xffff  }
0x1bc: {  	v33 =	vadd.f32 v56, v33;
	v56 =	vld [tilespmem:s17+$0xFFFFFF20]  }
0x1bd: {  	[tilespmem:s17+$0xFFFFFF90] =	vst v32;
	v35 =	vadd.f32 v58, v41;
	v58 =	vld [tilespmem:s17+$0xFFFFFFA0];
	v48 =	vmul.f32 v60, v20  }
0x1be: {  	v53 =	vld.idx.msk [tilespmem:v59+s19+$0x0], $0xffff  }
0x1bf: {  	v57 =	vor.u32 v3, v31;
	v60 =	vld [tilespmem:s17+$0x20];
	[tilespmem:s17+$0x10] =	vst v48;
	v34 =	vadd.f32 v49, v34  }
0x1c0: {  	v35 =	vmul.f32 v35, v11;
	v49 =	vor.u32 v2, v28;
	v54 =	vld.idx.msk [tilespmem:v61+s19+$0x0], $0xffff  }
0x1c1: {  	v63 =	vld [tilespmem:s17+$0x120];
	v47 =	vadd.f32 v56, v38;
	v34 =	vmul.f32 v34, v23  }
0x1c2: {  	v52 =	vld [tilespmem:s17+$0x1B0];
	v33 =	vmul.f32 v33, v22;
	[tilespmem:s17+$0xFFFFFE20] =	vst v35  }
0x1c3: {  	v51 =	vor.u32 v3, v25;
	v35 =	vmul.f32 v47, v13;
	v47 =	vld [tilespmem:s17+$0x1E0];
	[tilespmem:s17+$0x1A0] =	vst v34;
	v34 =	vadd.f32 v58, v53  }
0x1c4: {  	[tilespmem:s17+$0x110] =	vst v33;
	v33 =	vadd.f32 v62, v55;
	v55 =	vor.u32 v3, v24;
	v50 =	vld.idx.msk [tilespmem:v57+s19+$0x0], $0xffff  }
0x1c5: {  	v36 =	vld.idx.msk [tilespmem:v49+s19+$0x0], $0xffff;
	v32 =	vadd.f32 v60, v54;
	v34 =	vmul.f32 v34, v19  }
0x1c6: {  	v59 =	vor.u32 v3, v29;
	v33 =	vmul.f32 v33, v21;
	v49 =	vld [tilespmem:s17+$0x1C0]  }
0x1c7: {  	v61 =	vor.u32 v3, v27;
	v54 =	vld [tilespmem:s17+$0xFFFFFE30];
	v32 =	vmul.f32 v32, v20;
	[tilespmem:s17+$0xFFFFFFA0] =	vst v34  }
0x1c8: {  	v42 =	vmul.f32 v42, v12;
	[tilespmem:s17+$0xA0] =	vst v33;
	v53 =	vor.u32 v3, v26;
	v60 =	vld.idx.msk [tilespmem:v51+s19+$0x0], $0xffff  }
0x1c9: {  	[tilespmem:s17+$0x20] =	vst v32;
	v32 =	vld.idx.msk [tilespmem:v55+s19+$0x0], $0xffff  }
0x1ca: {  	[tilespmem:s17+$0xFFFFFEA0] =	vst v42;
	v57 =	vor.u32 v4, v31;
	v55 =	vld [tilespmem:s17+$0x130];
	v37 =	vadd.f32 v52, v50  }
0x1cb: {  	v50 =	vld.idx.msk [tilespmem:v59+s19+$0x0], $0xffff  }
0x1cc: {  	v52 =	vld.idx.msk [tilespmem:v61+s19+$0x0], $0xffff;
	v37 =	vmul.f32 v37, v23  }
0x1cd: {  	v48 =	vor.u32 v3, v30;
	v61 =	vld.idx.msk [tilespmem:v53+s19+$0x0], $0xffff  }
0x1ce: {  	v36 =	vadd.f32 v63, v36;
	v63 =	vld [tilespmem:s17+$0x1D0];
	[tilespmem:s17+$0x1B0] =	vst v37  }
0x1cf: {  	v39 =	vld.idx.msk [tilespmem:v57+s19+$0x0], $0xffff  }
0x1d0: {  	v57 =	vld [tilespmem:s17+$0xFFFFFEB0]  }
0x1d1: {  	v56 =	vor.u32 v3, v28;
	[tilespmem:s17+$0xFFFFFF20] =	vst v35;
	v53 =	vld [tilespmem:s17+$0x30];
	v59 =	vmul.f32 v36, v22  }
0x1d2: {  	v37 =	vld.idx.msk [tilespmem:v48+s19+$0x0], $0xffff  }
0x1d3: {  	[tilespmem:s17+$0x120] =	vst v59;
	v59 =	vld [tilespmem:s17+$0xFFFFFE40]  }
0x1d4: {  	v58 =	vor.u32 v5, v31;
	v39 =	vadd.f32 v49, v39;
	v49 =	vld [tilespmem:s17+$0xFFFFFF30]  }
0x1d5: {  	v34 =	vadd.f32 v57, v50;
	v50 =	vadd.f32 v54, v52;
	v52 =	vld [tilespmem:s17+$0xFFFFFFB0]  }
0x1d6: {  	v35 =	vld.idx.msk [tilespmem:v56+s19+$0x0], $0xffff;
	v39 =	vmul.f32 v39, v23  }
0x1d7: {  	v48 =	vor.u32 v4, v29;
	v33 =	vadd.f32 v53, v61;
	v61 =	vld [tilespmem:s17+$0xFFFFFEC0]  }
0x1d8: {  	v51 =	vor.u32 v4, v27;
	v53 =	vld [tilespmem:s17+$0xFFFFFF40];
	[tilespmem:s17+$0x1C0] =	vst v39  }
0x1d9: {  	v57 =	vor.u32 v4, v30;
	v34 =	vmul.f32 v34, v12;
	v62 =	vld.idx.msk [tilespmem:v58+s19+$0x0], $0xffff;
	v37 =	vadd.f32 v49, v37  }
0x1da: {  	v54 =	vld [tilespmem:s17+$0xB0];
	v42 =	vmul.f32 v50, v11;
	v36 =	vadd.f32 v52, v60;
	v58 =	vor.u32 v4, v25  }
0x1db: {  	[tilespmem:s17+$0xFFFFFEB0] =	vst v34;
	v34 =	vadd.f32 v55, v35;
	v55 =	vld [tilespmem:s17+$0xFFFFFFC0];
	v60 =	vor.u32 v4, v26;
	v37 =	vmul.f32 v37, v13  }
0x1dc: {  	[tilespmem:s17+$0xFFFFFE30] =	vst v42;
	v40 =	vld.idx.msk [tilespmem:v48+s19+$0x0], $0xffff;
	v36 =	vmul.f32 v36, v19  }
0x1dd: {  	v33 =	vmul.f32 v33, v20;
	v42 =	vld.idx.msk [tilespmem:v51+s19+$0x0], $0xffff;
	[tilespmem:s17+$0xFFFFFF30] =	vst v37  }
0x1de: {  	v56 =	vor.u32 v6, v31;
	[tilespmem:s17+$0xFFFFFFB0] =	vst v36;
	v38 =	vadd.f32 v63, v62;
	v48 =	vld.idx.msk [tilespmem:v57+s19+$0x0], $0xffff  }
0x1df: {  	[tilespmem:s17+$0x30] =	vst v33;
	v32 =	vadd.f32 v54, v32;
	v62 =	vor.u32 v4, v24;
	v50 =	vld.idx.msk [tilespmem:v58+s19+$0x0], $0xffff  }
0x1e0: {  	v63 =	vor.u32 v4, v28;
	v51 =	vld.idx.msk [tilespmem:v60+s19+$0x0], $0xffff;
	v38 =	vmul.f32 v38, v23  }
0x1e1: {  	v32 =	vmul.f32 v32, v21;
	v57 =	vld [tilespmem:s17+$0x40]  }
0x1e2: {  	v49 =	vmul.f32 v34, v22;
	v54 =	vadd.f32 v59, v42;
	v58 =	vor.u32 v5, v27;
	v59 =	vld [tilespmem:s17+$0xC0];
	[tilespmem:s17+$0x1D0] =	vst v38  }
0x1e3: {  	[tilespmem:s17+$0xB0] =	vst v32;
	v39 =	vld.idx.msk [tilespmem:v56+s19+$0x0], $0xffff  }
0x1e4: {  	[tilespmem:s17+$0x130] =	vst v49;
	v41 =	vmul.f32 v54, v11;
	v52 =	vld.idx.msk [tilespmem:v62+s19+$0x0], $0xffff  }
0x1e5: {  	v35 =	vld.idx.msk [tilespmem:v63+s19+$0x0], $0xffff  }
0x1e6: {  	v38 =	vadd.f32 v61, v40;
	[tilespmem:s17+$0xFFFFFE40] =	vst v41;
	v63 =	vld [tilespmem:s17+$0x140]  }
0x1e7: {  	v61 =	vor.u32 v5, v30;
	v56 =	vor.u32 v5, v29;
	v49 =	vld.idx.msk [tilespmem:v58+s19+$0x0], $0xffff  }
0x1e8: {  	v36 =	vadd.f32 v53, v48;
	v34 =	vadd.f32 v55, v50;
	v50 =	vld [tilespmem:s17+$0xFFFFFE50];
	v60 =	vmul.f32 v38, v12  }
0x1e9: {  	v62 =	vor.u32 v5, v25;
	v55 =	vld [tilespmem:s17+$0xFFFFFED0]  }
0x1ea: {  	v32 =	vadd.f32 v57, v51;
	v48 =	vor.u32 v5, v26;
	v36 =	vmul.f32 v36, v13;
	[tilespmem:s17+$0xFFFFFEC0] =	vst v60;
	v60 =	vld [tilespmem:s17+$0x50]  }
0x1eb: {  	v34 =	vmul.f32 v34, v19;
	v37 =	vadd.f32 v47, v39;
	v39 =	vld [tilespmem:s17+$0x1F0]  }
0x1ec: {  	v32 =	vmul.f32 v32, v20;
	[tilespmem:s17+$0xFFFFFF40] =	vst v36;
	v40 =	vld.idx.msk [tilespmem:v56+s19+$0x0], $0xffff  }
0x1ed: {  	[tilespmem:s17+$0xFFFFFFC0] =	vst v34;
	v38 =	vld.idx.msk [tilespmem:v61+s19+$0x0], $0xffff  }
0x1ee: {  	[tilespmem:s17+$0x40] =	vst v32;
	v34 =	vld.idx.msk [tilespmem:v62+s19+$0x0], $0xffff  }
0x1ef: {  	v54 =	vld.idx.msk [tilespmem:v48+s19+$0x0], $0xffff  }
0x1f0: {  	v31 =	vor.u32 v7, v31;
	v56 =	vld [tilespmem:s17+$0xFFFFFF50]  }
0x1f1: {  	v51 =	vor.u32 v5, v24;
	v33 =	vadd.f32 v59, v52;
	v59 =	vld [tilespmem:s17+$0xFFFFFFD0]  }
0x1f2: {  	v53 =	vor.u32 v5, v28;
	v52 =	vadd.f32 v63, v35;
	v62 =	vld [tilespmem:s17+$0xD0];
	v37 =	vmul.f32 v37, v23  }
0x1f3: {  	v48 =	vld [tilespmem:s17+$0x150];
	v33 =	vmul.f32 v33, v21  }
0x1f4: {  	v57 =	vadd.f32 v50, v49;
	v49 =	vld [tilespmem:s17+$0xFFFFFE60];
	v32 =	vmul.f32 v52, v22;
	[tilespmem:s17+$0x1E0] =	vst v37  }
0x1f5: {  	[tilespmem:s17+$0xC0] =	vst v33;
	v31 =	vld.idx.msk [tilespmem:v31+s19+$0x0], $0xffff  }
0x1f6: {  	v58 =	vor.u32 v6, v27;
	[tilespmem:s17+$0x140] =	vst v32;
	v36 =	vld.idx.msk [tilespmem:v51+s19+$0x0], $0xffff  }
0x1f7: {  	v61 =	vor.u32 v6, v29;
	v35 =	vld.idx.msk [tilespmem:v53+s19+$0x0], $0xffff;
	v40 =	vadd.f32 v55, v40  }
0x1f8: {  	v63 =	vor.u32 v6, v30;
	v32 =	vmul.f32 v57, v11;
	v33 =	vadd.f32 v56, v38;
	v51 =	vld [tilespmem:s17+$0xFFFFFEE0]  }
0x1f9: {  	v50 =	vor.u32 v6, v25;
	v34 =	vadd.f32 v59, v34;
	v55 =	vld [tilespmem:s17+$0xFFFFFF60];
	v40 =	vmul.f32 v40, v12  }
0x1fa: {  	v52 =	vor.u32 v6, v26;
	v37 =	vadd.f32 v60, v54;
	v59 =	vld [tilespmem:s17+$0xFFFFFFE0];
	[tilespmem:s17+$0xFFFFFE50] =	vst v32;
	v33 =	vmul.f32 v33, v13  }
0x1fb: {  	v42 =	vld.idx.msk [tilespmem:v58+s19+$0x0], $0xffff;
	v34 =	vmul.f32 v34, v19;
	[tilespmem:s17+$0xFFFFFED0] =	vst v40  }
0x1fc: {  	v37 =	vmul.f32 v37, v20;
	[tilespmem:s17+$0xFFFFFF50] =	vst v33;
	v41 =	vld.idx.msk [tilespmem:v61+s19+$0x0], $0xffff  }
0x1fd: {  	[tilespmem:s17+$0xFFFFFFD0] =	vst v34;
	v32 =	vld.idx.msk [tilespmem:v63+s19+$0x0], $0xffff  }
0x1fe: {  	[tilespmem:s17+$0x50] =	vst v37;
	v56 =	vld.idx.msk [tilespmem:v50+s19+$0x0], $0xffff  }
0x1ff: {  	v53 =	vor.u32 v6, v24;
	v36 =	vadd.f32 v62, v36;
	v33 =	vld.idx.msk [tilespmem:v52+s19+$0x0], $0xffff  }
0x200: {  	v54 =	vor.u32 v6, v28;
	v35 =	vadd.f32 v48, v35;
	v61 =	vld [tilespmem:s17+$0x60]  }
0x201: {  	v62 =	vld [tilespmem:s17+$0xE0];
	v36 =	vmul.f32 v36, v21  }
0x202: {  	[tilespmem:s16+$0xFFFFFFF0] =	vst v14;
	v63 =	vld [tilespmem:s17+$0x160];
	v35 =	vmul.f32 v35, v22  }
0x203: {  	v10 =	vmul.f32 v17, v10;
	v48 =	vld [tilespmem:s17+$0xFFFFFFF0];
	v60 =	vadd.f32 v49, v42;
	[tilespmem:s17+$0xD0] =	vst v36  }
0x204: {  	v27 =	vor.u32 v7, v27;
	[tilespmem:s17+$0x150] =	vst v35;
	v57 =	vld.idx.msk [tilespmem:v53+s19+$0x0], $0xffff;
	v58 =	vadd.f32 v51, v41  }
0x205: {  	v29 =	vor.u32 v7, v29;
	v40 =	vmul.f32 v60, v11;
	v38 =	vld.idx.msk [tilespmem:v54+s19+$0x0], $0xffff;
	v32 =	vadd.f32 v55, v32  }
0x206: {  	[tilespmem:s16+$0x70] =	vst v10;
	v30 =	vor.u32 v7, v30;
	v50 =	vld [tilespmem:s17+$0x70];
	v36 =	vmul.f32 v58, v12  }
0x207: {  	v25 =	vor.u32 v7, v25;
	v52 =	vld [tilespmem:s17+$0xF0];
	[tilespmem:s17+$0xFFFFFE60] =	vst v40;
	v40 =	vadd.f32 v59, v56;
	v32 =	vmul.f32 v32, v13  }
0x208: {  	v26 =	vor.u32 v7, v26;
	v24 =	vor.u32 v7, v24;
	v33 =	vadd.f32 v61, v33;
	v55 =	vld [tilespmem:s17+$0x170];
	[tilespmem:s17+$0xFFFFFEE0] =	vst v36  }
0x209: {  	v27 =	vld.idx.msk [tilespmem:v27+s19+$0x0], $0xffff;
	[tilespmem:s17+$0xFFFFFF60] =	vst v32;
	v32 =	vmul.f32 v40, v19;
	v35 =	vadd.f32 v62, v57  }
0x20a: {  	v28 =	vor.u32 v7, v28;
	v33 =	vmul.f32 v33, v20;
	v29 =	vld.idx.msk [tilespmem:v29+s19+$0x0], $0xffff;
	v36 =	vadd.f32 v63, v38  }
0x20b: {  	v30 =	vld.idx.msk [tilespmem:v30+s19+$0x0], $0xffff;
	[tilespmem:s17+$0xFFFFFFE0] =	vst v32;
	v46 =	vmul.f32 v35, v21  }
0x20c: {  	v15 =	vadd.f32 v16, v15;
	[tilespmem:s17+$0x60] =	vst v33;
	v25 =	vld.idx.msk [tilespmem:v25+s19+$0x0], $0xffff;
	v47 =	vmul.f32 v36, v22  }
0x20d: {  	v9 =	vmul.f32 v18, v9;
	v49 =	vadd.f32 v39, v31;
	v26 =	vld.idx.msk [tilespmem:v26+s19+$0x0], $0xffff;
	[tilespmem:s17+$0xE0] =	vst v46  }
0x20e: {  	v8 =	vmul.f32 v15, v8;
	v51 =	vadd.f32 v43, v27;
	[tilespmem:s17+$0x160] =	vst v47;
	v24 =	vld.idx.msk [tilespmem:v24+s19+$0x0], $0xffff  }
0x20f: {  	[tilespmem:s16+$0xF0] =	vst v9;
	v53 =	vmul.f32 v49, v23;
	v28 =	vld.idx.msk [tilespmem:v28+s19+$0x0], $0xffff;
	v54 =	vadd.f32 v44, v29  }
0x210: {  	[tilespmem:s16+$0x170] =	vst v8;
	v8 =	vmul.f32 v51, v11;
	v56 =	vadd.f32 v45, v30  }
0x211: {  	[tilespmem:s17+$0x1F0] =	vst v53;
	v57 =	vmul.f32 v54, v12;
	v58 =	vadd.f32 v48, v25  }
0x212: {  	v59 =	vadd.f32 v50, v26;
	[tilespmem:s17+$0xFFFFFE70] =	vst v8;
	v8 =	vmul.f32 v56, v13  }
0x213: {  	[tilespmem:s17+$0xFFFFFEF0] =	vst v57;
	v60 =	vmul.f32 v58, v19;
	v61 =	vadd.f32 v52, v24  }
0x214: {  	[tilespmem:s17+$0xFFFFFF70] =	vst v8;
	v8 =	vmul.f32 v59, v20;
	v62 =	vadd.f32 v55, v28  }
0x215: {  	[tilespmem:s17+$0xFFFFFFF0] =	vst v60;
	v63 =	vmul.f32 v61, v21  }
0x216: {  	[tilespmem:s17+$0x70] =	vst v8;
	v8 =	vmul.f32 v62, v22  }
0x217: {  	[tilespmem:s17+$0xF0] =	vst v63  }
0x218: {  	[tilespmem:s17+$0x170] =	vst v8  }
0x219: {  	[spmem:s5] =	stream.indirect.scatter.add.f32 [tilespmem:s25], [sflag:$0x5], $0x1, s9, s30, $0xb8;
	[tilespmem:$0x1E780] =	vst v63  }
0x21a: {  	_ =	swait.ge [sflag:s20], $0x80  }
0x21b: {  	[sflag:s20] =	ssyncset.done $0x0  }
0x21c: {  	p0 =	sgt.u32 s15, $0x983;
	[sflag:s20] =	ssyncadd.s32 $0xFFFFFF80  }
0x21d: {  	[spmem:s4] =	stream.indirect.scatter.add.f32 [tilespmem:s31], [sflag:$0x5], $0x80, s9, s30, $0xb8;
	[tilespmem:$0x1E780] =	vst v63  }
0x21e: {  	s18 =	simm.s32 @!p0 $0x0;
	s16 =	sadd.s32 @!p0 $0x40, s15;
	_ =	swait.ge [sflag:s20], $0x4000  }
0x21f: {  	s22 =	simm.s32 @!p0 $0x1C280;
	s17 =	sshll.u32 @!p0 s16, $0x6;
	[sflag:s20] =	ssyncset.done $0x0  }
0x220: {  	s16 =	sshll.u32 @!p0 s16, $0x4;
	s17 =	sadd.s32 @!p0 s7, s17;
	[sflag:s20] =	ssyncadd.s32 $0xFFFFC000  }
0x221: {  	[tilespmem:s22], [sflag:$0x3] =	stream.linear.gather @!p0 [hbm4b:s17+s18], $0x180, $0x38;
	[tilespmem:$0x1E780] =	vst v63  }
0x222: {  	s16 =	sadd.s32 @!p0 s8, s16;
	s17 =	simm.s32 @!p0 $0x1C680  }
0x223: {  	[tilespmem:s17], [sflag:$0x3] =	stream.linear.gather @!p0 [hbm4b:s16+s18], $0x80, $0x38;
	[tilespmem:$0x1E780] =	vst v63  }
.LBB2_8:
0x224: {  	s16 =	sor.u32 $0x20, s15  }
0x225: {  	p0 =	sgt.u32 s16, $0x9A3  }
.Ltmp8:
0x226: {  	_ = 	snop;
	(pc) =	sbr.rel @p0 .LBB2_10-.Ltmp8, $1  }
0x227: {  	_ =	sdelay $0x3  }
0x228: {  	_ =	swait.ge [sflag:s29], $0x180  }
0x229: {  	[sflag:s29] =	ssyncset.done $0x0  }
.Ltmp9:
0x22a: {  	[sflag:s29] =	ssyncadd.s32 $0xFFFFFE80;
	(pc) =	sbr.rel .LBB2_11-.Ltmp9, $4  }
0x22b: {  	_ =	swait.ge [sflag:s29], $0x80  }
0x22c: {  	[sflag:s29] =	ssyncset.done $0x0  }
0x22d: {  	[sflag:s29] =	ssyncadd.s32 $0xFFFFFF80  }
0x22e: {  	[tilespmem:s31], [sflag:$0x1] =	stream.indirect.gather [hbm4b:s0+s30], $0x80, s24, s30, $0xb8;
	[tilespmem:$0x1E780] =	vst v63  }
.LBB2_10:
0x22f: {  	p0 =	sgt.u32 s16, $0x9C3  }
.Ltmp10:
0x230: {  	_ = 	snop;
	(pc) =	sbr.rel @p0 .LBB2_14-.Ltmp10, $1  }
0x231: {  	_ =	sdelay $0x3  }
.LBB2_11:
0x232: {  	_ =	swait.ge [sflag:s10], $0x4000  }
0x233: {  	s17 =	simm.s32 $0x0;
	[sflag:s10] =	ssyncset.done $0x0  }
0x234: {  	v8 =	vmov s17;
	s17 =	simm.s32 $0x18480;
	[sflag:s10] =	ssyncadd.s32 $0xFFFFC000  }
0x235: {  	v33 =	vld [tilespmem:s17+$0x180]  }
0x236: {  	v34 =	vld [tilespmem:s17+$0xFFFFFE80]  }
0x237: {  	v35 =	vld [tilespmem:s17+$0xFFFFFF00]  }
0x238: {  	v36 =	vld [tilespmem:s17+$0xFFFFFF80]  }
0x239: {  	v38 =	vld [tilespmem:s17+$0x0]  }
0x23a: {  	v39 =	vld [tilespmem:s17+$0x80]  }
0x23b: {  	v41 =	vld [tilespmem:s17+$0x100]  }
0x23c: {  	s23 =	simm.s32 $0x1;
	v42 =	vld [tilespmem:s17+$0xFFFFFE10]  }
0x23d: {  	s18 =	simm.s32 $0x2;
	v9 =	vmov s23;
	v63 =	vld [tilespmem:s17+$0x190]  }
0x23e: {  	v10 =	vmov s18;
	v43 =	vld [tilespmem:s17+$0xFFFFFF10]  }
0x23f: {  	v14 =	vor.u32 $0x100, v8;
	v11 =	vld.idx.msk [tilespmem:v8+s28+$0x0], $0xffff;
	v8 =	vor.u32 $0x100, v10  }
0x240: {  	s18 =	simm.s32 $0x5;
	v45 =	vld [tilespmem:s17+$0x1A0]  }
0x241: {  	s22 =	simm.s32 $0x3;
	v15 =	vor.u32 $0x100, v9;
	v23 =	vmov s18;
	v46 =	vld [tilespmem:s17+$0xFFFFFF90]  }
0x242: {  	v16 =	vmov s22;
	s22 =	simm.s32 $0x7;
	v18 =	vor.u32 $0x100, v23;
	v12 =	vld.idx.msk [tilespmem:v9+s28+$0x0], $0xffff  }
0x243: {  	v25 =	vmov s22;
	v9 =	vor.u32 $0x100, v16;
	v13 =	vld.idx.msk [tilespmem:v10+s28+$0x0], $0xffff  }
0x244: {  	s18 =	simm.s32 $0x6;
	v22 =	vor.u32 $0x100, v25;
	v8 =	vld.idx.msk [tilespmem:v8+s26+$0x0], $0xffff  }
0x245: {  	s23 =	simm.s32 $0x4;
	v24 =	vmov s18;
	v14 =	vld.idx.msk [tilespmem:v14+s26+$0x0], $0xffff  }
0x246: {  	v17 =	vmov s23;
	v19 =	vor.u32 $0x100, v24;
	v15 =	vld.idx.msk [tilespmem:v15+s26+$0x0], $0xffff  }
0x247: {  	v10 =	vor.u32 $0x100, v17;
	v27 =	vld.idx.msk [tilespmem:v18+s26+$0x0], $0xffff  }
0x248: {  	v9 =	vld.idx.msk [tilespmem:v9+s26+$0x0], $0xffff  }
0x249: {  	v30 =	vld.idx.msk [tilespmem:v22+s26+$0x0], $0xffff;
	v22 =	vshll.u32 v8, $0x7  }
0x24a: {  	v20 =	vshll.u32 v14, $0x7;
	v14 =	vld.idx.msk [tilespmem:v16+s28+$0x0], $0xffff;
	v16 =	vor.u32 v0, v22  }
0x24b: {  	v28 =	vld.idx.msk [tilespmem:v19+s26+$0x0], $0xffff  }
0x24c: {  	v26 =	vld.idx.msk [tilespmem:v10+s26+$0x0], $0xffff;
	v21 =	vshll.u32 v15, $0x7;
	v29 =	vor.u32 v0, v20  }
0x24d: {  	v10 =	vld.idx.msk [tilespmem:v17+s28+$0x0], $0xffff;
	v31 =	vor.u32 v0, v21;
	v18 =	vshll.u32 v9, $0x7  }
0x24e: {  	v9 =	vld.idx.msk [tilespmem:v23+s28+$0x0], $0xffff;
	v23 =	vshll.u32 v30, $0x7;
	v32 =	vor.u32 v0, v18  }
0x24f: {  	v30 =	vld.idx.msk [tilespmem:v16+s19+$0x0], $0xffff;
	v16 =	vor.u32 v0, v23  }
0x250: {  	v8 =	vld.idx.msk [tilespmem:v24+s28+$0x0], $0xffff  }
0x251: {  	v24 =	vld.idx.msk [tilespmem:v29+s19+$0x0], $0xffff  }
0x252: {  	v17 =	vshll.u32 v28, $0x7;
	v28 =	vld.idx.msk [tilespmem:v31+s19+$0x0], $0xffff  }
0x253: {  	v19 =	vshll.u32 v26, $0x7;
	v31 =	vld.idx.msk [tilespmem:v32+s19+$0x0], $0xffff  }
0x254: {  	v26 =	vor.u32 v0, v19;
	v58 =	vld.idx.msk [tilespmem:v16+s19+$0x0], $0xffff  }
0x255: {  	v15 =	vshll.u32 v27, $0x7;
	v16 =	vld.idx.msk [tilespmem:v25+s28+$0x0], $0xffff  }
0x256: {  	v27 =	vor.u32 v0, v15;
	v25 =	vld [tilespmem:s17+$0xFFFFFE00]  }
0x257: {  	v47 =	vld [tilespmem:s17+$0x10];
	v29 =	vor.u32 v0, v17;
	v28 =	vadd.f32 v34, v28  }
0x258: {  	v49 =	vld [tilespmem:s17+$0x90]  }
0x259: {  	v26 =	vld.idx.msk [tilespmem:v26+s19+$0x0], $0xffff;
	v28 =	vmul.f32 v28, v12;
	v31 =	vadd.f32 v36, v31  }
0x25a: {  	v51 =	vld [tilespmem:s17+$0xFFFFFE20];
	v59 =	vor.u32 v1, v23;
	v40 =	vor.u32 v1, v18;
	v32 =	vadd.f32 v33, v58  }
0x25b: {  	v27 =	vld.idx.msk [tilespmem:v27+s19+$0x0], $0xffff;
	[tilespmem:s17+$0xFFFFFE80] =	vst v28;
	v28 =	vmul.f32 v31, v14;
	v24 =	vadd.f32 v25, v24  }
0x25c: {  	v29 =	vld.idx.msk [tilespmem:v29+s19+$0x0], $0xffff;
	v32 =	vmul.f32 v32, v16  }
0x25d: {  	v53 =	vld [tilespmem:s17+$0xFFFFFEA0];
	v30 =	vadd.f32 v35, v30;
	[tilespmem:s17+$0xFFFFFF80] =	vst v28;
	v24 =	vmul.f32 v24, v11  }
0x25e: {  	v55 =	vld [tilespmem:s17+$0x1B0];
	v37 =	vor.u32 v1, v20;
	v26 =	vadd.f32 v38, v26;
	[tilespmem:s17+$0x180] =	vst v32  }
0x25f: {  	v25 =	vor.u32 v1, v21;
	v28 =	vld.idx.msk [tilespmem:v40+s19+$0x0], $0xffff;
	[tilespmem:s17+$0xFFFFFE00] =	vst v24;
	v24 =	vmul.f32 v30, v13  }
0x260: {  	v60 =	vor.u32 v1, v22;
	v27 =	vadd.f32 v39, v27;
	v33 =	vld.idx.msk [tilespmem:v59+s19+$0x0], $0xffff  }
0x261: {  	v58 =	vld [tilespmem:s17+$0xFFFFFFA0];
	v30 =	vor.u32 v1, v17;
	[tilespmem:s17+$0xFFFFFF00] =	vst v24;
	v24 =	vmul.f32 v26, v10;
	v26 =	vadd.f32 v41, v29  }
0x262: {  	v27 =	vmul.f32 v27, v9;
	v40 =	vld [tilespmem:s17+$0x140]  }
0x263: {  	v62 =	vor.u32 v1, v15;
	v37 =	vld.idx.msk [tilespmem:v37+s19+$0x0], $0xffff;
	[tilespmem:s17+$0x0] =	vst v24;
	v24 =	vmul.f32 v26, v8  }
0x264: {  	[tilespmem:s17+$0x80] =	vst v27;
	v25 =	vld.idx.msk [tilespmem:v25+s19+$0x0], $0xffff  }
0x265: {  	v31 =	vor.u32 v2, v23;
	v29 =	vld.idx.msk [tilespmem:v60+s19+$0x0], $0xffff;
	v27 =	vadd.f32 v63, v33;
	[tilespmem:s17+$0x100] =	vst v24  }
0x266: {  	v24 =	vld.idx.msk [tilespmem:v30+s19+$0x0], $0xffff  }
0x267: {  	v61 =	vor.u32 v1, v19;
	v30 =	vld [tilespmem:s17+$0xFFFFFE90];
	v27 =	vmul.f32 v27, v16  }
0x268: {  	v32 =	vld.idx.msk [tilespmem:v62+s19+$0x0], $0xffff  }
0x269: {  	v62 =	vld [tilespmem:s17+$0xA0];
	[tilespmem:s17+$0x190] =	vst v27  }
0x26a: {  	v29 =	vadd.f32 v43, v29;
	v27 =	vld.idx.msk [tilespmem:v31+s19+$0x0], $0xffff  }
0x26b: {  	v48 =	vor.u32 v2, v22;
	v60 =	vld [tilespmem:s17+$0x20];
	v31 =	vadd.f32 v42, v37  }
0x26c: {  	v44 =	vor.u32 v2, v20;
	v26 =	vld.idx.msk [tilespmem:v61+s19+$0x0], $0xffff;
	v29 =	vmul.f32 v29, v13;
	v25 =	vadd.f32 v30, v25  }
0x26d: {  	v32 =	vadd.f32 v49, v32;
	v49 =	vld [tilespmem:s17+$0xFFFFFF30];
	v31 =	vmul.f32 v31, v11  }
0x26e: {  	v63 =	vld [tilespmem:s17+$0x120];
	v30 =	vor.u32 v2, v21;
	[tilespmem:s17+$0xFFFFFF10] =	vst v29;
	v25 =	vmul.f32 v25, v12  }
0x26f: {  	v50 =	vor.u32 v3, v23;
	[tilespmem:s17+$0xFFFFFE10] =	vst v31;
	v31 =	vld [tilespmem:s17+$0x110];
	v27 =	vadd.f32 v45, v27  }
0x270: {  	v29 =	vld.idx.msk [tilespmem:v48+s19+$0x0], $0xffff;
	[tilespmem:s17+$0xFFFFFE90] =	vst v25;
	v25 =	vadd.f32 v46, v28;
	v28 =	vor.u32 v2, v18  }
0x271: {  	v26 =	vadd.f32 v47, v26;
	v34 =	vld.idx.msk [tilespmem:v44+s19+$0x0], $0xffff;
	v27 =	vmul.f32 v27, v16  }
0x272: {  	v46 =	vld [tilespmem:s17+$0xFFFFFE30];
	v25 =	vmul.f32 v25, v14  }
0x273: {  	v52 =	vor.u32 v2, v19;
	v26 =	vmul.f32 v26, v10;
	v30 =	vld.idx.msk [tilespmem:v30+s19+$0x0], $0xffff;
	[tilespmem:s17+$0x1A0] =	vst v27  }
0x274: {  	v24 =	vadd.f32 v31, v24;
	[tilespmem:s17+$0xFFFFFF90] =	vst v25;
	v31 =	vld.idx.msk [tilespmem:v50+s19+$0x0], $0xffff  }
0x275: {  	[tilespmem:s17+$0x10] =	vst v26;
	v26 =	vld.idx.msk [tilespmem:v28+s19+$0x0], $0xffff  }
0x276: {  	v54 =	vor.u32 v2, v15;
	v25 =	vmul.f32 v32, v9;
	v28 =	vld [tilespmem:s17+$0xFFFFFF20]  }
0x277: {  	v27 =	vor.u32 v2, v17;
	v57 =	vadd.f32 v51, v34;
	v51 =	vld [tilespmem:s17+$0xFFFFFFB0]  }
0x278: {  	[tilespmem:s17+$0x90] =	vst v25;
	v25 =	vld.idx.msk [tilespmem:v52+s19+$0x0], $0xffff  }
0x279: {  	v61 =	vor.u32 v3, v20;
	v24 =	vmul.f32 v24, v8;
	v30 =	vadd.f32 v53, v30;
	v52 =	vld [tilespmem:s17+$0x30]  }
0x27a: {  	v56 =	vor.u32 v4, v23;
	v53 =	vld [tilespmem:s17+$0xB0];
	v33 =	vmul.f32 v57, v11;
	v31 =	vadd.f32 v55, v31  }
0x27b: {  	[tilespmem:s17+$0x110] =	vst v24;
	v24 =	vld.idx.msk [tilespmem:v54+s19+$0x0], $0xffff;
	v30 =	vmul.f32 v30, v12  }
0x27c: {  	v27 =	vld.idx.msk [tilespmem:v27+s19+$0x0], $0xffff;
	[tilespmem:s17+$0xFFFFFE20] =	vst v33;
	v31 =	vmul.f32 v31, v16  }
0x27d: {  	v59 =	vor.u32 v3, v21;
	[tilespmem:s17+$0xFFFFFEA0] =	vst v30;
	v30 =	vld [tilespmem:s17+$0x1C0]  }
0x27e: {  	v44 =	vld.idx.msk [tilespmem:v61+s19+$0x0], $0xffff;
	[tilespmem:s17+$0x1B0] =	vst v31  }
0x27f: {  	v31 =	vld.idx.msk [tilespmem:v56+s19+$0x0], $0xffff  }
0x280: {  	v26 =	vadd.f32 v58, v26;
	v58 =	vld [tilespmem:s17+$0xFFFFFEC0]  }
0x281: {  	v28 =	vadd.f32 v28, v29;
	v29 =	vor.u32 v3, v22;
	v61 =	vld [tilespmem:s17+$0x40]  }
0x282: {  	v42 =	vld.idx.msk [tilespmem:v59+s19+$0x0], $0xffff;
	v26 =	vmul.f32 v26, v14  }
0x283: {  	v59 =	vld [tilespmem:s17+$0xFFFFFFC0];
	v28 =	vmul.f32 v28, v13  }
0x284: {  	[tilespmem:s17+$0xFFFFFFA0] =	vst v26;
	v26 =	vld [tilespmem:s17+$0xFFFFFEB0];
	v30 =	vadd.f32 v30, v31;
	v31 =	vor.u32 v5, v23  }
0x285: {  	[tilespmem:s17+$0xFFFFFF20] =	vst v28;
	v27 =	vadd.f32 v63, v27;
	v63 =	vld [tilespmem:s17+$0xC0]  }
0x286: {  	v43 =	vor.u32 v3, v18;
	v29 =	vld.idx.msk [tilespmem:v29+s19+$0x0], $0xffff;
	v30 =	vmul.f32 v30, v16  }
0x287: {  	v45 =	vor.u32 v3, v19;
	v25 =	vadd.f32 v60, v25;
	v56 =	vld [tilespmem:s17+$0xFFFFFE40]  }
0x288: {  	v24 =	vadd.f32 v62, v24;
	v28 =	vor.u32 v3, v15;
	v34 =	vadd.f32 v46, v44;
	v46 =	vld [tilespmem:s17+$0xFFFFFF50];
	[tilespmem:s17+$0x1C0] =	vst v30  }
0x289: {  	v47 =	vor.u32 v3, v17;
	v25 =	vmul.f32 v25, v10;
	v30 =	vld.idx.msk [tilespmem:v31+s19+$0x0], $0xffff  }
0x28a: {  	v24 =	vmul.f32 v24, v9;
	v31 =	vld [tilespmem:s17+$0x1D0]  }
0x28b: {  	[tilespmem:s17+$0x20] =	vst v25;
	v25 =	vmul.f32 v27, v8;
	v27 =	vld.idx.msk [tilespmem:v43+s19+$0x0], $0xffff;
	v26 =	vadd.f32 v26, v42  }
0x28c: {  	v50 =	vor.u32 v4, v20;
	[tilespmem:s17+$0xA0] =	vst v24;
	v24 =	vld.idx.msk [tilespmem:v45+s19+$0x0], $0xffff  }
0x28d: {  	[tilespmem:s17+$0x120] =	vst v25;
	v25 =	vld.idx.msk [tilespmem:v28+s19+$0x0], $0xffff;
	v26 =	vmul.f32 v26, v12  }
0x28e: {  	v48 =	vor.u32 v4, v21;
	v34 =	vmul.f32 v34, v11;
	v28 =	vld.idx.msk [tilespmem:v47+s19+$0x0], $0xffff  }
0x28f: {  	[tilespmem:s17+$0xFFFFFEB0] =	vst v26;
	v26 =	vld [tilespmem:s17+$0x130];
	v30 =	vadd.f32 v31, v30  }
0x290: {  	v45 =	vld [tilespmem:s17+$0xFFFFFE50];
	[tilespmem:s17+$0xFFFFFE30] =	vst v34;
	v29 =	vadd.f32 v49, v29;
	v27 =	vadd.f32 v51, v27;
	v31 =	vor.u32 v6, v23  }
0x291: {  	v57 =	vor.u32 v4, v19;
	v54 =	vor.u32 v4, v22;
	v34 =	vld.idx.msk [tilespmem:v50+s19+$0x0], $0xffff;
	v30 =	vmul.f32 v30, v16  }
0x292: {  	v49 =	vld [tilespmem:s17+$0x50];
	v29 =	vmul.f32 v29, v13;
	v24 =	vadd.f32 v52, v24;
	v27 =	vmul.f32 v27, v14  }
0x293: {  	v32 =	vld.idx.msk [tilespmem:v48+s19+$0x0], $0xffff;
	v25 =	vadd.f32 v53, v25;
	[tilespmem:s17+$0x1D0] =	vst v30;
	v30 =	vor.u32 v4, v15  }
0x294: {  	[tilespmem:s17+$0xFFFFFF30] =	vst v29;
	v24 =	vmul.f32 v24, v10;
	v29 =	vld [tilespmem:s17+$0x1E0];
	v26 =	vadd.f32 v26, v28  }
0x295: {  	[tilespmem:s17+$0xFFFFFFB0] =	vst v27;
	v25 =	vmul.f32 v25, v9;
	v31 =	vld.idx.msk [tilespmem:v31+s19+$0x0], $0xffff  }
0x296: {  	v55 =	vor.u32 v4, v18;
	v27 =	vld.idx.msk [tilespmem:v54+s19+$0x0], $0xffff;
	[tilespmem:s17+$0x30] =	vst v24;
	v24 =	vmul.f32 v26, v8  }
0x297: {  	v28 =	vor.u32 v4, v17;
	[tilespmem:s17+$0xB0] =	vst v25;
	v25 =	vld.idx.msk [tilespmem:v57+s19+$0x0], $0xffff  }
0x298: {  	[tilespmem:s17+$0x130] =	vst v24;
	v24 =	vld.idx.msk [tilespmem:v30+s19+$0x0], $0xffff  }
0x299: {  	v30 =	vld [tilespmem:s17+$0xFFFFFF40]  }
0x29a: {  	v51 =	vld [tilespmem:s17+$0xD0];
	v29 =	vadd.f32 v29, v31  }
0x29b: {  	v62 =	vor.u32 v5, v20;
	v26 =	vld.idx.msk [tilespmem:v55+s19+$0x0], $0xffff;
	v31 =	vadd.f32 v56, v34  }
0x29c: {  	v28 =	vld.idx.msk [tilespmem:v28+s19+$0x0], $0xffff;
	v25 =	vadd.f32 v61, v25;
	v29 =	vmul.f32 v29, v16  }
0x29d: {  	v60 =	vor.u32 v5, v21;
	v52 =	vld [tilespmem:s17+$0x150];
	v32 =	vadd.f32 v58, v32;
	v31 =	vmul.f32 v31, v11  }
0x29e: {  	v48 =	vld [tilespmem:s17+$0xFFFFFFD0];
	v25 =	vmul.f32 v25, v10;
	[tilespmem:s17+$0x1E0] =	vst v29;
	v27 =	vadd.f32 v30, v27  }
0x29f: {  	v53 =	vld [tilespmem:s17+$0xFFFFFE60];
	v29 =	vmul.f32 v32, v12;
	[tilespmem:s17+$0xFFFFFE40] =	vst v31;
	v30 =	vor.u32 v5, v22;
	v24 =	vadd.f32 v63, v24  }
0x2a0: {  	v26 =	vadd.f32 v59, v26;
	[tilespmem:s17+$0x40] =	vst v25;
	v43 =	vld.idx.msk [tilespmem:v62+s19+$0x0], $0xffff;
	v27 =	vmul.f32 v27, v13  }
0x2a1: {  	v57 =	vld [tilespmem:s17+$0xFFFFFF60];
	v25 =	vadd.f32 v40, v28;
	[tilespmem:s17+$0xFFFFFEC0] =	vst v29;
	v29 =	vor.u32 v5, v18;
	v24 =	vmul.f32 v24, v9  }
0x2a2: {  	v26 =	vmul.f32 v26, v14;
	v28 =	vor.u32 v5, v17;
	v41 =	vld.idx.msk [tilespmem:v60+s19+$0x0], $0xffff;
	[tilespmem:s17+$0xFFFFFF40] =	vst v27  }
0x2a3: {  	v44 =	vor.u32 v5, v15;
	[tilespmem:s17+$0xC0] =	vst v24;
	v24 =	vmul.f32 v25, v8;
	v25 =	vld [tilespmem:s17+$0xFFFFFED0]  }
0x2a4: {  	v42 =	vor.u32 v5, v19;
	[tilespmem:s17+$0xFFFFFFC0] =	vst v26;
	v27 =	vld.idx.msk [tilespmem:v30+s19+$0x0], $0xffff  }
0x2a5: {  	v59 =	vld [tilespmem:s17+$0x60];
	[tilespmem:s17+$0x140] =	vst v24;
	v24 =	vadd.f32 v45, v43  }
0x2a6: {  	v23 =	vor.u32 v7, v23;
	v26 =	vld.idx.msk [tilespmem:v29+s19+$0x0], $0xffff  }
0x2a7: {  	v47 =	vor.u32 v6, v20;
	v28 =	vld.idx.msk [tilespmem:v28+s19+$0x0], $0xffff;
	v24 =	vmul.f32 v24, v11  }
0x2a8: {  	v30 =	vld.idx.msk [tilespmem:v44+s19+$0x0], $0xffff;
	v25 =	vadd.f32 v25, v41  }
0x2a9: {  	v50 =	vor.u32 v6, v21;
	v29 =	vld.idx.msk [tilespmem:v42+s19+$0x0], $0xffff;
	[tilespmem:s17+$0xFFFFFE50] =	vst v24;
	v24 =	vadd.f32 v46, v27  }
0x2aa: {  	v31 =	vld [tilespmem:s17+$0x1F0];
	v25 =	vmul.f32 v25, v12  }
0x2ab: {  	v23 =	vld.idx.msk [tilespmem:v23+s19+$0x0], $0xffff;
	v27 =	vor.u32 v6, v22;
	v24 =	vmul.f32 v24, v13;
	v26 =	vadd.f32 v48, v26  }
0x2ac: {  	v54 =	vor.u32 v6, v18;
	v34 =	vld.idx.msk [tilespmem:v47+s19+$0x0], $0xffff;
	v28 =	vadd.f32 v52, v28;
	[tilespmem:s17+$0xFFFFFED0] =	vst v25  }
0x2ad: {  	v25 =	vld [tilespmem:s17+$0xFFFFFEE0];
	[tilespmem:s17+$0xFFFFFF50] =	vst v24;
	v24 =	vmul.f32 v26, v14;
	v26 =	vadd.f32 v51, v30;
	v30 =	vor.u32 v6, v17  }
0x2ae: {  	v29 =	vadd.f32 v49, v29;
	v33 =	vld.idx.msk [tilespmem:v50+s19+$0x0], $0xffff  }
0x2af: {  	v20 =	vor.u32 v7, v20;
	v55 =	vor.u32 v6, v19;
	v60 =	vld [tilespmem:s17+$0xE0];
	v28 =	vmul.f32 v28, v8  }
0x2b0: {  	v56 =	vor.u32 v6, v15;
	v29 =	vmul.f32 v29, v10;
	v27 =	vld.idx.msk [tilespmem:v27+s19+$0x0], $0xffff;
	[tilespmem:s17+$0xFFFFFFD0] =	vst v24  }
0x2b1: {  	v24 =	vmul.f32 v26, v9;
	[tilespmem:s17+$0x150] =	vst v28;
	v58 =	vadd.f32 v53, v34;
	v26 =	vld.idx.msk [tilespmem:v54+s19+$0x0], $0xffff  }
0x2b2: {  	v28 =	vld.idx.msk [tilespmem:v30+s19+$0x0], $0xffff  }
0x2b3: {  	v21 =	vor.u32 v7, v21;
	[tilespmem:s17+$0x50] =	vst v29;
	v32 =	vmul.f32 v58, v11;
	v25 =	vadd.f32 v25, v33;
	v30 =	vld [tilespmem:s17+$0xFFFFFFE0]  }
0x2b4: {  	v29 =	vld.idx.msk [tilespmem:v55+s19+$0x0], $0xffff;
	[tilespmem:s17+$0xD0] =	vst v24  }
0x2b5: {  	v24 =	vld.idx.msk [tilespmem:v56+s19+$0x0], $0xffff;
	v27 =	vadd.f32 v57, v27;
	[tilespmem:s17+$0xFFFFFE60] =	vst v32;
	v25 =	vmul.f32 v25, v12  }
0x2b6: {  	v22 =	vor.u32 v7, v22;
	v20 =	vld.idx.msk [tilespmem:v20+s19+$0x0], $0xffff  }
0x2b7: {  	v27 =	vmul.f32 v27, v13;
	[tilespmem:s17+$0xFFFFFEE0] =	vst v25;
	v25 =	vld [tilespmem:s17+$0x160]  }
0x2b8: {  	v18 =	vor.u32 v7, v18;
	v21 =	vld.idx.msk [tilespmem:v21+s19+$0x0], $0xffff;
	v26 =	vadd.f32 v30, v26  }
0x2b9: {  	v19 =	vor.u32 v7, v19;
	[tilespmem:s17+$0xFFFFFF60] =	vst v27;
	v27 =	vadd.f32 v59, v29;
	v29 =	vld [tilespmem:s17+$0xFFFFFE70]  }
0x2ba: {  	v15 =	vor.u32 v7, v15;
	v24 =	vadd.f32 v60, v24;
	v30 =	vld [tilespmem:s17+$0xFFFFFEF0];
	v26 =	vmul.f32 v26, v14  }
0x2bb: {  	v22 =	vld.idx.msk [tilespmem:v22+s19+$0x0], $0xffff;
	v27 =	vmul.f32 v27, v10  }
0x2bc: {  	v17 =	vor.u32 v7, v17;
	v24 =	vmul.f32 v24, v9;
	v25 =	vadd.f32 v25, v28;
	v28 =	vld [tilespmem:s17+$0xFFFFFF70];
	[tilespmem:s17+$0xFFFFFFE0] =	vst v26  }
0x2bd: {  	[tilespmem:s17+$0x60] =	vst v27;
	v18 =	vld.idx.msk [tilespmem:v18+s19+$0x0], $0xffff  }
0x2be: {  	[tilespmem:s17+$0xE0] =	vst v24;
	v27 =	vld.idx.msk [tilespmem:v19+s19+$0x0], $0xffff;
	v19 =	vadd.f32 v31, v23;
	v25 =	vmul.f32 v25, v8  }
0x2bf: {  	s23 =	simm.s32 $0x8;
	v61 =	vld.idx.msk [tilespmem:v15+s19+$0x0], $0xffff  }
0x2c0: {  	s22 =	simm.s32 $0x9;
	v23 =	vmov s23;
	v24 =	vmul.f32 v19, v16;
	[tilespmem:s17+$0x160] =	vst v25;
	v25 =	vld [tilespmem:s17+$0xFFFFFFF0]  }
0x2c1: {  	s23 =	simm.s32 $0xA;
	v15 =	vld.idx.msk [tilespmem:v17+s19+$0x0], $0xffff;
	v17 =	vadd.f32 v29, v20;
	v20 =	vadd.f32 v30, v21;
	v21 =	vmov s22  }
0x2c2: {  	v26 =	vmov s23;
	s23 =	simm.s32 $0xC;
	v16 =	vadd.f32 v28, v22;
	v29 =	vld [tilespmem:s17+$0x70]  }
0x2c3: {  	v62 =	vld [tilespmem:s17+$0xF0];
	v31 =	vor.u32 $0x100, v23;
	s22 =	simm.s32 $0xB;
	[tilespmem:s17+$0x1F0] =	vst v24;
	v24 =	vmov s23;
	v19 =	vor.u32 $0x100, v21  }
0x2c4: {  	s23 =	simm.s32 $0xE;
	v22 =	vmov s22;
	v17 =	vmul.f32 v17, v11;
	v63 =	vmul.f32 v16, v13;
	v16 =	vld [tilespmem:s17+$0x170]  }
0x2c5: {  	s22 =	simm.s32 $0xD;
	v28 =	vmov s23;
	v30 =	vmul.f32 v20, v12;
	v11 =	vld.idx.msk [tilespmem:v23+s28+$0x0], $0xffff;
	v20 =	vor.u32 $0x100, v26  }
0x2c6: {  	v23 =	vmov s22;
	[tilespmem:s17+$0xFFFFFE70] =	vst v17;
	v18 =	vadd.f32 v25, v18;
	v12 =	vld.idx.msk [tilespmem:v21+s28+$0x0], $0xffff;
	v21 =	vor.u32 $0x100, v22  }
0x2c7: {  	v13 =	vld.idx.msk [tilespmem:v26+s28+$0x0], $0xffff;
	v26 =	vor.u32 $0x100, v24;
	[tilespmem:s17+$0xFFFFFEF0] =	vst v30;
	v25 =	vor.u32 $0x100, v23;
	v17 =	vadd.f32 v29, v27  }
0x2c8: {  	s18 =	simm.s32 $0x10;
	s22 =	simm.s32 $0xF;
	[tilespmem:s17+$0xFFFFFF70] =	vst v63;
	v27 =	vld.idx.msk [tilespmem:v31+s26+$0x0], $0xffff;
	v29 =	vor.u32 $0x100, v28;
	v14 =	vmul.f32 v18, v14;
	v18 =	vadd.f32 v62, v61  }
.LBB2_12:
0x2c9: {  	p0 =	slt.u32 s18, $0x78;
	v30 =	vld.idx.msk [tilespmem:v19+s26+$0x0], $0xffff;
	v31 =	vmov s22;
	v10 =	vmul.f32 v17, v10;
	v15 =	vadd.f32 v16, v15  }
0x2ca: {  	v16 =	vld.idx.msk [tilespmem:v20+s26+$0x0], $0xffff;
	v17 =	vor.u32 $0x100, v31;
	[tilespmem:s17+$0xFFFFFFF0] =	vst v14;
	v9 =	vmul.f32 v18, v9  }
0x2cb: {  	v18 =	vld.idx.msk [tilespmem:v21+s26+$0x0], $0xffff;
	[tilespmem:s17+$0x70] =	vst v10;
	v8 =	vmul.f32 v15, v8  }
0x2cc: {  	v15 =	vld.idx.msk [tilespmem:v26+s26+$0x0], $0xffff;
	[tilespmem:s17+$0xF0] =	vst v9  }
0x2cd: {  	v25 =	vld.idx.msk [tilespmem:v25+s26+$0x0], $0xffff;
	[tilespmem:s17+$0x170] =	vst v8  }
0x2ce: {  	v19 =	vshll.u32 v27, $0x7;
	v26 =	vld.idx.msk [tilespmem:v29+s26+$0x0], $0xffff  }
0x2cf: {  	v27 =	vor.u32 v0, v19;
	v21 =	vshll.u32 v30, $0x7;
	v29 =	vld.idx.msk [tilespmem:v17+s26+$0x0], $0xffff  }
0x2d0: {  	v30 =	vor.u32 v0, v21;
	v20 =	vshll.u32 v16, $0x7;
	v14 =	vld.idx.msk [tilespmem:v22+s28+$0x0], $0xffff  }
0x2d1: {  	v22 =	vor.u32 v0, v20;
	v17 =	vshll.u32 v18, $0x7;
	v10 =	vld.idx.msk [tilespmem:v24+s28+$0x0], $0xffff  }
0x2d2: {  	v24 =	vor.u32 v0, v17;
	v18 =	vshll.u32 v15, $0x7;
	v9 =	vld.idx.msk [tilespmem:v23+s28+$0x0], $0xffff  }
0x2d3: {  	v32 =	vor.u32 v0, v18;
	v15 =	vshll.u32 v25, $0x7;
	v8 =	vld.idx.msk [tilespmem:v28+s28+$0x0], $0xffff  }
0x2d4: {  	v16 =	vshll.u32 v26, $0x7;
	v25 =	vld.idx.msk [tilespmem:v27+s19+$0x0], $0xffff;
	v27 =	vor.u32 v0, v15  }
0x2d5: {  	v28 =	vor.u32 v0, v16;
	v23 =	vshll.u32 v29, $0x7;
	v26 =	vld.idx.msk [tilespmem:v30+s19+$0x0], $0xffff  }
0x2d6: {  	v29 =	vld.idx.msk [tilespmem:v22+s19+$0x0], $0xffff;
	v22 =	vor.u32 v0, v23  }
0x2d7: {  	v24 =	vld.idx.msk [tilespmem:v24+s19+$0x0], $0xffff  }
0x2d8: {  	v30 =	vld.idx.msk [tilespmem:v32+s19+$0x0], $0xffff  }
0x2d9: {  	v27 =	vld.idx.msk [tilespmem:v27+s19+$0x0], $0xffff  }
0x2da: {  	v28 =	vld.idx.msk [tilespmem:v28+s19+$0x0], $0xffff  }
0x2db: {  	s17 =	sadd.s32 $0x400, s17;
	v32 =	vld.idx.msk [tilespmem:v22+s19+$0x0], $0xffff  }
0x2dc: {  	v33 =	vld [tilespmem:s17+$0x180]  }
0x2dd: {  	v22 =	vld.idx.msk [tilespmem:v31+s28+$0x0], $0xffff  }
0x2de: {  	v31 =	vld [tilespmem:s17+$0xFFFFFE00]  }
0x2df: {  	v34 =	vld [tilespmem:s17+$0xFFFFFE80]  }
0x2e0: {  	v35 =	vld [tilespmem:s17+$0xFFFFFF00]  }
0x2e1: {  	v36 =	vld [tilespmem:s17+$0xFFFFFF80];
	v32 =	vadd.f32 v33, v32;
	v33 =	vor.u32 v1, v23  }
0x2e2: {  	v37 =	vor.u32 v1, v19;
	v38 =	vld [tilespmem:s17+$0x0]  }
0x2e3: {  	v25 =	vadd.f32 v31, v25;
	v31 =	vor.u32 v1, v21;
	v39 =	vld [tilespmem:s17+$0x80];
	v32 =	vmul.f32 v32, v22  }
0x2e4: {  	v40 =	vor.u32 v1, v17;
	v26 =	vadd.f32 v34, v26;
	v34 =	vor.u32 v1, v20;
	v41 =	vld [tilespmem:s17+$0x100]  }
0x2e5: {  	v25 =	vmul.f32 v25, v11;
	v42 =	vld [tilespmem:s17+$0xFFFFFE10];
	v29 =	vadd.f32 v35, v29;
	v35 =	vor.u32 v1, v18;
	[tilespmem:s17+$0x180] =	vst v32  }
0x2e6: {  	v32 =	vor.u32 v1, v15;
	v26 =	vmul.f32 v26, v12;
	v24 =	vadd.f32 v36, v24;
	v33 =	vld.idx.msk [tilespmem:v33+s19+$0x0], $0xffff  }
0x2e7: {  	[tilespmem:s17+$0xFFFFFE00] =	vst v25;
	v25 =	vmul.f32 v29, v13;
	v29 =	vadd.f32 v38, v30;
	v30 =	vor.u32 v1, v16;
	v36 =	vld [tilespmem:s17+$0x190]  }
0x2e8: {  	v37 =	vld.idx.msk [tilespmem:v37+s19+$0x0], $0xffff;
	[tilespmem:s17+$0xFFFFFE80] =	vst v26;
	v24 =	vmul.f32 v24, v14;
	v26 =	vadd.f32 v39, v27  }
0x2e9: {  	v27 =	vld.idx.msk [tilespmem:v31+s19+$0x0], $0xffff;
	[tilespmem:s17+$0xFFFFFF00] =	vst v25;
	v25 =	vmul.f32 v29, v10;
	v28 =	vadd.f32 v41, v28  }
0x2ea: {  	v29 =	vld.idx.msk [tilespmem:v34+s19+$0x0], $0xffff;
	[tilespmem:s17+$0xFFFFFF80] =	vst v24;
	v24 =	vmul.f32 v26, v9  }
0x2eb: {  	v26 =	vld.idx.msk [tilespmem:v40+s19+$0x0], $0xffff;
	[tilespmem:s17+$0x0] =	vst v25;
	v25 =	vmul.f32 v28, v8  }
0x2ec: {  	v31 =	vor.u32 v2, v23;
	v28 =	vld.idx.msk [tilespmem:v35+s19+$0x0], $0xffff;
	[tilespmem:s17+$0x80] =	vst v24;
	v24 =	vadd.f32 v36, v33  }
0x2ed: {  	v32 =	vld.idx.msk [tilespmem:v32+s19+$0x0], $0xffff;
	[tilespmem:s17+$0x100] =	vst v25  }
0x2ee: {  	v25 =	vadd.f32 v42, v37;
	v30 =	vld.idx.msk [tilespmem:v30+s19+$0x0], $0xffff;
	v24 =	vmul.f32 v24, v22  }
0x2ef: {  	v33 =	vld [tilespmem:s17+$0xFFFFFE90]  }
0x2f0: {  	v25 =	vmul.f32 v25, v11;
	v34 =	vld [tilespmem:s17+$0xFFFFFF10];
	[tilespmem:s17+$0x190] =	vst v24  }
0x2f1: {  	v24 =	vld.idx.msk [tilespmem:v31+s19+$0x0], $0xffff  }
0x2f2: {  	[tilespmem:s17+$0xFFFFFE10] =	vst v25;
	v25 =	vor.u32 v2, v19;
	v31 =	vld [tilespmem:s17+$0x1A0]  }
0x2f3: {  	v35 =	vld [tilespmem:s17+$0xFFFFFF90]  }
0x2f4: {  	v27 =	vadd.f32 v33, v27;
	v33 =	vor.u32 v2, v21;
	v36 =	vld [tilespmem:s17+$0x10]  }
0x2f5: {  	v29 =	vadd.f32 v34, v29;
	v34 =	vor.u32 v2, v20;
	v37 =	vld [tilespmem:s17+$0x90]  }
0x2f6: {  	v27 =	vmul.f32 v27, v12;
	v38 =	vld [tilespmem:s17+$0x110]  }
0x2f7: {  	v25 =	vld.idx.msk [tilespmem:v25+s19+$0x0], $0xffff;
	v29 =	vmul.f32 v29, v13;
	v24 =	vadd.f32 v31, v24;
	v31 =	vor.u32 v3, v23  }
0x2f8: {  	v39 =	vld [tilespmem:s17+$0xFFFFFE20];
	[tilespmem:s17+$0xFFFFFE90] =	vst v27;
	v26 =	vadd.f32 v35, v26;
	v27 =	vor.u32 v2, v17  }
0x2f9: {  	v33 =	vld.idx.msk [tilespmem:v33+s19+$0x0], $0xffff;
	[tilespmem:s17+$0xFFFFFF10] =	vst v29;
	v28 =	vadd.f32 v36, v28;
	v24 =	vmul.f32 v24, v22  }
0x2fa: {  	v29 =	vld.idx.msk [tilespmem:v34+s19+$0x0], $0xffff;
	v26 =	vmul.f32 v26, v14;
	v34 =	vor.u32 v2, v18;
	v32 =	vadd.f32 v37, v32  }
0x2fb: {  	v36 =	vor.u32 v2, v15;
	v35 =	vld [tilespmem:s17+$0xFFFFFEA0];
	v28 =	vmul.f32 v28, v10;
	v30 =	vadd.f32 v38, v30;
	[tilespmem:s17+$0x1A0] =	vst v24  }
0x2fc: {  	[tilespmem:s17+$0xFFFFFF90] =	vst v26;
	v24 =	vmul.f32 v32, v9;
	v26 =	vor.u32 v2, v16;
	v31 =	vld.idx.msk [tilespmem:v31+s19+$0x0], $0xffff  }
0x2fd: {  	v25 =	vadd.f32 v39, v25;
	[tilespmem:s17+$0x10] =	vst v28;
	v28 =	vmul.f32 v30, v8;
	v30 =	vld [tilespmem:s17+$0x1B0]  }
0x2fe: {  	v27 =	vld.idx.msk [tilespmem:v27+s19+$0x0], $0xffff;
	[tilespmem:s17+$0x90] =	vst v24  }
0x2ff: {  	v24 =	vmul.f32 v25, v11;
	v25 =	vld.idx.msk [tilespmem:v34+s19+$0x0], $0xffff;
	[tilespmem:s17+$0x110] =	vst v28  }
0x300: {  	v28 =	vadd.f32 v35, v33;
	v32 =	vld.idx.msk [tilespmem:v36+s19+$0x0], $0xffff  }
0x301: {  	[tilespmem:s17+$0xFFFFFE20] =	vst v24;
	v24 =	vld.idx.msk [tilespmem:v26+s19+$0x0], $0xffff  }
0x302: {  	v26 =	vmul.f32 v28, v12;
	v28 =	vld [tilespmem:s17+$0xFFFFFF20];
	v30 =	vadd.f32 v30, v31;
	v31 =	vor.u32 v4, v23  }
0x303: {  	v33 =	vld [tilespmem:s17+$0xFFFFFFA0]  }
0x304: {  	[tilespmem:s17+$0xFFFFFEA0] =	vst v26;
	v26 =	vor.u32 v3, v21;
	v34 =	vld [tilespmem:s17+$0x20];
	v30 =	vmul.f32 v30, v22  }
0x305: {  	v35 =	vor.u32 v3, v19;
	v36 =	vld [tilespmem:s17+$0xA0]  }
0x306: {  	v37 =	vld [tilespmem:s17+$0x120];
	[tilespmem:s17+$0x1B0] =	vst v30  }
0x307: {  	v28 =	vadd.f32 v28, v29;
	v29 =	vor.u32 v3, v20;
	v30 =	vld.idx.msk [tilespmem:v31+s19+$0x0], $0xffff  }
0x308: {  	v27 =	vadd.f32 v33, v27;
	v31 =	vld [tilespmem:s17+$0x1C0]  }
0x309: {  	v33 =	vor.u32 v3, v17;
	v26 =	vld.idx.msk [tilespmem:v26+s19+$0x0], $0xffff;
	v28 =	vmul.f32 v28, v13;
	v25 =	vadd.f32 v34, v25  }
0x30a: {  	v34 =	vld.idx.msk [tilespmem:v35+s19+$0x0], $0xffff;
	v27 =	vmul.f32 v27, v14;
	v35 =	vor.u32 v3, v18;
	v32 =	vadd.f32 v36, v32  }
0x30b: {  	v36 =	vld [tilespmem:s17+$0xFFFFFE30];
	[tilespmem:s17+$0xFFFFFF20] =	vst v28;
	v25 =	vmul.f32 v25, v10;
	v28 =	vor.u32 v3, v15;
	v24 =	vadd.f32 v37, v24  }
0x30c: {  	v29 =	vld.idx.msk [tilespmem:v29+s19+$0x0], $0xffff;
	[tilespmem:s17+$0xFFFFFFA0] =	vst v27;
	v27 =	vmul.f32 v32, v9;
	v32 =	vor.u32 v3, v16  }
0x30d: {  	v37 =	vld [tilespmem:s17+$0xFFFFFEB0];
	[tilespmem:s17+$0x20] =	vst v25;
	v24 =	vmul.f32 v24, v8;
	v25 =	vadd.f32 v31, v30;
	v30 =	vor.u32 v5, v23  }
0x30e: {  	v31 =	vld.idx.msk [tilespmem:v33+s19+$0x0], $0xffff;
	[tilespmem:s17+$0xA0] =	vst v27  }
0x30f: {  	v27 =	vld.idx.msk [tilespmem:v35+s19+$0x0], $0xffff;
	[tilespmem:s17+$0x120] =	vst v24;
	v24 =	vmul.f32 v25, v22  }
0x310: {  	v25 =	vadd.f32 v36, v34;
	v28 =	vld.idx.msk [tilespmem:v28+s19+$0x0], $0xffff  }
0x311: {  	v32 =	vld.idx.msk [tilespmem:v32+s19+$0x0], $0xffff;
	[tilespmem:s17+$0x1C0] =	vst v24  }
0x312: {  	v24 =	vmul.f32 v25, v11;
	v25 =	vadd.f32 v37, v26;
	v26 =	vld.idx.msk [tilespmem:v30+s19+$0x0], $0xffff  }
0x313: {  	v30 =	vld [tilespmem:s17+$0x1D0]  }
0x314: {  	[tilespmem:s17+$0xFFFFFE30] =	vst v24;
	v24 =	vmul.f32 v25, v12;
	v25 =	vor.u32 v4, v21;
	v33 =	vld [tilespmem:s17+$0xFFFFFF30]  }
0x315: {  	v34 =	vor.u32 v4, v19;
	v35 =	vld [tilespmem:s17+$0xFFFFFFB0]  }
0x316: {  	[tilespmem:s17+$0xFFFFFEB0] =	vst v24;
	v24 =	vld [tilespmem:s17+$0x30]  }
0x317: {  	v36 =	vld [tilespmem:s17+$0xB0]  }
0x318: {  	v37 =	vld [tilespmem:s17+$0x130];
	v26 =	vadd.f32 v30, v26;
	v30 =	vor.u32 v6, v23  }
0x319: {  	v25 =	vld.idx.msk [tilespmem:v25+s19+$0x0], $0xffff;
	v29 =	vadd.f32 v33, v29;
	v33 =	vor.u32 v4, v20  }
0x31a: {  	v34 =	vld.idx.msk [tilespmem:v34+s19+$0x0], $0xffff;
	v31 =	vadd.f32 v35, v31;
	v35 =	vor.u32 v4, v17;
	v26 =	vmul.f32 v26, v22  }
0x31b: {  	v38 =	vld [tilespmem:s17+$0xFFFFFE40];
	v29 =	vmul.f32 v29, v13;
	v24 =	vadd.f32 v24, v27;
	v27 =	vor.u32 v4, v18  }
0x31c: {  	v39 =	vld [tilespmem:s17+$0xFFFFFEC0];
	v31 =	vmul.f32 v31, v14;
	v28 =	vadd.f32 v36, v28;
	v36 =	vor.u32 v4, v15;
	[tilespmem:s17+$0x1D0] =	vst v26  }
0x31d: {  	[tilespmem:s17+$0xFFFFFF30] =	vst v29;
	v24 =	vmul.f32 v24, v10;
	v26 =	vadd.f32 v37, v32;
	v29 =	vld.idx.msk [tilespmem:v30+s19+$0x0], $0xffff  }
0x31e: {  	v30 =	vor.u32 v4, v16;
	[tilespmem:s17+$0xFFFFFFB0] =	vst v31;
	v28 =	vmul.f32 v28, v9;
	v31 =	vld [tilespmem:s17+$0x1E0]  }
0x31f: {  	v32 =	vld.idx.msk [tilespmem:v33+s19+$0x0], $0xffff;
	[tilespmem:s17+$0x30] =	vst v24;
	v24 =	vmul.f32 v26, v8  }
0x320: {  	v26 =	vadd.f32 v38, v34;
	v33 =	vld.idx.msk [tilespmem:v35+s19+$0x0], $0xffff;
	[tilespmem:s17+$0xB0] =	vst v28  }
0x321: {  	v25 =	vadd.f32 v39, v25;
	v27 =	vld.idx.msk [tilespmem:v27+s19+$0x0], $0xffff;
	[tilespmem:s17+$0x130] =	vst v24  }
0x322: {  	v24 =	vmul.f32 v26, v11;
	v26 =	vld.idx.msk [tilespmem:v36+s19+$0x0], $0xffff  }
0x323: {  	v23 =	vor.u32 v7, v23;
	v25 =	vmul.f32 v25, v12;
	v28 =	vld.idx.msk [tilespmem:v30+s19+$0x0], $0xffff;
	v29 =	vadd.f32 v31, v29  }
0x324: {  	[tilespmem:s17+$0xFFFFFE40] =	vst v24;
	v24 =	vld [tilespmem:s17+$0xFFFFFF40]  }
0x325: {  	[tilespmem:s17+$0xFFFFFEC0] =	vst v25;
	v25 =	vld [tilespmem:s17+$0xFFFFFFC0];
	v29 =	vmul.f32 v29, v22  }
0x326: {  	v30 =	vor.u32 v5, v21;
	v31 =	vld [tilespmem:s17+$0x40]  }
0x327: {  	v34 =	vor.u32 v5, v19;
	v35 =	vld [tilespmem:s17+$0xC0];
	[tilespmem:s17+$0x1E0] =	vst v29  }
0x328: {  	v23 =	vld.idx.msk [tilespmem:v23+s19+$0x0], $0xffff  }
0x329: {  	v29 =	vor.u32 v5, v20;
	v24 =	vadd.f32 v24, v32;
	v32 =	vld [tilespmem:s17+$0x1F0]  }
0x32a: {  	v25 =	vadd.f32 v25, v33;
	v33 =	vor.u32 v5, v17;
	v36 =	vld [tilespmem:s17+$0x140]  }
0x32b: {  	v30 =	vld.idx.msk [tilespmem:v30+s19+$0x0], $0xffff;
	v24 =	vmul.f32 v24, v13;
	v27 =	vadd.f32 v31, v27;
	v31 =	vor.u32 v5, v18  }
0x32c: {  	v34 =	vld.idx.msk [tilespmem:v34+s19+$0x0], $0xffff;
	v25 =	vmul.f32 v25, v14;
	v26 =	vadd.f32 v35, v26;
	v35 =	vor.u32 v5, v15  }
0x32d: {  	v37 =	vld [tilespmem:s17+$0xFFFFFE50];
	[tilespmem:s17+$0xFFFFFF40] =	vst v24;
	v24 =	vmul.f32 v27, v10  }
0x32e: {  	v27 =	vld.idx.msk [tilespmem:v29+s19+$0x0], $0xffff;
	[tilespmem:s17+$0xFFFFFFC0] =	vst v25;
	v25 =	vmul.f32 v26, v9;
	v23 =	vadd.f32 v32, v23  }
0x32f: {  	v26 =	vld.idx.msk [tilespmem:v33+s19+$0x0], $0xffff;
	[tilespmem:s17+$0x40] =	vst v24;
	v24 =	vadd.f32 v36, v28;
	v28 =	vor.u32 v5, v16  }
0x330: {  	v29 =	vld.idx.msk [tilespmem:v31+s19+$0x0], $0xffff;
	[tilespmem:s17+$0xC0] =	vst v25;
	v22 =	vmul.f32 v23, v22  }
0x331: {  	v23 =	vld.idx.msk [tilespmem:v35+s19+$0x0], $0xffff;
	v24 =	vmul.f32 v24, v8  }
0x332: {  	v25 =	vadd.f32 v37, v34;
	v31 =	vld [tilespmem:s17+$0xFFFFFED0];
	[tilespmem:s17+$0x1F0] =	vst v22  }
0x333: {  	v22 =	vld [tilespmem:s17+$0xFFFFFF50];
	[tilespmem:s17+$0x140] =	vst v24  }
0x334: {  	v24 =	vmul.f32 v25, v11;
	v25 =	vor.u32 v6, v19;
	v28 =	vld.idx.msk [tilespmem:v28+s19+$0x0], $0xffff  }
0x335: {  	v32 =	vld [tilespmem:s17+$0xFFFFFFD0]  }
0x336: {  	[tilespmem:s17+$0xFFFFFE50] =	vst v24;
	v24 =	vld [tilespmem:s17+$0x50]  }
0x337: {  	v30 =	vadd.f32 v31, v30;
	v31 =	vor.u32 v6, v21;
	v33 =	vld [tilespmem:s17+$0xD0]  }
0x338: {  	v22 =	vadd.f32 v22, v27;
	v27 =	vor.u32 v6, v20;
	v34 =	vld [tilespmem:s17+$0x150]  }
0x339: {  	v25 =	vld.idx.msk [tilespmem:v25+s19+$0x0], $0xffff;
	v30 =	vmul.f32 v30, v12  }
0x33a: {  	v35 =	vld [tilespmem:s17+$0xFFFFFE60];
	v22 =	vmul.f32 v22, v13;
	v26 =	vadd.f32 v32, v26;
	v32 =	vor.u32 v6, v17  }
0x33b: {  	v36 =	vor.u32 v6, v15;
	[tilespmem:s17+$0xFFFFFED0] =	vst v30;
	v30 =	vld [tilespmem:s17+$0xFFFFFEE0];
	v24 =	vadd.f32 v24, v29;
	v29 =	vor.u32 v6, v18  }
0x33c: {  	v31 =	vld.idx.msk [tilespmem:v31+s19+$0x0], $0xffff;
	[tilespmem:s17+$0xFFFFFF50] =	vst v22;
	v22 =	vmul.f32 v26, v14;
	v23 =	vadd.f32 v33, v23  }
0x33d: {  	v26 =	vld.idx.msk [tilespmem:v27+s19+$0x0], $0xffff;
	v24 =	vmul.f32 v24, v10;
	v27 =	vadd.f32 v34, v28;
	v28 =	vor.u32 v6, v16  }
0x33e: {  	v33 =	vld [tilespmem:s17+$0xFFFFFF60];
	[tilespmem:s17+$0xFFFFFFD0] =	vst v22;
	v22 =	vmul.f32 v23, v9  }
0x33f: {  	v23 =	vadd.f32 v35, v25;
	v25 =	vld.idx.msk [tilespmem:v32+s19+$0x0], $0xffff;
	[tilespmem:s17+$0x50] =	vst v24;
	v24 =	vmul.f32 v27, v8  }
0x340: {  	v27 =	vld.idx.msk [tilespmem:v29+s19+$0x0], $0xffff;
	[tilespmem:s17+$0xD0] =	vst v22  }
0x341: {  	v22 =	vmul.f32 v23, v11;
	v23 =	vld.idx.msk [tilespmem:v36+s19+$0x0], $0xffff;
	[tilespmem:s17+$0x150] =	vst v24  }
0x342: {  	v21 =	vor.u32 v7, v21;
	v24 =	vadd.f32 v30, v31;
	v28 =	vld.idx.msk [tilespmem:v28+s19+$0x0], $0xffff  }
0x343: {  	v20 =	vor.u32 v7, v20;
	[tilespmem:s17+$0xFFFFFE60] =	vst v22;
	v22 =	vadd.f32 v33, v26;
	v26 =	vld [tilespmem:s17+$0xFFFFFFE0]  }
0x344: {  	v19 =	vor.u32 v7, v19;
	v24 =	vmul.f32 v24, v12;
	v29 =	vld [tilespmem:s17+$0x60]  }
0x345: {  	v22 =	vmul.f32 v22, v13;
	v30 =	vld [tilespmem:s17+$0xE0]  }
0x346: {  	[tilespmem:s17+$0xFFFFFEE0] =	vst v24;
	v24 =	vld [tilespmem:s17+$0x160]  }
0x347: {  	v21 =	vld.idx.msk [tilespmem:v21+s19+$0x0], $0xffff;
	[tilespmem:s17+$0xFFFFFF60] =	vst v22  }
0x348: {  	v17 =	vor.u32 v7, v17;
	v20 =	vld.idx.msk [tilespmem:v20+s19+$0x0], $0xffff;
	v22 =	vadd.f32 v26, v25  }
0x349: {  	v18 =	vor.u32 v7, v18;
	v19 =	vld.idx.msk [tilespmem:v19+s19+$0x0], $0xffff;
	v25 =	vadd.f32 v29, v27  }
0x34a: {  	v15 =	vor.u32 v7, v15;
	v26 =	vld [tilespmem:s17+$0xFFFFFE70];
	v22 =	vmul.f32 v22, v14;
	v23 =	vadd.f32 v30, v23  }
0x34b: {  	v16 =	vor.u32 v7, v16;
	v27 =	vld [tilespmem:s17+$0xFFFFFEF0];
	v25 =	vmul.f32 v25, v10;
	v24 =	vadd.f32 v24, v28  }
0x34c: {  	v28 =	vld [tilespmem:s17+$0xFFFFFF70];
	[tilespmem:s17+$0xFFFFFFE0] =	vst v22;
	v22 =	vmul.f32 v23, v9  }
0x34d: {  	v17 =	vld.idx.msk [tilespmem:v17+s19+$0x0], $0xffff;
	[tilespmem:s17+$0x60] =	vst v25;
	v23 =	vmul.f32 v24, v8  }
0x34e: {  	v18 =	vld.idx.msk [tilespmem:v18+s19+$0x0], $0xffff;
	[tilespmem:s17+$0xE0] =	vst v22  }
0x34f: {  	v19 =	vadd.f32 v26, v19;
	v30 =	vld.idx.msk [tilespmem:v15+s19+$0x0], $0xffff;
	[tilespmem:s17+$0x160] =	vst v23  }
0x350: {  	s22 =	sadd.s32 $0x1, s18;
	v23 =	vmov s18;
	v21 =	vadd.f32 v27, v21;
	v15 =	vld.idx.msk [tilespmem:v16+s19+$0x0], $0xffff  }
0x351: {  	v25 =	vmov s22;
	s22 =	sadd.s32 $0x2, s18;
	v11 =	vmul.f32 v19, v11;
	v16 =	vadd.f32 v28, v20;
	v26 =	vld [tilespmem:s17+$0xFFFFFFF0]  }
0x352: {  	v27 =	vmov s22;
	v12 =	vmul.f32 v21, v12;
	v29 =	vld [tilespmem:s17+$0x70]  }
0x353: {  	v31 =	vor.u32 $0x100, v23;
	s22 =	sadd.s32 $0x3, s18;
	[tilespmem:s17+$0xFFFFFE70] =	vst v11;
	v13 =	vmul.f32 v16, v13;
	v32 =	vld [tilespmem:s17+$0xF0]  }
.Ltmp11:
0x354: {  	s23 =	sadd.s32 $0x5, s18;
	v19 =	vor.u32 $0x100, v25;
	v22 =	vmov s22;
	s22 =	sadd.s32 $0x4, s18;
	[tilespmem:s17+$0xFFFFFEF0] =	vst v12;
	v16 =	vld [tilespmem:s17+$0x170];
	(pc) =	sbr.rel @p0 .LBB2_12-.Ltmp11, $4  }
0x355: {  	v20 =	vor.u32 $0x100, v27;
	v24 =	vmov s22;
	s22 =	sadd.s32 $0x6, s18;
	v11 =	vld.idx.msk [tilespmem:v23+s28+$0x0], $0xffff;
	v23 =	vmov s23;
	[tilespmem:s17+$0xFFFFFF70] =	vst v13  }
0x356: {  	v21 =	vor.u32 $0x100, v22;
	v28 =	vmov s22;
	v12 =	vld.idx.msk [tilespmem:v25+s28+$0x0], $0xffff;
	v33 =	vadd.f32 v26, v17  }
0x357: {  	v26 =	vor.u32 $0x100, v24;
	v25 =	vor.u32 $0x100, v23;
	v13 =	vld.idx.msk [tilespmem:v27+s28+$0x0], $0xffff;
	v17 =	vadd.f32 v29, v18  }
0x358: {  	s22 =	sadd.s32 $0x7, s18;
	s18 =	sadd.s32 $0x8, s18;
	v29 =	vor.u32 $0x100, v28;
	v27 =	vld.idx.msk [tilespmem:v31+s26+$0x0], $0xffff;
	v14 =	vmul.f32 v33, v14;
	v18 =	vadd.f32 v32, v30  }
0x359: {  	_ =	sdelay $0x3  }
0x35a: {  	v19 =	vld.idx.msk [tilespmem:v19+s26+$0x0], $0xffff  }
0x35b: {  	v20 =	vld.idx.msk [tilespmem:v20+s26+$0x0], $0xffff  }
0x35c: {  	v21 =	vld.idx.msk [tilespmem:v21+s26+$0x0], $0xffff  }
0x35d: {  	v26 =	vld.idx.msk [tilespmem:v26+s26+$0x0], $0xffff  }
0x35e: {  	v31 =	vld.idx.msk [tilespmem:v25+s26+$0x0], $0xffff  }
0x35f: {  	v33 =	vld.idx.msk [tilespmem:v29+s26+$0x0], $0xffff;
	s18 =	sadd.s32 $0x400, s17  }
0x360: {  	v41 =	vld [tilespmem:s18+$0x180]  }
0x361: {  	v63 =	vld [tilespmem:s18+$0xFFFFFE00]  }
0x362: {  	v42 =	vld [tilespmem:s18+$0xFFFFFE80]  }
0x363: {  	v43 =	vld [tilespmem:s18+$0xFFFFFF00]  }
0x364: {  	v44 =	vld [tilespmem:s18+$0xFFFFFF80]  }
0x365: {  	v45 =	vld [tilespmem:s18+$0x0]  }
0x366: {  	v49 =	vld [tilespmem:s18+$0x80]  }
0x367: {  	v32 =	vmov s22;
	v51 =	vld [tilespmem:s18+$0x100]  }
0x368: {  	v30 =	vor.u32 $0x100, v32;
	v53 =	vld [tilespmem:s18+$0xFFFFFE10]  }
0x369: {  	v56 =	vld [tilespmem:s18+$0x190]  }
0x36a: {  	v27 =	vshll.u32 v27, $0x7;
	v29 =	vshll.u32 v19, $0x7;
	v19 =	vld.idx.msk [tilespmem:v22+s28+$0x0], $0xffff  }
0x36b: {  	v34 =	vor.u32 v0, v27;
	v25 =	vshll.u32 v21, $0x7;
	v21 =	vld.idx.msk [tilespmem:v23+s28+$0x0], $0xffff  }
0x36c: {  	v22 =	vld.idx.msk [tilespmem:v28+s28+$0x0], $0xffff;
	v36 =	vor.u32 v0, v29  }
0x36d: {  	v26 =	vshll.u32 v26, $0x7;
	v35 =	vld.idx.msk [tilespmem:v30+s26+$0x0], $0xffff;
	v38 =	vor.u32 v0, v25  }
0x36e: {  	v23 =	vld.idx.msk [tilespmem:v32+s28+$0x0], $0xffff;
	v28 =	vshll.u32 v33, $0x7;
	v59 =	vor.u32 v0, v26  }
0x36f: {  	v30 =	vshll.u32 v20, $0x7;
	v20 =	vld.idx.msk [tilespmem:v24+s28+$0x0], $0xffff;
	v24 =	vshll.u32 v31, $0x7;
	v33 =	vor.u32 v0, v28  }
0x370: {  	v60 =	vor.u32 v0, v24;
	v34 =	vld.idx.msk [tilespmem:v34+s19+$0x0], $0xffff  }
0x371: {  	v37 =	vor.u32 v0, v30;
	v61 =	vld.idx.msk [tilespmem:v36+s19+$0x0], $0xffff  }
0x372: {  	v31 =	vshll.u32 v35, $0x7;
	v38 =	vld.idx.msk [tilespmem:v38+s19+$0x0], $0xffff  }
0x373: {  	v39 =	vld.idx.msk [tilespmem:v59+s19+$0x0], $0xffff;
	v62 =	vor.u32 v0, v31  }
0x374: {  	v33 =	vld.idx.msk [tilespmem:v33+s19+$0x0], $0xffff  }
0x375: {  	v40 =	vld.idx.msk [tilespmem:v60+s19+$0x0], $0xffff  }
0x376: {  	v46 =	vor.u32 v1, v27;
	v37 =	vld.idx.msk [tilespmem:v37+s19+$0x0], $0xffff;
	v32 =	vadd.f32 v63, v34  }
0x377: {  	v35 =	vadd.f32 v42, v61;
	v61 =	vld [tilespmem:s18+$0xFFFFFE90]  }
0x378: {  	v50 =	vor.u32 v1, v29;
	v36 =	vld.idx.msk [tilespmem:v62+s19+$0x0], $0xffff;
	v32 =	vmul.f32 v32, v11  }
0x379: {  	v54 =	vor.u32 v1, v25;
	v55 =	vor.u32 v1, v26;
	v38 =	vadd.f32 v44, v38;
	v62 =	vld [tilespmem:s18+$0xFFFFFF10]  }
0x37a: {  	v39 =	vadd.f32 v45, v39;
	v34 =	vadd.f32 v49, v40;
	v49 =	vld [tilespmem:s18+$0x1A0];
	v35 =	vmul.f32 v35, v12;
	[tilespmem:s18+$0xFFFFFE00] =	vst v32  }
0x37b: {  	v58 =	vor.u32 v1, v28;
	v33 =	vadd.f32 v51, v33;
	v38 =	vmul.f32 v38, v19;
	v46 =	vld.idx.msk [tilespmem:v46+s19+$0x0], $0xffff  }
0x37c: {  	v37 =	vadd.f32 v43, v37;
	v39 =	vmul.f32 v39, v20;
	[tilespmem:s18+$0xFFFFFE80] =	vst v35;
	v43 =	vld [tilespmem:s18+$0xFFFFFE70]  }
0x37d: {  	v33 =	vmul.f32 v33, v22;
	[tilespmem:s18+$0xFFFFFF80] =	vst v38;
	v42 =	vld.idx.msk [tilespmem:v50+s19+$0x0], $0xffff  }
0x37e: {  	[tilespmem:s18+$0x0] =	vst v39;
	v32 =	vld.idx.msk [tilespmem:v54+s19+$0x0], $0xffff  }
0x37f: {  	v57 =	vor.u32 v1, v24;
	[tilespmem:s18+$0x100] =	vst v33;
	v38 =	vld.idx.msk [tilespmem:v55+s19+$0x0], $0xffff  }
0x380: {  	v52 =	vor.u32 v1, v30;
	v33 =	vld.idx.msk [tilespmem:v58+s19+$0x0], $0xffff  }
0x381: {  	v48 =	vor.u32 v1, v31;
	v34 =	vmul.f32 v34, v21;
	v50 =	vld [tilespmem:s18+$0xFFFFFF90];
	v36 =	vadd.f32 v41, v36  }
0x382: {  	v37 =	vmul.f32 v37, v13;
	v54 =	vld [tilespmem:s18+$0x90]  }
0x383: {  	[tilespmem:s18+$0x80] =	vst v34;
	v58 =	vld [tilespmem:s18+$0xFFFFFE20];
	v36 =	vmul.f32 v36, v23  }
0x384: {  	v51 =	vor.u32 v2, v29;
	[tilespmem:s18+$0xFFFFFF00] =	vst v37;
	v39 =	vld.idx.msk [tilespmem:v57+s19+$0x0], $0xffff;
	v37 =	vadd.f32 v61, v42  }
0x385: {  	[tilespmem:s18+$0x180] =	vst v36;
	v36 =	vld.idx.msk [tilespmem:v52+s19+$0x0], $0xffff  }
0x386: {  	v41 =	vld.idx.msk [tilespmem:v48+s19+$0x0], $0xffff;
	v55 =	vmul.f32 v37, v12  }
0x387: {  	v44 =	vld [tilespmem:s18+$0xFFFFFEF0];
	v63 =	vadd.f32 v53, v46  }
0x388: {  	v45 =	vld [tilespmem:s18+$0xFFFFFF70];
	v48 =	vor.u32 v2, v27;
	[tilespmem:s18+$0xFFFFFE90] =	vst v55  }
0x389: {  	v35 =	vmul.f32 v63, v11;
	v39 =	vadd.f32 v54, v39;
	v63 =	vor.u32 v2, v24;
	v42 =	vld.idx.msk [tilespmem:v51+s19+$0x0], $0xffff  }
0x38a: {  	v36 =	vadd.f32 v62, v36;
	v62 =	vld [tilespmem:s18+$0xFFFFFEA0]  }
0x38b: {  	v60 =	vor.u32 v2, v31;
	v52 =	vld [tilespmem:s18+$0x10];
	v51 =	vmul.f32 v39, v21;
	v59 =	vadd.f32 v56, v41  }
0x38c: {  	v53 =	vor.u32 v2, v30;
	[tilespmem:s18+$0xFFFFFE10] =	vst v35;
	v56 =	vld [tilespmem:s18+$0x110]  }
0x38d: {  	v41 =	vld.idx.msk [tilespmem:v48+s19+$0x0], $0xffff;
	[tilespmem:s18+$0x90] =	vst v51;
	v34 =	vmul.f32 v59, v23  }
0x38e: {  	v36 =	vmul.f32 v36, v13;
	v55 =	vld.idx.msk [tilespmem:v63+s19+$0x0], $0xffff  }
0x38f: {  	v32 =	vadd.f32 v50, v32;
	v59 =	vor.u32 v2, v25;
	[tilespmem:s18+$0x190] =	vst v34;
	v42 =	vadd.f32 v62, v42;
	v62 =	vld [tilespmem:s18+$0xA0]  }
0x390: {  	[tilespmem:s18+$0xFFFFFF10] =	vst v36;
	v34 =	vld.idx.msk [tilespmem:v60+s19+$0x0], $0xffff  }
0x391: {  	v61 =	vor.u32 v2, v26;
	v32 =	vmul.f32 v32, v19;
	v60 =	vadd.f32 v52, v38;
	v38 =	vld.idx.msk [tilespmem:v53+s19+$0x0], $0xffff  }
0x392: {  	v33 =	vadd.f32 v56, v33;
	v56 =	vld [tilespmem:s18+$0xFFFFFF20]  }
0x393: {  	[tilespmem:s18+$0xFFFFFF90] =	vst v32;
	v35 =	vadd.f32 v58, v41;
	v58 =	vld [tilespmem:s18+$0xFFFFFFA0];
	v48 =	vmul.f32 v60, v20  }
0x394: {  	v53 =	vld.idx.msk [tilespmem:v59+s19+$0x0], $0xffff  }
0x395: {  	v57 =	vor.u32 v3, v31;
	v60 =	vld [tilespmem:s18+$0x20];
	[tilespmem:s18+$0x10] =	vst v48;
	v34 =	vadd.f32 v49, v34  }
0x396: {  	v35 =	vmul.f32 v35, v11;
	v49 =	vor.u32 v2, v28;
	v54 =	vld.idx.msk [tilespmem:v61+s19+$0x0], $0xffff  }
0x397: {  	v63 =	vld [tilespmem:s18+$0x120];
	v47 =	vadd.f32 v56, v38;
	v34 =	vmul.f32 v34, v23  }
0x398: {  	v52 =	vld [tilespmem:s18+$0x1B0];
	v33 =	vmul.f32 v33, v22;
	[tilespmem:s18+$0xFFFFFE20] =	vst v35  }
0x399: {  	v51 =	vor.u32 v3, v25;
	v35 =	vmul.f32 v47, v13;
	v47 =	vld [tilespmem:s18+$0x1E0];
	[tilespmem:s18+$0x1A0] =	vst v34;
	v34 =	vadd.f32 v58, v53  }
0x39a: {  	[tilespmem:s18+$0x110] =	vst v33;
	v33 =	vadd.f32 v62, v55;
	v55 =	vor.u32 v3, v24;
	v50 =	vld.idx.msk [tilespmem:v57+s19+$0x0], $0xffff  }
0x39b: {  	v36 =	vld.idx.msk [tilespmem:v49+s19+$0x0], $0xffff;
	v32 =	vadd.f32 v60, v54;
	v34 =	vmul.f32 v34, v19  }
0x39c: {  	v59 =	vor.u32 v3, v29;
	v33 =	vmul.f32 v33, v21;
	v49 =	vld [tilespmem:s18+$0x1C0]  }
0x39d: {  	v61 =	vor.u32 v3, v27;
	v54 =	vld [tilespmem:s18+$0xFFFFFE30];
	v32 =	vmul.f32 v32, v20;
	[tilespmem:s18+$0xFFFFFFA0] =	vst v34  }
0x39e: {  	v42 =	vmul.f32 v42, v12;
	[tilespmem:s18+$0xA0] =	vst v33;
	v53 =	vor.u32 v3, v26;
	v60 =	vld.idx.msk [tilespmem:v51+s19+$0x0], $0xffff  }
0x39f: {  	[tilespmem:s18+$0x20] =	vst v32;
	v32 =	vld.idx.msk [tilespmem:v55+s19+$0x0], $0xffff  }
0x3a0: {  	[tilespmem:s18+$0xFFFFFEA0] =	vst v42;
	v57 =	vor.u32 v4, v31;
	v55 =	vld [tilespmem:s18+$0x130];
	v37 =	vadd.f32 v52, v50  }
0x3a1: {  	v50 =	vld.idx.msk [tilespmem:v59+s19+$0x0], $0xffff  }
0x3a2: {  	v52 =	vld.idx.msk [tilespmem:v61+s19+$0x0], $0xffff;
	v37 =	vmul.f32 v37, v23  }
0x3a3: {  	v48 =	vor.u32 v3, v30;
	v61 =	vld.idx.msk [tilespmem:v53+s19+$0x0], $0xffff  }
0x3a4: {  	v36 =	vadd.f32 v63, v36;
	v63 =	vld [tilespmem:s18+$0x1D0];
	[tilespmem:s18+$0x1B0] =	vst v37  }
0x3a5: {  	v39 =	vld.idx.msk [tilespmem:v57+s19+$0x0], $0xffff  }
0x3a6: {  	v57 =	vld [tilespmem:s18+$0xFFFFFEB0]  }
0x3a7: {  	v56 =	vor.u32 v3, v28;
	[tilespmem:s18+$0xFFFFFF20] =	vst v35;
	v53 =	vld [tilespmem:s18+$0x30];
	v59 =	vmul.f32 v36, v22  }
0x3a8: {  	v37 =	vld.idx.msk [tilespmem:v48+s19+$0x0], $0xffff  }
0x3a9: {  	[tilespmem:s18+$0x120] =	vst v59;
	v59 =	vld [tilespmem:s18+$0xFFFFFE40]  }
0x3aa: {  	v58 =	vor.u32 v5, v31;
	v39 =	vadd.f32 v49, v39;
	v49 =	vld [tilespmem:s18+$0xFFFFFF30]  }
0x3ab: {  	v34 =	vadd.f32 v57, v50;
	v50 =	vadd.f32 v54, v52;
	v52 =	vld [tilespmem:s18+$0xFFFFFFB0]  }
0x3ac: {  	v35 =	vld.idx.msk [tilespmem:v56+s19+$0x0], $0xffff;
	v39 =	vmul.f32 v39, v23  }
0x3ad: {  	v48 =	vor.u32 v4, v29;
	v33 =	vadd.f32 v53, v61;
	v61 =	vld [tilespmem:s18+$0xFFFFFEC0]  }
0x3ae: {  	v51 =	vor.u32 v4, v27;
	v53 =	vld [tilespmem:s18+$0xFFFFFF40];
	[tilespmem:s18+$0x1C0] =	vst v39  }
0x3af: {  	v57 =	vor.u32 v4, v30;
	v34 =	vmul.f32 v34, v12;
	v62 =	vld.idx.msk [tilespmem:v58+s19+$0x0], $0xffff;
	v37 =	vadd.f32 v49, v37  }
0x3b0: {  	v54 =	vld [tilespmem:s18+$0xB0];
	v42 =	vmul.f32 v50, v11;
	v36 =	vadd.f32 v52, v60;
	v58 =	vor.u32 v4, v25  }
0x3b1: {  	[tilespmem:s18+$0xFFFFFEB0] =	vst v34;
	v34 =	vadd.f32 v55, v35;
	v55 =	vld [tilespmem:s18+$0xFFFFFFC0];
	v60 =	vor.u32 v4, v26;
	v37 =	vmul.f32 v37, v13  }
0x3b2: {  	[tilespmem:s18+$0xFFFFFE30] =	vst v42;
	v40 =	vld.idx.msk [tilespmem:v48+s19+$0x0], $0xffff;
	v36 =	vmul.f32 v36, v19  }
0x3b3: {  	v33 =	vmul.f32 v33, v20;
	v42 =	vld.idx.msk [tilespmem:v51+s19+$0x0], $0xffff;
	[tilespmem:s18+$0xFFFFFF30] =	vst v37  }
0x3b4: {  	v56 =	vor.u32 v6, v31;
	[tilespmem:s18+$0xFFFFFFB0] =	vst v36;
	v38 =	vadd.f32 v63, v62;
	v48 =	vld.idx.msk [tilespmem:v57+s19+$0x0], $0xffff  }
0x3b5: {  	[tilespmem:s18+$0x30] =	vst v33;
	v32 =	vadd.f32 v54, v32;
	v62 =	vor.u32 v4, v24;
	v50 =	vld.idx.msk [tilespmem:v58+s19+$0x0], $0xffff  }
0x3b6: {  	v63 =	vor.u32 v4, v28;
	v51 =	vld.idx.msk [tilespmem:v60+s19+$0x0], $0xffff;
	v38 =	vmul.f32 v38, v23  }
0x3b7: {  	v32 =	vmul.f32 v32, v21;
	v57 =	vld [tilespmem:s18+$0x40]  }
0x3b8: {  	v49 =	vmul.f32 v34, v22;
	v54 =	vadd.f32 v59, v42;
	v58 =	vor.u32 v5, v27;
	v59 =	vld [tilespmem:s18+$0xC0];
	[tilespmem:s18+$0x1D0] =	vst v38  }
0x3b9: {  	[tilespmem:s18+$0xB0] =	vst v32;
	v39 =	vld.idx.msk [tilespmem:v56+s19+$0x0], $0xffff  }
0x3ba: {  	[tilespmem:s18+$0x130] =	vst v49;
	v41 =	vmul.f32 v54, v11;
	v52 =	vld.idx.msk [tilespmem:v62+s19+$0x0], $0xffff  }
0x3bb: {  	v35 =	vld.idx.msk [tilespmem:v63+s19+$0x0], $0xffff  }
0x3bc: {  	v38 =	vadd.f32 v61, v40;
	[tilespmem:s18+$0xFFFFFE40] =	vst v41;
	v63 =	vld [tilespmem:s18+$0x140]  }
0x3bd: {  	v61 =	vor.u32 v5, v30;
	v56 =	vor.u32 v5, v29;
	v49 =	vld.idx.msk [tilespmem:v58+s19+$0x0], $0xffff  }
0x3be: {  	v36 =	vadd.f32 v53, v48;
	v34 =	vadd.f32 v55, v50;
	v50 =	vld [tilespmem:s18+$0xFFFFFE50];
	v60 =	vmul.f32 v38, v12  }
0x3bf: {  	v62 =	vor.u32 v5, v25;
	v55 =	vld [tilespmem:s18+$0xFFFFFED0]  }
0x3c0: {  	v32 =	vadd.f32 v57, v51;
	v48 =	vor.u32 v5, v26;
	v36 =	vmul.f32 v36, v13;
	[tilespmem:s18+$0xFFFFFEC0] =	vst v60;
	v60 =	vld [tilespmem:s18+$0x50]  }
0x3c1: {  	v34 =	vmul.f32 v34, v19;
	v37 =	vadd.f32 v47, v39;
	v39 =	vld [tilespmem:s18+$0x1F0]  }
0x3c2: {  	v32 =	vmul.f32 v32, v20;
	[tilespmem:s18+$0xFFFFFF40] =	vst v36;
	v40 =	vld.idx.msk [tilespmem:v56+s19+$0x0], $0xffff  }
0x3c3: {  	[tilespmem:s18+$0xFFFFFFC0] =	vst v34;
	v38 =	vld.idx.msk [tilespmem:v61+s19+$0x0], $0xffff  }
0x3c4: {  	[tilespmem:s18+$0x40] =	vst v32;
	v34 =	vld.idx.msk [tilespmem:v62+s19+$0x0], $0xffff  }
0x3c5: {  	v54 =	vld.idx.msk [tilespmem:v48+s19+$0x0], $0xffff  }
0x3c6: {  	v31 =	vor.u32 v7, v31;
	v56 =	vld [tilespmem:s18+$0xFFFFFF50]  }
0x3c7: {  	v51 =	vor.u32 v5, v24;
	v33 =	vadd.f32 v59, v52;
	v59 =	vld [tilespmem:s18+$0xFFFFFFD0]  }
0x3c8: {  	v53 =	vor.u32 v5, v28;
	v52 =	vadd.f32 v63, v35;
	v62 =	vld [tilespmem:s18+$0xD0];
	v37 =	vmul.f32 v37, v23  }
0x3c9: {  	v48 =	vld [tilespmem:s18+$0x150];
	v33 =	vmul.f32 v33, v21  }
0x3ca: {  	v57 =	vadd.f32 v50, v49;
	v49 =	vld [tilespmem:s18+$0xFFFFFE60];
	v32 =	vmul.f32 v52, v22;
	[tilespmem:s18+$0x1E0] =	vst v37  }
0x3cb: {  	[tilespmem:s18+$0xC0] =	vst v33;
	v31 =	vld.idx.msk [tilespmem:v31+s19+$0x0], $0xffff  }
0x3cc: {  	v58 =	vor.u32 v6, v27;
	[tilespmem:s18+$0x140] =	vst v32;
	v36 =	vld.idx.msk [tilespmem:v51+s19+$0x0], $0xffff  }
0x3cd: {  	v61 =	vor.u32 v6, v29;
	v35 =	vld.idx.msk [tilespmem:v53+s19+$0x0], $0xffff;
	v40 =	vadd.f32 v55, v40  }
0x3ce: {  	v63 =	vor.u32 v6, v30;
	v32 =	vmul.f32 v57, v11;
	v33 =	vadd.f32 v56, v38;
	v51 =	vld [tilespmem:s18+$0xFFFFFEE0]  }
0x3cf: {  	v50 =	vor.u32 v6, v25;
	v34 =	vadd.f32 v59, v34;
	v55 =	vld [tilespmem:s18+$0xFFFFFF60];
	v40 =	vmul.f32 v40, v12  }
0x3d0: {  	v52 =	vor.u32 v6, v26;
	v37 =	vadd.f32 v60, v54;
	v59 =	vld [tilespmem:s18+$0xFFFFFFE0];
	[tilespmem:s18+$0xFFFFFE50] =	vst v32;
	v33 =	vmul.f32 v33, v13  }
0x3d1: {  	v42 =	vld.idx.msk [tilespmem:v58+s19+$0x0], $0xffff;
	v34 =	vmul.f32 v34, v19;
	[tilespmem:s18+$0xFFFFFED0] =	vst v40  }
0x3d2: {  	v37 =	vmul.f32 v37, v20;
	[tilespmem:s18+$0xFFFFFF50] =	vst v33;
	v41 =	vld.idx.msk [tilespmem:v61+s19+$0x0], $0xffff  }
0x3d3: {  	[tilespmem:s18+$0xFFFFFFD0] =	vst v34;
	v32 =	vld.idx.msk [tilespmem:v63+s19+$0x0], $0xffff  }
0x3d4: {  	[tilespmem:s18+$0x50] =	vst v37;
	v56 =	vld.idx.msk [tilespmem:v50+s19+$0x0], $0xffff  }
0x3d5: {  	v53 =	vor.u32 v6, v24;
	v36 =	vadd.f32 v62, v36;
	v33 =	vld.idx.msk [tilespmem:v52+s19+$0x0], $0xffff  }
0x3d6: {  	v54 =	vor.u32 v6, v28;
	v35 =	vadd.f32 v48, v35;
	v61 =	vld [tilespmem:s18+$0x60]  }
0x3d7: {  	v62 =	vld [tilespmem:s18+$0xE0];
	v36 =	vmul.f32 v36, v21  }
0x3d8: {  	[tilespmem:s17+$0xFFFFFFF0] =	vst v14;
	v63 =	vld [tilespmem:s18+$0x160];
	v35 =	vmul.f32 v35, v22  }
0x3d9: {  	v10 =	vmul.f32 v17, v10;
	v48 =	vld [tilespmem:s18+$0xFFFFFFF0];
	v60 =	vadd.f32 v49, v42;
	[tilespmem:s18+$0xD0] =	vst v36  }
0x3da: {  	v27 =	vor.u32 v7, v27;
	[tilespmem:s18+$0x150] =	vst v35;
	v57 =	vld.idx.msk [tilespmem:v53+s19+$0x0], $0xffff;
	v58 =	vadd.f32 v51, v41  }
0x3db: {  	v29 =	vor.u32 v7, v29;
	v40 =	vmul.f32 v60, v11;
	v38 =	vld.idx.msk [tilespmem:v54+s19+$0x0], $0xffff;
	v32 =	vadd.f32 v55, v32  }
0x3dc: {  	[tilespmem:s17+$0x70] =	vst v10;
	v30 =	vor.u32 v7, v30;
	v50 =	vld [tilespmem:s18+$0x70];
	v36 =	vmul.f32 v58, v12  }
0x3dd: {  	v25 =	vor.u32 v7, v25;
	v52 =	vld [tilespmem:s18+$0xF0];
	[tilespmem:s18+$0xFFFFFE60] =	vst v40;
	v40 =	vadd.f32 v59, v56;
	v32 =	vmul.f32 v32, v13  }
0x3de: {  	v26 =	vor.u32 v7, v26;
	v24 =	vor.u32 v7, v24;
	v33 =	vadd.f32 v61, v33;
	v55 =	vld [tilespmem:s18+$0x170];
	[tilespmem:s18+$0xFFFFFEE0] =	vst v36  }
0x3df: {  	v27 =	vld.idx.msk [tilespmem:v27+s19+$0x0], $0xffff;
	[tilespmem:s18+$0xFFFFFF60] =	vst v32;
	v32 =	vmul.f32 v40, v19;
	v35 =	vadd.f32 v62, v57  }
0x3e0: {  	v28 =	vor.u32 v7, v28;
	v33 =	vmul.f32 v33, v20;
	v29 =	vld.idx.msk [tilespmem:v29+s19+$0x0], $0xffff;
	v36 =	vadd.f32 v63, v38  }
0x3e1: {  	v30 =	vld.idx.msk [tilespmem:v30+s19+$0x0], $0xffff;
	[tilespmem:s18+$0xFFFFFFE0] =	vst v32;
	v46 =	vmul.f32 v35, v21  }
0x3e2: {  	v15 =	vadd.f32 v16, v15;
	[tilespmem:s18+$0x60] =	vst v33;
	v25 =	vld.idx.msk [tilespmem:v25+s19+$0x0], $0xffff;
	v47 =	vmul.f32 v36, v22  }
0x3e3: {  	v9 =	vmul.f32 v18, v9;
	v49 =	vadd.f32 v39, v31;
	v26 =	vld.idx.msk [tilespmem:v26+s19+$0x0], $0xffff;
	[tilespmem:s18+$0xE0] =	vst v46  }
0x3e4: {  	v8 =	vmul.f32 v15, v8;
	v51 =	vadd.f32 v43, v27;
	[tilespmem:s18+$0x160] =	vst v47;
	v24 =	vld.idx.msk [tilespmem:v24+s19+$0x0], $0xffff  }
0x3e5: {  	[tilespmem:s17+$0xF0] =	vst v9;
	v53 =	vmul.f32 v49, v23;
	v28 =	vld.idx.msk [tilespmem:v28+s19+$0x0], $0xffff;
	v54 =	vadd.f32 v44, v29  }
0x3e6: {  	[tilespmem:s17+$0x170] =	vst v8;
	v8 =	vmul.f32 v51, v11;
	v56 =	vadd.f32 v45, v30  }
0x3e7: {  	[tilespmem:s18+$0x1F0] =	vst v53;
	v57 =	vmul.f32 v54, v12;
	v58 =	vadd.f32 v48, v25  }
0x3e8: {  	v59 =	vadd.f32 v50, v26;
	[tilespmem:s18+$0xFFFFFE70] =	vst v8;
	v8 =	vmul.f32 v56, v13  }
0x3e9: {  	[tilespmem:s18+$0xFFFFFEF0] =	vst v57;
	v60 =	vmul.f32 v58, v19;
	v61 =	vadd.f32 v52, v24  }
0x3ea: {  	[tilespmem:s18+$0xFFFFFF70] =	vst v8;
	v8 =	vmul.f32 v59, v20;
	v62 =	vadd.f32 v55, v28  }
0x3eb: {  	[tilespmem:s18+$0xFFFFFFF0] =	vst v60;
	v63 =	vmul.f32 v61, v21  }
0x3ec: {  	[tilespmem:s18+$0x70] =	vst v8;
	v8 =	vmul.f32 v62, v22  }
0x3ed: {  	[tilespmem:s18+$0xF0] =	vst v63  }
0x3ee: {  	[tilespmem:s18+$0x170] =	vst v8  }
0x3ef: {  	[spmem:s5] =	stream.indirect.scatter.add.f32 [tilespmem:s28], [sflag:$0x5], $0x1, s12, s30, $0xb8;
	[tilespmem:$0x1E780] =	vst v63  }
0x3f0: {  	_ =	swait.ge [sflag:s20], $0x80  }
0x3f1: {  	p0 =	sgt.u32 s16, $0x983;
	[sflag:s20] =	ssyncset.done $0x0  }
0x3f2: {  	s15 =	sadd.s32 @!p0 $0x60, s15;
	[sflag:s20] =	ssyncadd.s32 $0xFFFFFF80  }
0x3f3: {  	[spmem:s4] =	stream.indirect.scatter.add.f32 [tilespmem:s3], [sflag:$0x5], $0x80, s12, s30, $0xb8;
	[tilespmem:$0x1E780] =	vst v63  }
0x3f4: {  	s16 =	sshll.u32 @!p0 s15, $0x6;
	s15 =	sshll.u32 @!p0 s15, $0x4;
	_ =	swait.ge [sflag:s20], $0x4000  }
.Ltmp12:
0x3f5: {  	s16 =	sadd.s32 @!p0 s7, s16;
	[sflag:s20] =	ssyncset.done $0x0;
	(pc) =	sbr.rel .LBB2_14-.Ltmp12, $4  }
0x3f6: {  	s17 =	simm.s32 @!p0 $0x0;
	s18 =	simm.s32 @!p0 $0x1C480;
	[sflag:s20] =	ssyncadd.s32 $0xFFFFC000  }
0x3f7: {  	[tilespmem:s18], [sflag:$0x4] =	stream.linear.gather @!p0 [hbm4b:s16+s17], $0x180, $0x38;
	[tilespmem:$0x1E780] =	vst v63  }
0x3f8: {  	s15 =	sadd.s32 @!p0 s8, s15;
	s16 =	simm.s32 @!p0 $0x1C700  }
0x3f9: {  	[tilespmem:s16], [sflag:$0x4] =	stream.linear.gather @!p0 [hbm4b:s15+s17], $0x80, $0x38;
	[tilespmem:$0x1E780] =	vst v63  }
.LBB2_16:
0x3fa: {  	_ =	sfence.sel $0x180000  }
0x3fb: {  	[bflag:$0x0] =	sbarrier.arrive $0xFFFF  }
0x3fc: {  	_ =	strace $0x90000047  }
0x3fd: {  	s0 =	stileid.u32;
	[bflag:$0x2] =	sbarrier.arrive $0xFFFF  }
0x3fe: {  	p0 =	sne.s32 s0, $0x0;
	s0 =	rddreg [dreg:$0x5]  }
0x3ff: {  	s0 =	sadd.s32 @!p0 $0x100000, s0  }
0x400: {  	[sflag:s0] =	ssyncadd.tile.s32 @!p0 $0x1;
	_ =	shalt  }
.Lfunc_end2:
_tile_overlayer_lowered:
.L_overlay_start_2:
0x401: {  	(tag) =	ssettag $0x2  }
0x402: {  	s0 =	rddreg [dreg:$0x0];
	s2 =	stileid.u32  }
0x403: {  	s1 =	rddreg [dreg:$0x1];
	p0 =	sne.s32 s2, $0x0  }
0x404: {  	s3 =	rddreg [dreg:$0x2];
	[bflag:$0x3] =	sbarrier.arrive $0xFFFF;
	s2 =	simm.s32 @!p0 $0x1C05  }
0x405: {  	[timem:s3], [sflag:s2] =	dma.local @!p0 [hbm:s0], s1  }
0x406: {  	s0 =	simm.s32 @!p0 $0x5  }
0x407: {  	_ =	swait.ge @!p0 [sflag:s0], s1  }
0x408: {  	s1 =	ssub.s32 @!p0 $0x0, s1;
	[sflag:s0] =	ssyncset.done @!p0 $0x0  }
0x409: {  	[sflag:s0] =	ssyncadd.s32 @!p0 s1  }
0x40a: {  	[bflag:$0x3] =	sbarrier.arrive $0xFFFF  }
0x40b: {  	_ =	shalt  }

</sc_bundles>
